<compile_context>
chip_gen: v7x
topology: tpu7x:2x2x1
jax: 0.10.2.dev20260603
libtpu: 0.0.44.dev20260713+nightly
codegen_flags: <defaults>
</compile_context>

<pallas_src>
import jax
import jax.numpy as jnp
from jax.experimental import pallas as pl
from jax.experimental.pallas import tpu as pltpu

SCALE = 0.08838834764831845
NUM_HEADS = 16
HEAD_SIZE = 128
NUM_PROMPTS = 2
PROMPT_LEN = 2048
NUM_GEN = 16
BLOCK_SIZE = 16
X = 8
NUM_BLOCKS = 512
MAX_CTX = 1024
NEG_INF = -1e30

QBLK = 512
KBLK = 512



def _flash_body(q_ref, k_ref, v_ref, o_ref):
    qi = pl.program_id(2)
    q = q_ref[0, 0, :, :] * SCALE

    def body(kb, carry):
        m, l, acc = carry
        k = k_ref[0, 0, pl.ds(kb * KBLK, KBLK), :]
        v = v_ref[0, 0, pl.ds(kb * KBLK, KBLK), :]
        s = jax.lax.dot_general(q, k, (((1,), (1,)), ((), ())),
                                preferred_element_type=jnp.float32)
        qpos = qi * QBLK + jax.lax.broadcasted_iota(jnp.int32, (QBLK, KBLK), 0)
        kpos = kb * KBLK + jax.lax.broadcasted_iota(jnp.int32, (QBLK, KBLK), 1)
        s = jnp.where(qpos >= kpos, s, NEG_INF)
        m_new = jnp.maximum(m, jnp.max(s, axis=1, keepdims=True))
        p = jnp.exp(s - m_new)
        alpha = jnp.exp(m - m_new)
        l_new = l * alpha + jnp.sum(p, axis=1, keepdims=True)
        acc_new = acc * alpha + jax.lax.dot_general(
            p, v, (((1,), (0,)), ((), ())), preferred_element_type=jnp.float32)
        return m_new, l_new, acc_new

    m0 = jnp.full((QBLK, 1), NEG_INF, jnp.float32)
    l0 = jnp.zeros((QBLK, 1), jnp.float32)
    a0 = jnp.zeros((QBLK, HEAD_SIZE), jnp.float32)
    m, l, acc = jax.lax.fori_loop(0, qi + 1, body, (m0, l0, a0))
    o_ref[0, 0, :, :] = acc / l


def _prompt_attention(qp, kp, vp):
    grid = (NUM_PROMPTS, NUM_HEADS, PROMPT_LEN // QBLK)
    return pl.pallas_call(
        _flash_body,
        grid=grid,
        in_specs=[
            pl.BlockSpec((1, 1, QBLK, HEAD_SIZE), lambda p, h, q: (p, h, q, 0)),
            pl.BlockSpec((1, 1, PROMPT_LEN, HEAD_SIZE), lambda p, h, q: (p, h, 0, 0)),
            pl.BlockSpec((1, 1, PROMPT_LEN, HEAD_SIZE), lambda p, h, q: (p, h, 0, 0)),
        ],
        out_specs=pl.BlockSpec((1, 1, QBLK, HEAD_SIZE), lambda p, h, q: (p, h, q, 0)),
        out_shape=jax.ShapeDtypeStruct(
            (NUM_PROMPTS, NUM_HEADS, PROMPT_LEN, HEAD_SIZE), jnp.float32),
        compiler_params=pltpu.CompilerParams(
            dimension_semantics=("parallel", "parallel", "arbitrary")),
    )(qp, kp, vp)



def _patch_body(tok_ref, pm_ref, *refs):
    kr_refs = refs[:BLOCK_SIZE]
    vr_refs = refs[BLOCK_SIZE:2 * BLOCK_SIZE]
    vc_in_ref = refs[2 * BLOCK_SIZE]
    kp_ref, vc2_ref = refs[2 * BLOCK_SIZE + 1:]
    b = pl.program_id(0)
    vc2_ref[...] = vc_in_ref[...]
    for off in range(BLOCK_SIZE):
        kp_ref[0, :, off, :] = kr_refs[off][0]

        @pl.when(pm_ref[b * BLOCK_SIZE + off] == 1)
        def _patch_v():
            vc2_ref[0, :, off, :] = vr_refs[off][0]


def _build_patches(k3, v3, value_cache, slot_mapping):
    tok_map = jnp.zeros((NUM_BLOCKS * BLOCK_SIZE,), jnp.int32)
    tok_map = tok_map.at[slot_mapping].set(
        jnp.arange(k3.shape[0], dtype=jnp.int32))
    pm = jnp.zeros((NUM_BLOCKS * BLOCK_SIZE,), jnp.int32)
    pm = pm.at[slot_mapping].set(1)

    def _row_map(off):
        return lambda b, t, m: (t[b * BLOCK_SIZE + off], 0, 0)

    grid_spec = pltpu.PrefetchScalarGridSpec(
        num_scalar_prefetch=2,
        grid=(NUM_BLOCKS,),
        in_specs=[
            pl.BlockSpec((1, NUM_HEADS, HEAD_SIZE), _row_map(off))
            for off in range(BLOCK_SIZE)
        ] + [
            pl.BlockSpec((1, NUM_HEADS, HEAD_SIZE), _row_map(off))
            for off in range(BLOCK_SIZE)
        ] + [
            pl.BlockSpec((1, NUM_HEADS, BLOCK_SIZE, HEAD_SIZE),
                         lambda b, t, m: (b, 0, 0, 0)),
        ],
        out_specs=[
            pl.BlockSpec((1, NUM_HEADS, BLOCK_SIZE, HEAD_SIZE),
                         lambda b, t, m: (b, 0, 0, 0)),
            pl.BlockSpec((1, NUM_HEADS, BLOCK_SIZE, HEAD_SIZE),
                         lambda b, t, m: (b, 0, 0, 0)),
        ],
    )
    return pl.pallas_call(
        _patch_body,
        grid_spec=grid_spec,
        out_shape=[
            jax.ShapeDtypeStruct(
                (NUM_BLOCKS, NUM_HEADS, BLOCK_SIZE, HEAD_SIZE), jnp.float32),
            jax.ShapeDtypeStruct(
                (NUM_BLOCKS, NUM_HEADS, BLOCK_SIZE, HEAD_SIZE), jnp.float32),
        ],
        compiler_params=pltpu.CompilerParams(
            dimension_semantics=("arbitrary",)),
    )(tok_map, pm, *([k3] * BLOCK_SIZE), *([v3] * BLOCK_SIZE), value_cache)



GEN_BLOCKS_PER_STEP = 8


def _gen_body(bt_ref, ctx_ref, *refs):
    nb = GEN_BLOCKS_PER_STEP
    q_ref = refs[0]
    kc_refs = refs[1:1 + nb]
    vc_refs = refs[1 + nb:1 + 2 * nb]
    kp_refs = refs[1 + 2 * nb:1 + 3 * nb]
    pm_refs = refs[1 + 3 * nb:1 + 4 * nb]
    o_ref = refs[1 + 4 * nb]
    m_ref, l_ref, acc_ref = refs[2 + 4 * nb:]
    g = pl.program_id(0)
    j = pl.program_id(1)
    ctx = ctx_ref[g]

    @pl.when(j == 0)
    def _init():
        m_ref[...] = jnp.full_like(m_ref, NEG_INF)
        l_ref[...] = jnp.zeros_like(l_ref)
        acc_ref[...] = jnp.zeros_like(acc_ref)

    @pl.when(j * nb * BLOCK_SIZE < ctx)
    def _compute():
        q = q_ref[0] * SCALE
        qtile = jnp.broadcast_to(
            q.reshape(NUM_HEADS, HEAD_SIZE // X, 1, X),
            (NUM_HEADS, HEAD_SIZE // X, BLOCK_SIZE, X),
        ).reshape(NUM_HEADS, HEAD_SIZE // X, BLOCK_SIZE * X)
        hh = jax.lax.broadcasted_iota(
            jnp.int32, (NUM_HEADS, BLOCK_SIZE, NUM_HEADS), 0)
        hh2 = jax.lax.broadcasted_iota(
            jnp.int32, (NUM_HEADS, BLOCK_SIZE, NUM_HEADS), 2)
        eye3 = (hh == hh2).astype(jnp.float32)
        m = m_ref[:, 0:1]
        l = l_ref[:, 0:1]
        acc = acc_ref[...]
        for s in range(nb):
            kv = kc_refs[s][0]
            part = (kv * qtile).sum(axis=1)
            logits_old = part.reshape(NUM_HEADS, BLOCK_SIZE, X).sum(axis=2)
            kpmat = kp_refs[s][0].reshape(NUM_HEADS * BLOCK_SIZE, HEAD_SIZE)
            mm = jax.lax.dot_general(kpmat, q, (((1,), (1,)), ((), ())),
                                     preferred_element_type=jnp.float32)
            mm3 = mm.reshape(NUM_HEADS, BLOCK_SIZE, NUM_HEADS)
            logits_new = (mm3 * eye3).sum(axis=2)
            pmf = pm_refs[s][0]
            logits = logits_old + pmf * (logits_new - logits_old)
            tpos = (j * nb + s) * BLOCK_SIZE + jax.lax.broadcasted_iota(
                jnp.int32, (NUM_HEADS, BLOCK_SIZE), 1)
            logits = jnp.where(tpos < ctx, logits, NEG_INF)
            m_new = jnp.maximum(m, jnp.max(logits, axis=1, keepdims=True))
            p = jnp.exp(logits - m_new)
            alpha = jnp.exp(m - m_new)
            l = l * alpha + jnp.sum(p, axis=1, keepdims=True)
            pv = (vc_refs[s][0] * p[:, :, None]).sum(axis=1)
            acc = acc * alpha + pv
            m = m_new
        acc_ref[...] = acc
        m_ref[...] = jnp.broadcast_to(m, m_ref.shape)
        l_ref[...] = jnp.broadcast_to(l, l_ref.shape)

    @pl.when(j == (MAX_CTX // (BLOCK_SIZE * nb)) - 1)
    def _finish():
        o_ref[0] = acc_ref[...] / l_ref[:, 0:1]


def _gen_attention(qg, key_cache, value_cache, kpatch, pmask,
                   block_tables, context_lens):
    nb = GEN_BLOCKS_PER_STEP
    nj = MAX_CTX // (BLOCK_SIZE * nb)

    def _map4(s):
        return lambda g, j, bt, cl: (bt[g, j * nb + s], 0, 0, 0)

    def _map3(s):
        return lambda g, j, bt, cl: (bt[g, j * nb + s], 0, 0)

    grid_spec = pltpu.PrefetchScalarGridSpec(
        num_scalar_prefetch=2,
        grid=(NUM_GEN, nj),
        in_specs=[
            pl.BlockSpec((1, NUM_HEADS, HEAD_SIZE),
                         lambda g, j, bt, cl: (g, 0, 0)),
        ] + [
            pl.BlockSpec((1, NUM_HEADS, HEAD_SIZE // X, BLOCK_SIZE * X),
                         _map4(s)) for s in range(nb)
        ] + [
            pl.BlockSpec((1, NUM_HEADS, BLOCK_SIZE, HEAD_SIZE),
                         _map4(s)) for s in range(nb)
        ] + [
            pl.BlockSpec((1, NUM_HEADS, BLOCK_SIZE, HEAD_SIZE),
                         _map4(s)) for s in range(nb)
        ] + [
            pl.BlockSpec((1, NUM_HEADS, BLOCK_SIZE), _map3(s)) for s in range(nb)
        ],
        out_specs=pl.BlockSpec((1, NUM_HEADS, HEAD_SIZE),
                               lambda g, j, bt, cl: (g, 0, 0)),
        scratch_shapes=[
            pltpu.VMEM((NUM_HEADS, HEAD_SIZE), jnp.float32),
            pltpu.VMEM((NUM_HEADS, HEAD_SIZE), jnp.float32),
            pltpu.VMEM((NUM_HEADS, HEAD_SIZE), jnp.float32),
        ],
    )
    return pl.pallas_call(
        _gen_body,
        grid_spec=grid_spec,
        out_shape=jax.ShapeDtypeStruct((NUM_GEN, NUM_HEADS, HEAD_SIZE),
                                       jnp.float32),
        compiler_params=pltpu.CompilerParams(
            dimension_semantics=("arbitrary", "arbitrary")),
    )(block_tables.astype(jnp.int32), context_lens, qg,
      *([key_cache.reshape(NUM_BLOCKS, NUM_HEADS, HEAD_SIZE // X,
                           BLOCK_SIZE * X)] * nb),
      *([value_cache] * nb),
      *([kpatch] * nb),
      *([pmask] * nb))



@jax.jit
def kernel(query, key, value, key_cache, value_cache, slot_mapping,
           block_tables, context_lens):
    n_tok = query.shape[0]
    start = NUM_PROMPTS * PROMPT_LEN
    q = query.reshape(n_tok, NUM_HEADS, HEAD_SIZE)
    k = key.reshape(n_tok, NUM_HEADS, HEAD_SIZE)
    v = value.reshape(n_tok, NUM_HEADS, HEAD_SIZE)

    qp = q[:start].reshape(NUM_PROMPTS, PROMPT_LEN, NUM_HEADS, HEAD_SIZE)
    kp = k[:start].reshape(NUM_PROMPTS, PROMPT_LEN, NUM_HEADS, HEAD_SIZE)
    vp = v[:start].reshape(NUM_PROMPTS, PROMPT_LEN, NUM_HEADS, HEAD_SIZE)
    qp = qp.transpose(0, 2, 1, 3)
    kp = kp.transpose(0, 2, 1, 3)
    vp = vp.transpose(0, 2, 1, 3)
    out_p = _prompt_attention(qp, kp, vp)
    out_p = out_p.transpose(0, 2, 1, 3).reshape(start, NUM_HEADS * HEAD_SIZE)

    kpatch, vc2 = _build_patches(k, v, value_cache, slot_mapping)
    pmask = jnp.zeros((NUM_BLOCKS * BLOCK_SIZE,), jnp.float32)
    pmask = pmask.at[slot_mapping].set(1.0)
    pmask = jnp.broadcast_to(
        pmask.reshape(NUM_BLOCKS, 1, BLOCK_SIZE),
        (NUM_BLOCKS, NUM_HEADS, BLOCK_SIZE))

    out_g = _gen_attention(q[start:], key_cache, vc2,
                           kpatch, pmask, block_tables, context_lens)
    out_g = out_g.reshape(NUM_GEN, NUM_HEADS * HEAD_SIZE)

    return jnp.concatenate([out_p, out_g], axis=0)

# --- scband reference (transcript-rebuilt; emitter-appended) ---
"""Pipeline reference for scband-optcache-flow-attention-7206955123090 (READ-ONLY COPY).

The authoritative reference and input builder live on the scoring server;
editing this copy changes nothing except your own understanding.
"""

import jax, jax.numpy as jnp
import numpy as np

SCALE = 0.08838834764831845
NUM_HEADS = 16
HEAD_SIZE = 128
NUM_PROMPTS = 2
PROMPT_LEN = 2048
NUM_GEN = 16
BLOCK_SIZE = 16
X = 8
NUM_BLOCKS = 512
MAX_CTX = 1024


def setup_inputs(seed: int = 0) -> dict:
    key = jax.random.key(seed)
    ks = jax.random.split(key, 8)
    n_tok = NUM_PROMPTS * PROMPT_LEN + NUM_GEN
    d = NUM_HEADS * HEAD_SIZE
    query = jax.random.normal(ks[0], (n_tok, d), dtype=jnp.float32)
    key_t = jax.random.normal(ks[1], (n_tok, d), dtype=jnp.float32)
    value = jax.random.normal(ks[2], (n_tok, d), dtype=jnp.float32)
    key_cache = jax.random.normal(ks[3], (NUM_BLOCKS, NUM_HEADS, HEAD_SIZE // X, BLOCK_SIZE, X), dtype=jnp.float32)
    value_cache = jax.random.normal(ks[4], (NUM_BLOCKS, NUM_HEADS, BLOCK_SIZE, HEAD_SIZE), dtype=jnp.float32)
    # unique slots to make scatter-overwrite deterministic (as in vLLM, each token owns a slot)
    slot_mapping = jnp.asarray(np.random.RandomState(0).permutation(NUM_BLOCKS * BLOCK_SIZE)[:n_tok].astype(np.int32))
    block_tables = jax.random.randint(ks[5], (NUM_GEN, MAX_CTX // BLOCK_SIZE), 0, NUM_BLOCKS)
    context_lens = jax.random.randint(ks[6], (NUM_GEN,), 1, MAX_CTX + 1).astype(jnp.int32)
    return {"query": query, "key": key_t, "value": value, "key_cache": key_cache, "value_cache": value_cache, "slot_mapping": slot_mapping, "block_tables": block_tables, "context_lens": context_lens}


def _forward(query, key, value, key_cache, value_cache, slot_mapping, block_tables, context_lens):
    n_tok = query.shape[0]
    q = query.reshape(n_tok, NUM_HEADS, HEAD_SIZE)
    k = key.reshape(n_tok, NUM_HEADS, HEAD_SIZE)
    v = value.reshape(n_tok, NUM_HEADS, HEAD_SIZE)
    start = NUM_PROMPTS * PROMPT_LEN
    # ---- multi_query_kv_attention over prompts (equal prompt lens -> batched) ----
    qp = q[:start].reshape(NUM_PROMPTS, PROMPT_LEN, NUM_HEADS, HEAD_SIZE) * SCALE
    kp = k[:start].reshape(NUM_PROMPTS, PROMPT_LEN, NUM_HEADS, HEAD_SIZE)
    vp = v[:start].reshape(NUM_PROMPTS, PROMPT_LEN, NUM_HEADS, HEAD_SIZE)
    attn = jnp.einsum('bqhd,bkhd->bhqk', qp, kp)
    causal_mask = jnp.triu(jnp.ones((PROMPT_LEN, PROMPT_LEN), dtype=jnp.float32), k=1) * -100000.0
    attn = attn + causal_mask[None, None, :, :]
    attn = jax.nn.softmax(attn, axis=-1)
    out_p = jnp.einsum('bhqk,bkhd->bqhd', attn, vp).reshape(start, NUM_HEADS, HEAD_SIZE)
    # ---- ops.reshape_and_cache: scatter-overwrite new k/v into paged caches ----
    blocks = slot_mapping // BLOCK_SIZE
    offs = slot_mapping % BLOCK_SIZE
    k_r = k.reshape(n_tok, NUM_HEADS, HEAD_SIZE // X, X)
    key_cache = key_cache.at[blocks, :, :, offs, :].set(k_r)
    value_cache = value_cache.at[blocks, :, offs, :].set(v)
    # ---- single_query_cached_kv_attention (vectorized paged gather) ----
    qg = q[start:] * SCALE
    t = jnp.arange(MAX_CTX)
    blk = block_tables[:, t // BLOCK_SIZE]  # [G, T]
    off = jnp.broadcast_to(t % BLOCK_SIZE, blk.shape)  # [G, T]
    keys = key_cache[blk, :, :, off, :]  # [G, T, H, HS//X, X]
    keys = keys.reshape(NUM_GEN, MAX_CTX, NUM_HEADS, HEAD_SIZE)
    vals = value_cache[blk, :, off, :]  # [G, T, H, HS]
    logits = jnp.einsum('ghd,gthd->ght', qg, keys)
    len_mask = jnp.where(t[None, None, :] < context_lens[:, None, None], 0.0, -100000.0)
    probs = jax.nn.softmax(logits + len_mask, axis=-1)
    out_g = jnp.einsum('ght,gthd->ghd', probs, vals)
    out = jnp.concatenate([out_p, out_g], axis=0)
    return out.reshape(n_tok, NUM_HEADS * HEAD_SIZE)


def reference(query, key, value, key_cache, value_cache, slot_mapping, block_tables, context_lens):
    return _forward(query, key, value, key_cache, value_cache, slot_mapping, block_tables, context_lens)

if __name__ == "__main__":
    import jax
    _d = setup_inputs()
    print(jax.jit(kernel)(*tuple(_d.values())))

</pallas_src>

<mosaic_0001>
module attributes {stable_mosaic.version = 14 : i64} {
  func.func @_flash_body(%arg0: i32, %arg1: i32, %arg2: i32, %arg3: memref<1x1x512x128xf32, #tpu.memory_space<vmem>>, %arg4: memref<1x1x2048x128xf32, #tpu.memory_space<vmem>>, %arg5: memref<1x1x2048x128xf32, #tpu.memory_space<vmem>>, %arg6: memref<1x1x512x128xf32, #tpu.memory_space<vmem>>) attributes {dimension_semantics = [#tpu.dimension_semantics<parallel>, #tpu.dimension_semantics<parallel>, #tpu.dimension_semantics<arbitrary>], iteration_bounds = array<i64: 2, 16, 4>, scalar_prefetch = 0 : i64, scratch_operands = 0 : i64, tpu.core_type = #tpu.core_type<tc>, window_params = [{transform_indices = @transform_0, window_bounds = array<i64: 1, 1, 512, 128>}, {transform_indices = @transform_1, window_bounds = array<i64: 1, 1, 2048, 128>}, {transform_indices = @transform_2, window_bounds = array<i64: 1, 1, 2048, 128>}, {transform_indices = @transform_3, window_bounds = array<i64: 1, 1, 512, 128>}]} {
    %get3A = arith.constant 0 : index
    %get3A_0 = arith.constant 0 : index
    %get3A_1 = arith.constant 0 : index
    %get3A_2 = arith.constant 0 : index
    %get3A_3 = vector.load %arg3[%get3A, %get3A_0, %get3A_1, %get3A_2] : memref<1x1x512x128xf32, #tpu.memory_space<vmem>>, vector<1x1x512x128xf32>
    %get3A_4 = vector.shape_cast %get3A_3 : vector<1x1x512x128xf32> to vector<512x128xf32>
    %mul3A = arith.constant 0.0883883461 : f32
    %mul3A_5 = vector.broadcast %mul3A : f32 to vector<512x128xf32>
    %mul3A_6 = arith.mulf %get3A_4, %mul3A_5 : vector<512x128xf32>
    %broadcast_in_dim3A = arith.constant -1.000000e+30 : f32
    %broadcast_in_dim3A_7 = vector.broadcast %broadcast_in_dim3A : f32 to vector<512x1xf32>
    %broadcast_in_dim3A_8 = arith.constant 0.000000e+00 : f32
    %broadcast_in_dim3A_9 = vector.broadcast %broadcast_in_dim3A_8 : f32 to vector<512x1xf32>
    %broadcast_in_dim3A_10 = arith.constant 0.000000e+00 : f32
    %broadcast_in_dim3A_11 = vector.broadcast %broadcast_in_dim3A_10 : f32 to vector<512x128xf32>
    %add3A = arith.constant 1 : i32
    %add3A_12 = arith.addi %arg2, %add3A : i32
    %while3A = arith.constant 0 : i32
    %while3A_13 = arith.subi %add3A_12, %while3A : i32
    %while3A_14 = arith.addi %while3A, %while3A_13 : i32
    %while3A_15 = arith.constant 1 : i32
    %while3A_16 = arith.divsi %while3A_13, %while3A_15 : i32
    %while3A_17 = arith.muli %while3A_16, %while3A_15 : i32
    %while3A_18 = arith.addi %while3A, %while3A_17 : i32
    %while3A_19 = arith.constant 1 : i32
    %while3A_20:3 = scf.for %while3A_30 = %while3A to %while3A_18 step %while3A_19 iter_args(%while3A_31 = %broadcast_in_dim3A_7, %while3A_32 = %broadcast_in_dim3A_9, %while3A_33 = %broadcast_in_dim3A_11) -> (vector<512x1xf32>, vector<512x1xf32>, vector<512x128xf32>)  : i32 {
      %mul3A_34 = arith.constant 512 : i32
      %mul3A_35 = arith.muli %while3A_30, %mul3A_34 : i32
      %get3A_36 = arith.constant 0 : index
      %get3A_37 = arith.constant 0 : index
      %get3A_38 = arith.index_cast %mul3A_35 : i32 to index
      %get3A_39 = arith.constant 0 : index
      %get3A_40 = vector.load %arg4[%get3A_36, %get3A_37, %get3A_38, %get3A_39] : memref<1x1x2048x128xf32, #tpu.memory_space<vmem>>, vector<1x1x512x128xf32>
      %get3A_41 = vector.shape_cast %get3A_40 : vector<1x1x512x128xf32> to vector<512x128xf32>
      %mul3A_42 = arith.constant 512 : i32
      %mul3A_43 = arith.muli %while3A_30, %mul3A_42 : i32
      %get3A_44 = arith.constant 0 : index
      %get3A_45 = arith.constant 0 : index
      %get3A_46 = arith.index_cast %mul3A_43 : i32 to index
      %get3A_47 = arith.constant 0 : index
      %get3A_48 = vector.load %arg5[%get3A_44, %get3A_45, %get3A_46, %get3A_47] : memref<1x1x2048x128xf32, #tpu.memory_space<vmem>>, vector<1x1x512x128xf32>
      %get3A_49 = vector.shape_cast %get3A_48 : vector<1x1x512x128xf32> to vector<512x128xf32>
      %dot_general3A = arith.constant dense<0.000000e+00> : vector<512x512xf32>
      %dot_general3A_50 = tpu.matmul %mul3A_6, %get3A_41, %dot_general3A {dimension_numbers = #tpu.dot_dimension_numbers<[1], [1], [0], [0], [0, 0, 1, 0], [], []>, transpose_lhs_hint = false} : vector<512x128xf32>, vector<512x128xf32>, vector<512x512xf32> -> vector<512x512xf32>
      %mul3A_51 = arith.constant 512 : i32
      %mul3A_52 = arith.muli %arg2, %mul3A_51 : i32
      %iota3A = tpu.iota {dimensions = array<i32: 0>} : vector<512x512xi32>
      %add3A_53 = vector.broadcast %mul3A_52 : i32 to vector<512x512xi32>
      %add3A_54 = arith.addi %add3A_53, %iota3A : vector<512x512xi32>
      %mul3A_55 = arith.constant 512 : i32
      %mul3A_56 = arith.muli %while3A_30, %mul3A_55 : i32
      %iota3A_57 = tpu.iota {dimensions = array<i32: 1>} : vector<512x512xi32>
      %add3A_58 = vector.broadcast %mul3A_56 : i32 to vector<512x512xi32>
      %add3A_59 = arith.addi %add3A_58, %iota3A_57 : vector<512x512xi32>
      %ge3A = arith.cmpi sge, %add3A_54, %add3A_59 : vector<512x512xi32>
      %jit3A = arith.constant -1.000000e+30 : f32
      %broadcast_in_dim3A_60 = vector.broadcast %jit3A : f32 to vector<512x512xf32>
      %select_n3A = arith.select %ge3A, %dot_general3A_50, %broadcast_in_dim3A_60 : vector<512x512xi1>, vector<512x512xf32>
      %reduce_max3A = arith.constant dense<0xFF800000> : vector<512xf32>
      %reduce_max3A_61 = vector.multi_reduction <maximumf>, %select_n3A, %reduce_max3A [1] : vector<512x512xf32> to vector<512xf32>
      %broadcast_in_dim3A_62 = vector.shape_cast %reduce_max3A_61 : vector<512xf32> to vector<512x1xf32>
      %max3A = arith.maximumf %while3A_31, %broadcast_in_dim3A_62 : vector<512x1xf32>
      %sub3A = vector.broadcast %max3A : vector<512x1xf32> to vector<512x512xf32>
      %sub3A_63 = arith.subf %select_n3A, %sub3A : vector<512x512xf32>
      %exp3A = math.exp %sub3A_63 : vector<512x512xf32>
      %sub3A_64 = arith.subf %while3A_31, %max3A : vector<512x1xf32>
      %exp3A_65 = math.exp %sub3A_64 : vector<512x1xf32>
      %mul3A_66 = arith.mulf %while3A_32, %exp3A_65 : vector<512x1xf32>
      %reduce_sum3A = arith.constant dense<0.000000e+00> : vector<512xf32>
      %reduce_sum3A_67 = vector.multi_reduction <add>, %exp3A, %reduce_sum3A [1] : vector<512x512xf32> to vector<512xf32>
      %broadcast_in_dim3A_68 = vector.shape_cast %reduce_sum3A_67 : vector<512xf32> to vector<512x1xf32>
      %add3A_69 = arith.addf %mul3A_66, %broadcast_in_dim3A_68 : vector<512x1xf32>
      %mul3A_70 = vector.broadcast %exp3A_65 : vector<512x1xf32> to vector<512x128xf32>
      %mul3A_71 = arith.mulf %while3A_33, %mul3A_70 : vector<512x128xf32>
      %dot_general3A_72 = arith.constant dense<0.000000e+00> : vector<512x128xf32>
      %dot_general3A_73 = tpu.matmul %exp3A, %get3A_49, %dot_general3A_72 {dimension_numbers = #tpu.dot_dimension_numbers<[1], [0], [0], [1], [0, 0, 1, 1], [], []>, transpose_lhs_hint = false} : vector<512x512xf32>, vector<512x128xf32>, vector<512x128xf32> -> vector<512x128xf32>
      %add3A_74 = arith.addf %mul3A_71, %dot_general3A_73 : vector<512x128xf32>
      scf.yield %max3A, %add3A_69, %add3A_74 : vector<512x1xf32>, vector<512x1xf32>, vector<512x128xf32>
    }
    %while3A_21 = arith.constant 1 : i32
    %while3A_22:3 = scf.for %while3A_30 = %while3A_18 to %while3A_14 step %while3A_21 iter_args(%while3A_31 = %while3A_20#0, %while3A_32 = %while3A_20#1, %while3A_33 = %while3A_20#2) -> (vector<512x1xf32>, vector<512x1xf32>, vector<512x128xf32>)  : i32 {
      %mul3A_34 = arith.constant 512 : i32
      %mul3A_35 = arith.muli %while3A_30, %mul3A_34 : i32
      %get3A_36 = arith.constant 0 : index
      %get3A_37 = arith.constant 0 : index
      %get3A_38 = arith.index_cast %mul3A_35 : i32 to index
      %get3A_39 = arith.constant 0 : index
      %get3A_40 = vector.load %arg4[%get3A_36, %get3A_37, %get3A_38, %get3A_39] : memref<1x1x2048x128xf32, #tpu.memory_space<vmem>>, vector<1x1x512x128xf32>
      %get3A_41 = vector.shape_cast %get3A_40 : vector<1x1x512x128xf32> to vector<512x128xf32>
      %mul3A_42 = arith.constant 512 : i32
      %mul3A_43 = arith.muli %while3A_30, %mul3A_42 : i32
      %get3A_44 = arith.constant 0 : index
      %get3A_45 = arith.constant 0 : index
      %get3A_46 = arith.index_cast %mul3A_43 : i32 to index
      %get3A_47 = arith.constant 0 : index
      %get3A_48 = vector.load %arg5[%get3A_44, %get3A_45, %get3A_46, %get3A_47] : memref<1x1x2048x128xf32, #tpu.memory_space<vmem>>, vector<1x1x512x128xf32>
      %get3A_49 = vector.shape_cast %get3A_48 : vector<1x1x512x128xf32> to vector<512x128xf32>
      %dot_general3A = arith.constant dense<0.000000e+00> : vector<512x512xf32>
      %dot_general3A_50 = tpu.matmul %mul3A_6, %get3A_41, %dot_general3A {dimension_numbers = #tpu.dot_dimension_numbers<[1], [1], [0], [0], [0, 0, 1, 0], [], []>, transpose_lhs_hint = false} : vector<512x128xf32>, vector<512x128xf32>, vector<512x512xf32> -> vector<512x512xf32>
      %mul3A_51 = arith.constant 512 : i32
      %mul3A_52 = arith.muli %arg2, %mul3A_51 : i32
      %iota3A = tpu.iota {dimensions = array<i32: 0>} : vector<512x512xi32>
      %add3A_53 = vector.broadcast %mul3A_52 : i32 to vector<512x512xi32>
      %add3A_54 = arith.addi %add3A_53, %iota3A : vector<512x512xi32>
      %mul3A_55 = arith.constant 512 : i32
      %mul3A_56 = arith.muli %while3A_30, %mul3A_55 : i32
      %iota3A_57 = tpu.iota {dimensions = array<i32: 1>} : vector<512x512xi32>
      %add3A_58 = vector.broadcast %mul3A_56 : i32 to vector<512x512xi32>
      %add3A_59 = arith.addi %add3A_58, %iota3A_57 : vector<512x512xi32>
      %ge3A = arith.cmpi sge, %add3A_54, %add3A_59 : vector<512x512xi32>
      %jit3A = arith.constant -1.000000e+30 : f32
      %broadcast_in_dim3A_60 = vector.broadcast %jit3A : f32 to vector<512x512xf32>
      %select_n3A = arith.select %ge3A, %dot_general3A_50, %broadcast_in_dim3A_60 : vector<512x512xi1>, vector<512x512xf32>
      %reduce_max3A = arith.constant dense<0xFF800000> : vector<512xf32>
      %reduce_max3A_61 = vector.multi_reduction <maximumf>, %select_n3A, %reduce_max3A [1] : vector<512x512xf32> to vector<512xf32>
      %broadcast_in_dim3A_62 = vector.shape_cast %reduce_max3A_61 : vector<512xf32> to vector<512x1xf32>
      %max3A = arith.maximumf %while3A_31, %broadcast_in_dim3A_62 : vector<512x1xf32>
      %sub3A = vector.broadcast %max3A : vector<512x1xf32> to vector<512x512xf32>
      %sub3A_63 = arith.subf %select_n3A, %sub3A : vector<512x512xf32>
      %exp3A = math.exp %sub3A_63 : vector<512x512xf32>
      %sub3A_64 = arith.subf %while3A_31, %max3A : vector<512x1xf32>
      %exp3A_65 = math.exp %sub3A_64 : vector<512x1xf32>
      %mul3A_66 = arith.mulf %while3A_32, %exp3A_65 : vector<512x1xf32>
      %reduce_sum3A = arith.constant dense<0.000000e+00> : vector<512xf32>
      %reduce_sum3A_67 = vector.multi_reduction <add>, %exp3A, %reduce_sum3A [1] : vector<512x512xf32> to vector<512xf32>
      %broadcast_in_dim3A_68 = vector.shape_cast %reduce_sum3A_67 : vector<512xf32> to vector<512x1xf32>
      %add3A_69 = arith.addf %mul3A_66, %broadcast_in_dim3A_68 : vector<512x1xf32>
      %mul3A_70 = vector.broadcast %exp3A_65 : vector<512x1xf32> to vector<512x128xf32>
      %mul3A_71 = arith.mulf %while3A_33, %mul3A_70 : vector<512x128xf32>
      %dot_general3A_72 = arith.constant dense<0.000000e+00> : vector<512x128xf32>
      %dot_general3A_73 = tpu.matmul %exp3A, %get3A_49, %dot_general3A_72 {dimension_numbers = #tpu.dot_dimension_numbers<[1], [0], [0], [1], [0, 0, 1, 1], [], []>, transpose_lhs_hint = false} : vector<512x512xf32>, vector<512x128xf32>, vector<512x128xf32> -> vector<512x128xf32>
      %add3A_74 = arith.addf %mul3A_71, %dot_general3A_73 : vector<512x128xf32>
      scf.yield %max3A, %add3A_69, %add3A_74 : vector<512x1xf32>, vector<512x1xf32>, vector<512x128xf32>
    }
    %div3A = vector.broadcast %while3A_22#1 : vector<512x1xf32> to vector<512x128xf32>
    %div3A_23 = arith.divf %while3A_22#2, %div3A : vector<512x128xf32>
    %swap3A = arith.constant 0 : index
    %swap3A_24 = arith.constant 0 : index
    %swap3A_25 = arith.constant 0 : index
    %swap3A_26 = arith.constant 0 : index
    %swap3A_27 = vector.load %arg6[%swap3A, %swap3A_24, %swap3A_25, %swap3A_26] : memref<1x1x512x128xf32, #tpu.memory_space<vmem>>, vector<1x1x512x128xf32>
    %swap3A_28 = vector.shape_cast %swap3A_27 : vector<1x1x512x128xf32> to vector<512x128xf32>
    %swap3A_29 = vector.shape_cast %div3A_23 : vector<512x128xf32> to vector<1x1x512x128xf32>
    tpu.vector_store %arg6[%swap3A, %swap3A_24, %swap3A_25, %swap3A_26], %swap3A_29 {strides = array<i32>} : memref<1x1x512x128xf32, #tpu.memory_space<vmem>>, vector<1x1x512x128xf32>,
    return
  }
  func.func @transform_0(%arg0: i32, %arg1: i32, %arg2: i32) -> (i32, i32, i32, i32) {
    %c0_i32 = arith.constant 0 : i32
    %c0_i32_0 = arith.constant 0 : i32
    return %arg0, %arg1, %arg2, %c0_i32 : i32, i32, i32, i32
  }
  func.func @transform_1(%arg0: i32, %arg1: i32, %arg2: i32) -> (i32, i32, i32, i32) {
    %c0_i32 = arith.constant 0 : i32
    %c0_i32_0 = arith.constant 0 : i32
    %c0_i32_1 = arith.constant 0 : i32
    return %arg0, %arg1, %c0_i32, %c0_i32_0 : i32, i32, i32, i32
  }
  func.func @transform_2(%arg0: i32, %arg1: i32, %arg2: i32) -> (i32, i32, i32, i32) {
    %c0_i32 = arith.constant 0 : i32
    %c0_i32_0 = arith.constant 0 : i32
    %c0_i32_1 = arith.constant 0 : i32
    return %arg0, %arg1, %c0_i32, %c0_i32_0 : i32, i32, i32, i32
  }
  func.func @transform_3(%arg0: i32, %arg1: i32, %arg2: i32) -> (i32, i32, i32, i32) {
    %c0_i32 = arith.constant 0 : i32
    %c0_i32_0 = arith.constant 0 : i32
    return %arg0, %arg1, %arg2, %c0_i32 : i32, i32, i32, i32
  }
}

module attributes {stable_mosaic.version = 14 : i64} {
  func.func @_patch_body(%arg0: i32, %arg1: memref<8192xi32, #tpu.memory_space<smem>>, %arg2: memref<8192xi32, #tpu.memory_space<smem>>, %arg3: memref<1x16x128xf32, #tpu.memory_space<vmem>>, %arg4: memref<1x16x128xf32, #tpu.memory_space<vmem>>, %arg5: memref<1x16x128xf32, #tpu.memory_space<vmem>>, %arg6: memref<1x16x128xf32, #tpu.memory_space<vmem>>, %arg7: memref<1x16x128xf32, #tpu.memory_space<vmem>>, %arg8: memref<1x16x128xf32, #tpu.memory_space<vmem>>, %arg9: memref<1x16x128xf32, #tpu.memory_space<vmem>>, %arg10: memref<1x16x128xf32, #tpu.memory_space<vmem>>, %arg11: memref<1x16x128xf32, #tpu.memory_space<vmem>>, %arg12: memref<1x16x128xf32, #tpu.memory_space<vmem>>, %arg13: memref<1x16x128xf32, #tpu.memory_space<vmem>>, %arg14: memref<1x16x128xf32, #tpu.memory_space<vmem>>, %arg15: memref<1x16x128xf32, #tpu.memory_space<vmem>>, %arg16: memref<1x16x128xf32, #tpu.memory_space<vmem>>, %arg17: memref<1x16x128xf32, #tpu.memory_space<vmem>>, %arg18: memref<1x16x128xf32, #tpu.memory_space<vmem>>, %arg19: memref<1x16x128xf32, #tpu.memory_space<vmem>>, %arg20: memref<1x16x128xf32, #tpu.memory_space<vmem>>, %arg21: memref<1x16x128xf32, #tpu.memory_space<vmem>>, %arg22: memref<1x16x128xf32, #tpu.memory_space<vmem>>, %arg23: memref<1x16x128xf32, #tpu.memory_space<vmem>>, %arg24: memref<1x16x128xf32, #tpu.memory_space<vmem>>, %arg25: memref<1x16x128xf32, #tpu.memory_space<vmem>>, %arg26: memref<1x16x128xf32, #tpu.memory_space<vmem>>, %arg27: memref<1x16x128xf32, #tpu.memory_space<vmem>>, %arg28: memref<1x16x128xf32, #tpu.memory_space<vmem>>, %arg29: memref<1x16x128xf32, #tpu.memory_space<vmem>>, %arg30: memref<1x16x128xf32, #tpu.memory_space<vmem>>, %arg31: memref<1x16x128xf32, #tpu.memory_space<vmem>>, %arg32: memref<1x16x128xf32, #tpu.memory_space<vmem>>, %arg33: memref<1x16x128xf32, #tpu.memory_space<vmem>>, %arg34: memref<1x16x128xf32, #tpu.memory_space<vmem>>, %arg35: memref<1x16x16x128xf32, #tpu.memory_space<vmem>>, %arg36: memref<1x16x16x128xf32, #tpu.memory_space<vmem>>, %arg37: memref<1x16x16x128xf32, #tpu.memory_space<vmem>>) attributes {dimension_semantics = [#tpu.dimension_semantics<arbitrary>], iteration_bounds = array<i64: 512>, scalar_prefetch = 2 : i64, scratch_operands = 0 : i64, tpu.core_type = #tpu.core_type<tc>, window_params = [{transform_indices = @transform_0, window_bounds = array<i64: 1, 16, 128>}, {transform_indices = @transform_1, window_bounds = array<i64: 1, 16, 128>}, {transform_indices = @transform_2, window_bounds = array<i64: 1, 16, 128>}, {transform_indices = @transform_3, window_bounds = array<i64: 1, 16, 128>}, {transform_indices = @transform_4, window_bounds = array<i64: 1, 16, 128>}, {transform_indices = @transform_5, window_bounds = array<i64: 1, 16, 128>}, {transform_indices = @transform_6, window_bounds = array<i64: 1, 16, 128>}, {transform_indices = @transform_7, window_bounds = array<i64: 1, 16, 128>}, {transform_indices = @transform_8, window_bounds = array<i64: 1, 16, 128>}, {transform_indices = @transform_9, window_bounds = array<i64: 1, 16, 128>}, {transform_indices = @transform_10, window_bounds = array<i64: 1, 16, 128>}, {transform_indices = @transform_11, window_bounds = array<i64: 1, 16, 128>}, {transform_indices = @transform_12, window_bounds = array<i64: 1, 16, 128>}, {transform_indices = @transform_13, window_bounds = array<i64: 1, 16, 128>}, {transform_indices = @transform_14, window_bounds = array<i64: 1, 16, 128>}, {transform_indices = @transform_15, window_bounds = array<i64: 1, 16, 128>}, {transform_indices = @transform_16, window_bounds = array<i64: 1, 16, 128>}, {transform_indices = @transform_17, window_bounds = array<i64: 1, 16, 128>}, {transform_indices = @transform_18, window_bounds = array<i64: 1, 16, 128>}, {transform_indices = @transform_19, window_bounds = array<i64: 1, 16, 128>}, {transform_indices = @transform_20, window_bounds = array<i64: 1, 16, 128>}, {transform_indices = @transform_21, window_bounds = array<i64: 1, 16, 128>}, {transform_indices = @transform_22, window_bounds = array<i64: 1, 16, 128>}, {transform_indices = @transform_23, window_bounds = array<i64: 1, 16, 128>}, {transform_indices = @transform_24, window_bounds = array<i64: 1, 16, 128>}, {transform_indices = @transform_25, window_bounds = array<i64: 1, 16, 128>}, {transform_indices = @transform_26, window_bounds = array<i64: 1, 16, 128>}, {transform_indices = @transform_27, window_bounds = array<i64: 1, 16, 128>}, {transform_indices = @transform_28, window_bounds = array<i64: 1, 16, 128>}, {transform_indices = @transform_29, window_bounds = array<i64: 1, 16, 128>}, {transform_indices = @transform_30, window_bounds = array<i64: 1, 16, 128>}, {transform_indices = @transform_31, window_bounds = array<i64: 1, 16, 128>}, {transform_indices = @transform_32, window_bounds = array<i64: 1, 16, 16, 128>}, {transform_indices = @transform_33, window_bounds = array<i64: 1, 16, 16, 128>}, {transform_indices = @transform_34, window_bounds = array<i64: 1, 16, 16, 128>}]} {
    %get3A = arith.constant 0 : index
    %get3A_0 = arith.constant 0 : index
    %get3A_1 = arith.constant 0 : index
    %get3A_2 = arith.constant 0 : index
    %get3A_3 = vector.load %arg35[%get3A, %get3A_0, %get3A_1, %get3A_2] : memref<1x16x16x128xf32, #tpu.memory_space<vmem>>, vector<1x16x16x128xf32>
    %swap3A = arith.constant 0 : index
    %swap3A_4 = arith.constant 0 : index
    %swap3A_5 = arith.constant 0 : index
    %swap3A_6 = arith.constant 0 : index
    %swap3A_7 = vector.load %arg37[%swap3A, %swap3A_4, %swap3A_5, %swap3A_6] : memref<1x16x16x128xf32, #tpu.memory_space<vmem>>, vector<1x16x16x128xf32>
    tpu.vector_store %arg37[%swap3A, %swap3A_4, %swap3A_5, %swap3A_6], %get3A_3 {strides = array<i32>} : memref<1x16x16x128xf32, #tpu.memory_space<vmem>>, vector<1x16x16x128xf32>,
    %get3A_8 = arith.constant 0 : index
    %get3A_9 = arith.constant 0 : index
    %get3A_10 = arith.constant 0 : index
    %get3A_11 = vector.load %arg3[%get3A_8, %get3A_9, %get3A_10] : memref<1x16x128xf32, #tpu.memory_space<vmem>>, vector<1x16x128xf32>
    %get3A_12 = vector.shape_cast %get3A_11 : vector<1x16x128xf32> to vector<16x128xf32>
    %swap3A_13 = arith.constant 0 : index
    %swap3A_14 = arith.constant 0 : index
    %swap3A_15 = arith.constant 0 : index
    %swap3A_16 = arith.constant 0 : index
    %swap3A_17 = vector.load %arg36[%swap3A_13, %swap3A_14, %swap3A_15, %swap3A_16] : memref<1x16x16x128xf32, #tpu.memory_space<vmem>>, vector<1x16x1x128xf32>
    %swap3A_18 = vector.shape_cast %swap3A_17 : vector<1x16x1x128xf32> to vector<16x128xf32>
    %swap3A_19 = vector.shape_cast %get3A_12 : vector<16x128xf32> to vector<1x16x1x128xf32>
    tpu.vector_store %arg36[%swap3A_13, %swap3A_14, %swap3A_15, %swap3A_16], %swap3A_19 {strides = array<i32>} : memref<1x16x16x128xf32, #tpu.memory_space<vmem>>, vector<1x16x1x128xf32>,
    %mul3A = arith.constant 16 : i32
    %mul3A_20 = arith.muli %arg0, %mul3A : i32
    %add3A = arith.constant 0 : i32
    %add3A_21 = arith.addi %mul3A_20, %add3A : i32
    %get3A_22 = arith.index_cast %add3A_21 : i32 to index
    %get3A_23 = memref.load %arg2[%get3A_22] : memref<8192xi32, #tpu.memory_space<smem>>
    %eq3A = arith.constant 1 : i32
    %eq3A_24 = arith.cmpi eq, %get3A_23, %eq3A : i32
    %convert_element_type3A = arith.extui %eq3A_24 : i1 to i32
    %cond3A = arith.constant 0 : i32
    %cond3A_25 = arith.cmpi ne, %convert_element_type3A, %cond3A : i32
    scf.if %cond3A_25 {
      %get3A_371 = arith.constant 0 : index
      %get3A_372 = arith.constant 0 : index
      %get3A_373 = arith.constant 0 : index
      %get3A_374 = vector.load %arg19[%get3A_371, %get3A_372, %get3A_373] : memref<1x16x128xf32, #tpu.memory_space<vmem>>, vector<1x16x128xf32>
      %get3A_375 = vector.shape_cast %get3A_374 : vector<1x16x128xf32> to vector<16x128xf32>
      %swap3A_376 = arith.constant 0 : index
      %swap3A_377 = arith.constant 0 : index
      %swap3A_378 = arith.constant 0 : index
      %swap3A_379 = arith.constant 0 : index
      %swap3A_380 = vector.load %arg37[%swap3A_376, %swap3A_377, %swap3A_378, %swap3A_379] : memref<1x16x16x128xf32, #tpu.memory_space<vmem>>, vector<1x16x1x128xf32>
      %swap3A_381 = vector.shape_cast %swap3A_380 : vector<1x16x1x128xf32> to vector<16x128xf32>
      %swap3A_382 = vector.shape_cast %get3A_375 : vector<16x128xf32> to vector<1x16x1x128xf32>
      tpu.vector_store %arg37[%swap3A_376, %swap3A_377, %swap3A_378, %swap3A_379], %swap3A_382 {strides = array<i32>} : memref<1x16x16x128xf32, #tpu.memory_space<vmem>>, vector<1x16x1x128xf32>,
    } else {
    }
    %get3A_26 = arith.constant 0 : index
    %get3A_27 = arith.constant 0 : index
    %get3A_28 = arith.constant 0 : index
    %get3A_29 = vector.load %arg4[%get3A_26, %get3A_27, %get3A_28] : memref<1x16x128xf32, #tpu.memory_space<vmem>>, vector<1x16x128xf32>
    %get3A_30 = vector.shape_cast %get3A_29 : vector<1x16x128xf32> to vector<16x128xf32>
    %swap3A_31 = arith.constant 0 : index
    %swap3A_32 = arith.constant 0 : index
    %swap3A_33 = arith.constant 1 : index
    %swap3A_34 = arith.constant 0 : index
    %swap3A_35 = vector.load %arg36[%swap3A_31, %swap3A_32, %swap3A_33, %swap3A_34] : memref<1x16x16x128xf32, #tpu.memory_space<vmem>>, vector<1x16x1x128xf32>
    %swap3A_36 = vector.shape_cast %swap3A_35 : vector<1x16x1x128xf32> to vector<16x128xf32>
    %swap3A_37 = vector.shape_cast %get3A_30 : vector<16x128xf32> to vector<1x16x1x128xf32>
    tpu.vector_store %arg36[%swap3A_31, %swap3A_32, %swap3A_33, %swap3A_34], %swap3A_37 {strides = array<i32>} : memref<1x16x16x128xf32, #tpu.memory_space<vmem>>, vector<1x16x1x128xf32>,
    %mul3A_38 = arith.constant 16 : i32
    %mul3A_39 = arith.muli %arg0, %mul3A_38 : i32
    %add3A_40 = arith.constant 1 : i32
    %add3A_41 = arith.addi %mul3A_39, %add3A_40 : i32
    %get3A_42 = arith.index_cast %add3A_41 : i32 to index
    %get3A_43 = memref.load %arg2[%get3A_42] : memref<8192xi32, #tpu.memory_space<smem>>
    %eq3A_44 = arith.constant 1 : i32
    %eq3A_45 = arith.cmpi eq, %get3A_43, %eq3A_44 : i32
    %convert_element_type3A_46 = arith.extui %eq3A_45 : i1 to i32
    %cond3A_47 = arith.constant 0 : i32
    %cond3A_48 = arith.cmpi ne, %convert_element_type3A_46, %cond3A_47 : i32
    scf.if %cond3A_48 {
      %get3A_371 = arith.constant 0 : index
      %get3A_372 = arith.constant 0 : index
      %get3A_373 = arith.constant 0 : index
      %get3A_374 = vector.load %arg20[%get3A_371, %get3A_372, %get3A_373] : memref<1x16x128xf32, #tpu.memory_space<vmem>>, vector<1x16x128xf32>
      %get3A_375 = vector.shape_cast %get3A_374 : vector<1x16x128xf32> to vector<16x128xf32>
      %swap3A_376 = arith.constant 0 : index
      %swap3A_377 = arith.constant 0 : index
      %swap3A_378 = arith.constant 1 : index
      %swap3A_379 = arith.constant 0 : index
      %swap3A_380 = vector.load %arg37[%swap3A_376, %swap3A_377, %swap3A_378, %swap3A_379] : memref<1x16x16x128xf32, #tpu.memory_space<vmem>>, vector<1x16x1x128xf32>
      %swap3A_381 = vector.shape_cast %swap3A_380 : vector<1x16x1x128xf32> to vector<16x128xf32>
      %swap3A_382 = vector.shape_cast %get3A_375 : vector<16x128xf32> to vector<1x16x1x128xf32>
      tpu.vector_store %arg37[%swap3A_376, %swap3A_377, %swap3A_378, %swap3A_379], %swap3A_382 {strides = array<i32>} : memref<1x16x16x128xf32, #tpu.memory_space<vmem>>, vector<1x16x1x128xf32>,
    } else {
    }
    %get3A_49 = arith.constant 0 : index
    %get3A_50 = arith.constant 0 : index
    %get3A_51 = arith.constant 0 : index
    %get3A_52 = vector.load %arg5[%get3A_49, %get3A_50, %get3A_51] : memref<1x16x128xf32, #tpu.memory_space<vmem>>, vector<1x16x128xf32>
    %get3A_53 = vector.shape_cast %get3A_52 : vector<1x16x128xf32> to vector<16x128xf32>
    %swap3A_54 = arith.constant 0 : index
    %swap3A_55 = arith.constant 0 : index
    %swap3A_56 = arith.constant 2 : index
    %swap3A_57 = arith.constant 0 : index
    %swap3A_58 = vector.load %arg36[%swap3A_54, %swap3A_55, %swap3A_56, %swap3A_57] : memref<1x16x16x128xf32, #tpu.memory_space<vmem>>, vector<1x16x1x128xf32>
    %swap3A_59 = vector.shape_cast %swap3A_58 : vector<1x16x1x128xf32> to vector<16x128xf32>
    %swap3A_60 = vector.shape_cast %get3A_53 : vector<16x128xf32> to vector<1x16x1x128xf32>
    tpu.vector_store %arg36[%swap3A_54, %swap3A_55, %swap3A_56, %swap3A_57], %swap3A_60 {strides = array<i32>} : memref<1x16x16x128xf32, #tpu.memory_space<vmem>>, vector<1x16x1x128xf32>,
    %mul3A_61 = arith.constant 16 : i32
    %mul3A_62 = arith.muli %arg0, %mul3A_61 : i32
    %add3A_63 = arith.constant 2 : i32
    %add3A_64 = arith.addi %mul3A_62, %add3A_63 : i32
    %get3A_65 = arith.index_cast %add3A_64 : i32 to index
    %get3A_66 = memref.load %arg2[%get3A_65] : memref<8192xi32, #tpu.memory_space<smem>>
    %eq3A_67 = arith.constant 1 : i32
    %eq3A_68 = arith.cmpi eq, %get3A_66, %eq3A_67 : i32
    %convert_element_type3A_69 = arith.extui %eq3A_68 : i1 to i32
    %cond3A_70 = arith.constant 0 : i32
    %cond3A_71 = arith.cmpi ne, %convert_element_type3A_69, %cond3A_70 : i32
    scf.if %cond3A_71 {
      %get3A_371 = arith.constant 0 : index
      %get3A_372 = arith.constant 0 : index
      %get3A_373 = arith.constant 0 : index
      %get3A_374 = vector.load %arg21[%get3A_371, %get3A_372, %get3A_373] : memref<1x16x128xf32, #tpu.memory_space<vmem>>, vector<1x16x128xf32>
      %get3A_375 = vector.shape_cast %get3A_374 : vector<1x16x128xf32> to vector<16x128xf32>
      %swap3A_376 = arith.constant 0 : index
      %swap3A_377 = arith.constant 0 : index
      %swap3A_378 = arith.constant 2 : index
      %swap3A_379 = arith.constant 0 : index
      %swap3A_380 = vector.load %arg37[%swap3A_376, %swap3A_377, %swap3A_378, %swap3A_379] : memref<1x16x16x128xf32, #tpu.memory_space<vmem>>, vector<1x16x1x128xf32>
      %swap3A_381 = vector.shape_cast %swap3A_380 : vector<1x16x1x128xf32> to vector<16x128xf32>
      %swap3A_382 = vector.shape_cast %get3A_375 : vector<16x128xf32> to vector<1x16x1x128xf32>
      tpu.vector_store %arg37[%swap3A_376, %swap3A_377, %swap3A_378, %swap3A_379], %swap3A_382 {strides = array<i32>} : memref<1x16x16x128xf32, #tpu.memory_space<vmem>>, vector<1x16x1x128xf32>,
    } else {
    }
    %get3A_72 = arith.constant 0 : index
    %get3A_73 = arith.constant 0 : index
    %get3A_74 = arith.constant 0 : index
    %get3A_75 = vector.load %arg6[%get3A_72, %get3A_73, %get3A_74] : memref<1x16x128xf32, #tpu.memory_space<vmem>>, vector<1x16x128xf32>
    %get3A_76 = vector.shape_cast %get3A_75 : vector<1x16x128xf32> to vector<16x128xf32>
    %swap3A_77 = arith.constant 0 : index
    %swap3A_78 = arith.constant 0 : index
    %swap3A_79 = arith.constant 3 : index
    %swap3A_80 = arith.constant 0 : index
    %swap3A_81 = vector.load %arg36[%swap3A_77, %swap3A_78, %swap3A_79, %swap3A_80] : memref<1x16x16x128xf32, #tpu.memory_space<vmem>>, vector<1x16x1x128xf32>
    %swap3A_82 = vector.shape_cast %swap3A_81 : vector<1x16x1x128xf32> to vector<16x128xf32>
    %swap3A_83 = vector.shape_cast %get3A_76 : vector<16x128xf32> to vector<1x16x1x128xf32>
    tpu.vector_store %arg36[%swap3A_77, %swap3A_78, %swap3A_79, %swap3A_80], %swap3A_83 {strides = array<i32>} : memref<1x16x16x128xf32, #tpu.memory_space<vmem>>, vector<1x16x1x128xf32>,
    %mul3A_84 = arith.constant 16 : i32
    %mul3A_85 = arith.muli %arg0, %mul3A_84 : i32
    %add3A_86 = arith.constant 3 : i32
    %add3A_87 = arith.addi %mul3A_85, %add3A_86 : i32
    %get3A_88 = arith.index_cast %add3A_87 : i32 to index
    %get3A_89 = memref.load %arg2[%get3A_88] : memref<8192xi32, #tpu.memory_space<smem>>
    %eq3A_90 = arith.constant 1 : i32
    %eq3A_91 = arith.cmpi eq, %get3A_89, %eq3A_90 : i32
    %convert_element_type3A_92 = arith.extui %eq3A_91 : i1 to i32
    %cond3A_93 = arith.constant 0 : i32
    %cond3A_94 = arith.cmpi ne, %convert_element_type3A_92, %cond3A_93 : i32
    scf.if %cond3A_94 {
      %get3A_371 = arith.constant 0 : index
      %get3A_372 = arith.constant 0 : index
      %get3A_373 = arith.constant 0 : index
      %get3A_374 = vector.load %arg22[%get3A_371, %get3A_372, %get3A_373] : memref<1x16x128xf32, #tpu.memory_space<vmem>>, vector<1x16x128xf32>
      %get3A_375 = vector.shape_cast %get3A_374 : vector<1x16x128xf32> to vector<16x128xf32>
      %swap3A_376 = arith.constant 0 : index
      %swap3A_377 = arith.constant 0 : index
      %swap3A_378 = arith.constant 3 : index
      %swap3A_379 = arith.constant 0 : index
      %swap3A_380 = vector.load %arg37[%swap3A_376, %swap3A_377, %swap3A_378, %swap3A_379] : memref<1x16x16x128xf32, #tpu.memory_space<vmem>>, vector<1x16x1x128xf32>
      %swap3A_381 = vector.shape_cast %swap3A_380 : vector<1x16x1x128xf32> to vector<16x128xf32>
      %swap3A_382 = vector.shape_cast %get3A_375 : vector<16x128xf32> to vector<1x16x1x128xf32>
      tpu.vector_store %arg37[%swap3A_376, %swap3A_377, %swap3A_378, %swap3A_379], %swap3A_382 {strides = array<i32>} : memref<1x16x16x128xf32, #tpu.memory_space<vmem>>, vector<1x16x1x128xf32>,
    } else {
    }
    %get3A_95 = arith.constant 0 : index
    %get3A_96 = arith.constant 0 : index
    %get3A_97 = arith.constant 0 : index
    %get3A_98 = vector.load %arg7[%get3A_95, %get3A_96, %get3A_97] : memref<1x16x128xf32, #tpu.memory_space<vmem>>, vector<1x16x128xf32>
    %get3A_99 = vector.shape_cast %get3A_98 : vector<1x16x128xf32> to vector<16x128xf32>
    %swap3A_100 = arith.constant 0 : index
    %swap3A_101 = arith.constant 0 : index
    %swap3A_102 = arith.constant 4 : index
    %swap3A_103 = arith.constant 0 : index
    %swap3A_104 = vector.load %arg36[%swap3A_100, %swap3A_101, %swap3A_102, %swap3A_103] : memref<1x16x16x128xf32, #tpu.memory_space<vmem>>, vector<1x16x1x128xf32>
    %swap3A_105 = vector.shape_cast %swap3A_104 : vector<1x16x1x128xf32> to vector<16x128xf32>
    %swap3A_106 = vector.shape_cast %get3A_99 : vector<16x128xf32> to vector<1x16x1x128xf32>
    tpu.vector_store %arg36[%swap3A_100, %swap3A_101, %swap3A_102, %swap3A_103], %swap3A_106 {strides = array<i32>} : memref<1x16x16x128xf32, #tpu.memory_space<vmem>>, vector<1x16x1x128xf32>,
    %mul3A_107 = arith.constant 16 : i32
    %mul3A_108 = arith.muli %arg0, %mul3A_107 : i32
    %add3A_109 = arith.constant 4 : i32
    %add3A_110 = arith.addi %mul3A_108, %add3A_109 : i32
    %get3A_111 = arith.index_cast %add3A_110 : i32 to index
    %get3A_112 = memref.load %arg2[%get3A_111] : memref<8192xi32, #tpu.memory_space<smem>>
    %eq3A_113 = arith.constant 1 : i32
    %eq3A_114 = arith.cmpi eq, %get3A_112, %eq3A_113 : i32
    %convert_element_type3A_115 = arith.extui %eq3A_114 : i1 to i32
    %cond3A_116 = arith.constant 0 : i32
    %cond3A_117 = arith.cmpi ne, %convert_element_type3A_115, %cond3A_116 : i32
    scf.if %cond3A_117 {
      %get3A_371 = arith.constant 0 : index
      %get3A_372 = arith.constant 0 : index
      %get3A_373 = arith.constant 0 : index
      %get3A_374 = vector.load %arg23[%get3A_371, %get3A_372, %get3A_373] : memref<1x16x128xf32, #tpu.memory_space<vmem>>, vector<1x16x128xf32>
      %get3A_375 = vector.shape_cast %get3A_374 : vector<1x16x128xf32> to vector<16x128xf32>
      %swap3A_376 = arith.constant 0 : index
      %swap3A_377 = arith.constant 0 : index
      %swap3A_378 = arith.constant 4 : index
      %swap3A_379 = arith.constant 0 : index
      %swap3A_380 = vector.load %arg37[%swap3A_376, %swap3A_377, %swap3A_378, %swap3A_379] : memref<1x16x16x128xf32, #tpu.memory_space<vmem>>, vector<1x16x1x128xf32>
      %swap3A_381 = vector.shape_cast %swap3A_380 : vector<1x16x1x128xf32> to vector<16x128xf32>
      %swap3A_382 = vector.shape_cast %get3A_375 : vector<16x128xf32> to vector<1x16x1x128xf32>
      tpu.vector_store %arg37[%swap3A_376, %swap3A_377, %swap3A_378, %swap3A_379], %swap3A_382 {strides = array<i32>} : memref<1x16x16x128xf32, #tpu.memory_space<vmem>>, vector<1x16x1x128xf32>,
    } else {
    }
    %get3A_118 = arith.constant 0 : index
    %get3A_119 = arith.constant 0 : index
    %get3A_120 = arith.constant 0 : index
    %get3A_121 = vector.load %arg8[%get3A_118, %get3A_119, %get3A_120] : memref<1x16x128xf32, #tpu.memory_space<vmem>>, vector<1x16x128xf32>
    %get3A_122 = vector.shape_cast %get3A_121 : vector<1x16x128xf32> to vector<16x128xf32>
    %swap3A_123 = arith.constant 0 : index
    %swap3A_124 = arith.constant 0 : index
    %swap3A_125 = arith.constant 5 : index
    %swap3A_126 = arith.constant 0 : index
    %swap3A_127 = vector.load %arg36[%swap3A_123, %swap3A_124, %swap3A_125, %swap3A_126] : memref<1x16x16x128xf32, #tpu.memory_space<vmem>>, vector<1x16x1x128xf32>
    %swap3A_128 = vector.shape_cast %swap3A_127 : vector<1x16x1x128xf32> to vector<16x128xf32>
    %swap3A_129 = vector.shape_cast %get3A_122 : vector<16x128xf32> to vector<1x16x1x128xf32>
    tpu.vector_store %arg36[%swap3A_123, %swap3A_124, %swap3A_125, %swap3A_126], %swap3A_129 {strides = array<i32>} : memref<1x16x16x128xf32, #tpu.memory_space<vmem>>, vector<1x16x1x128xf32>,
    %mul3A_130 = arith.constant 16 : i32
    %mul3A_131 = arith.muli %arg0, %mul3A_130 : i32
    %add3A_132 = arith.constant 5 : i32
    %add3A_133 = arith.addi %mul3A_131, %add3A_132 : i32
    %get3A_134 = arith.index_cast %add3A_133 : i32 to index
    %get3A_135 = memref.load %arg2[%get3A_134] : memref<8192xi32, #tpu.memory_space<smem>>
    %eq3A_136 = arith.constant 1 : i32
    %eq3A_137 = arith.cmpi eq, %get3A_135, %eq3A_136 : i32
    %convert_element_type3A_138 = arith.extui %eq3A_137 : i1 to i32
    %cond3A_139 = arith.constant 0 : i32
    %cond3A_140 = arith.cmpi ne, %convert_element_type3A_138, %cond3A_139 : i32
    scf.if %cond3A_140 {
      %get3A_371 = arith.constant 0 : index
      %get3A_372 = arith.constant 0 : index
      %get3A_373 = arith.constant 0 : index
      %get3A_374 = vector.load %arg24[%get3A_371, %get3A_372, %get3A_373] : memref<1x16x128xf32, #tpu.memory_space<vmem>>, vector<1x16x128xf32>
      %get3A_375 = vector.shape_cast %get3A_374 : vector<1x16x128xf32> to vector<16x128xf32>
      %swap3A_376 = arith.constant 0 : index
      %swap3A_377 = arith.constant 0 : index
      %swap3A_378 = arith.constant 5 : index
      %swap3A_379 = arith.constant 0 : index
      %swap3A_380 = vector.load %arg37[%swap3A_376, %swap3A_377, %swap3A_378, %swap3A_379] : memref<1x16x16x128xf32, #tpu.memory_space<vmem>>, vector<1x16x1x128xf32>
      %swap3A_381 = vector.shape_cast %swap3A_380 : vector<1x16x1x128xf32> to vector<16x128xf32>
      %swap3A_382 = vector.shape_cast %get3A_375 : vector<16x128xf32> to vector<1x16x1x128xf32>
      tpu.vector_store %arg37[%swap3A_376, %swap3A_377, %swap3A_378, %swap3A_379], %swap3A_382 {strides = array<i32>} : memref<1x16x16x128xf32, #tpu.memory_space<vmem>>, vector<1x16x1x128xf32>,
    } else {
    }
    %get3A_141 = arith.constant 0 : index
    %get3A_142 = arith.constant 0 : index
    %get3A_143 = arith.constant 0 : index
    %get3A_144 = vector.load %arg9[%get3A_141, %get3A_142, %get3A_143] : memref<1x16x128xf32, #tpu.memory_space<vmem>>, vector<1x16x128xf32>
    %get3A_145 = vector.shape_cast %get3A_144 : vector<1x16x128xf32> to vector<16x128xf32>
    %swap3A_146 = arith.constant 0 : index
    %swap3A_147 = arith.constant 0 : index
    %swap3A_148 = arith.constant 6 : index
    %swap3A_149 = arith.constant 0 : index
    %swap3A_150 = vector.load %arg36[%swap3A_146, %swap3A_147, %swap3A_148, %swap3A_149] : memref<1x16x16x128xf32, #tpu.memory_space<vmem>>, vector<1x16x1x128xf32>
    %swap3A_151 = vector.shape_cast %swap3A_150 : vector<1x16x1x128xf32> to vector<16x128xf32>
    %swap3A_152 = vector.shape_cast %get3A_145 : vector<16x128xf32> to vector<1x16x1x128xf32>
    tpu.vector_store %arg36[%swap3A_146, %swap3A_147, %swap3A_148, %swap3A_149], %swap3A_152 {strides = array<i32>} : memref<1x16x16x128xf32, #tpu.memory_space<vmem>>, vector<1x16x1x128xf32>,
    %mul3A_153 = arith.constant 16 : i32
    %mul3A_154 = arith.muli %arg0, %mul3A_153 : i32
    %add3A_155 = arith.constant 6 : i32
    %add3A_156 = arith.addi %mul3A_154, %add3A_155 : i32
    %get3A_157 = arith.index_cast %add3A_156 : i32 to index
    %get3A_158 = memref.load %arg2[%get3A_157] : memref<8192xi32, #tpu.memory_space<smem>>
    %eq3A_159 = arith.constant 1 : i32
    %eq3A_160 = arith.cmpi eq, %get3A_158, %eq3A_159 : i32
    %convert_element_type3A_161 = arith.extui %eq3A_160 : i1 to i32
    %cond3A_162 = arith.constant 0 : i32
    %cond3A_163 = arith.cmpi ne, %convert_element_type3A_161, %cond3A_162 : i32
    scf.if %cond3A_163 {
      %get3A_371 = arith.constant 0 : index
      %get3A_372 = arith.constant 0 : index
      %get3A_373 = arith.constant 0 : index
      %get3A_374 = vector.load %arg25[%get3A_371, %get3A_372, %get3A_373] : memref<1x16x128xf32, #tpu.memory_space<vmem>>, vector<1x16x128xf32>
      %get3A_375 = vector.shape_cast %get3A_374 : vector<1x16x128xf32> to vector<16x128xf32>
      %swap3A_376 = arith.constant 0 : index
      %swap3A_377 = arith.constant 0 : index
      %swap3A_378 = arith.constant 6 : index
      %swap3A_379 = arith.constant 0 : index
      %swap3A_380 = vector.load %arg37[%swap3A_376, %swap3A_377, %swap3A_378, %swap3A_379] : memref<1x16x16x128xf32, #tpu.memory_space<vmem>>, vector<1x16x1x128xf32>
      %swap3A_381 = vector.shape_cast %swap3A_380 : vector<1x16x1x128xf32> to vector<16x128xf32>
      %swap3A_382 = vector.shape_cast %get3A_375 : vector<16x128xf32> to vector<1x16x1x128xf32>
      tpu.vector_store %arg37[%swap3A_376, %swap3A_377, %swap3A_378, %swap3A_379], %swap3A_382 {strides = array<i32>} : memref<1x16x16x128xf32, #tpu.memory_space<vmem>>, vector<1x16x1x128xf32>,
    } else {
    }
    %get3A_164 = arith.constant 0 : index
    %get3A_165 = arith.constant 0 : index
    %get3A_166 = arith.constant 0 : index
    %get3A_167 = vector.load %arg10[%get3A_164, %get3A_165, %get3A_166] : memref<1x16x128xf32, #tpu.memory_space<vmem>>, vector<1x16x128xf32>
    %get3A_168 = vector.shape_cast %get3A_167 : vector<1x16x128xf32> to vector<16x128xf32>
    %swap3A_169 = arith.constant 0 : index
    %swap3A_170 = arith.constant 0 : index
    %swap3A_171 = arith.constant 7 : index
    %swap3A_172 = arith.constant 0 : index
    %swap3A_173 = vector.load %arg36[%swap3A_169, %swap3A_170, %swap3A_171, %swap3A_172] : memref<1x16x16x128xf32, #tpu.memory_space<vmem>>, vector<1x16x1x128xf32>
    %swap3A_174 = vector.shape_cast %swap3A_173 : vector<1x16x1x128xf32> to vector<16x128xf32>
    %swap3A_175 = vector.shape_cast %get3A_168 : vector<16x128xf32> to vector<1x16x1x128xf32>
    tpu.vector_store %arg36[%swap3A_169, %swap3A_170, %swap3A_171, %swap3A_172], %swap3A_175 {strides = array<i32>} : memref<1x16x16x128xf32, #tpu.memory_space<vmem>>, vector<1x16x1x128xf32>,
    %mul3A_176 = arith.constant 16 : i32
    %mul3A_177 = arith.muli %arg0, %mul3A_176 : i32
    %add3A_178 = arith.constant 7 : i32
    %add3A_179 = arith.addi %mul3A_177, %add3A_178 : i32
    %get3A_180 = arith.index_cast %add3A_179 : i32 to index
    %get3A_181 = memref.load %arg2[%get3A_180] : memref<8192xi32, #tpu.memory_space<smem>>
    %eq3A_182 = arith.constant 1 : i32
    %eq3A_183 = arith.cmpi eq, %get3A_181, %eq3A_182 : i32
    %convert_element_type3A_184 = arith.extui %eq3A_183 : i1 to i32
    %cond3A_185 = arith.constant 0 : i32
    %cond3A_186 = arith.cmpi ne, %convert_element_type3A_184, %cond3A_185 : i32
    scf.if %cond3A_186 {
      %get3A_371 = arith.constant 0 : index
      %get3A_372 = arith.constant 0 : index
      %get3A_373 = arith.constant 0 : index
      %get3A_374 = vector.load %arg26[%get3A_371, %get3A_372, %get3A_373] : memref<1x16x128xf32, #tpu.memory_space<vmem>>, vector<1x16x128xf32>
      %get3A_375 = vector.shape_cast %get3A_374 : vector<1x16x128xf32> to vector<16x128xf32>
      %swap3A_376 = arith.constant 0 : index
      %swap3A_377 = arith.constant 0 : index
      %swap3A_378 = arith.constant 7 : index
      %swap3A_379 = arith.constant 0 : index
      %swap3A_380 = vector.load %arg37[%swap3A_376, %swap3A_377, %swap3A_378, %swap3A_379] : memref<1x16x16x128xf32, #tpu.memory_space<vmem>>, vector<1x16x1x128xf32>
      %swap3A_381 = vector.shape_cast %swap3A_380 : vector<1x16x1x128xf32> to vector<16x128xf32>
      %swap3A_382 = vector.shape_cast %get3A_375 : vector<16x128xf32> to vector<1x16x1x128xf32>
      tpu.vector_store %arg37[%swap3A_376, %swap3A_377, %swap3A_378, %swap3A_379], %swap3A_382 {strides = array<i32>} : memref<1x16x16x128xf32, #tpu.memory_space<vmem>>, vector<1x16x1x128xf32>,
    } else {
    }
    %get3A_187 = arith.constant 0 : index
    %get3A_188 = arith.constant 0 : index
    %get3A_189 = arith.constant 0 : index
    %get3A_190 = vector.load %arg11[%get3A_187, %get3A_188, %get3A_189] : memref<1x16x128xf32, #tpu.memory_space<vmem>>, vector<1x16x128xf32>
    %get3A_191 = vector.shape_cast %get3A_190 : vector<1x16x128xf32> to vector<16x128xf32>
    %swap3A_192 = arith.constant 0 : index
    %swap3A_193 = arith.constant 0 : index
    %swap3A_194 = arith.constant 8 : index
    %swap3A_195 = arith.constant 0 : index
    %swap3A_196 = vector.load %arg36[%swap3A_192, %swap3A_193, %swap3A_194, %swap3A_195] : memref<1x16x16x128xf32, #tpu.memory_space<vmem>>, vector<1x16x1x128xf32>
    %swap3A_197 = vector.shape_cast %swap3A_196 : vector<1x16x1x128xf32> to vector<16x128xf32>
    %swap3A_198 = vector.shape_cast %get3A_191 : vector<16x128xf32> to vector<1x16x1x128xf32>
    tpu.vector_store %arg36[%swap3A_192, %swap3A_193, %swap3A_194, %swap3A_195], %swap3A_198 {strides = array<i32>} : memref<1x16x16x128xf32, #tpu.memory_space<vmem>>, vector<1x16x1x128xf32>,
    %mul3A_199 = arith.constant 16 : i32
    %mul3A_200 = arith.muli %arg0, %mul3A_199 : i32
    %add3A_201 = arith.constant 8 : i32
    %add3A_202 = arith.addi %mul3A_200, %add3A_201 : i32
    %get3A_203 = arith.index_cast %add3A_202 : i32 to index
    %get3A_204 = memref.load %arg2[%get3A_203] : memref<8192xi32, #tpu.memory_space<smem>>
    %eq3A_205 = arith.constant 1 : i32
    %eq3A_206 = arith.cmpi eq, %get3A_204, %eq3A_205 : i32
    %convert_element_type3A_207 = arith.extui %eq3A_206 : i1 to i32
    %cond3A_208 = arith.constant 0 : i32
    %cond3A_209 = arith.cmpi ne, %convert_element_type3A_207, %cond3A_208 : i32
    scf.if %cond3A_209 {
      %get3A_371 = arith.constant 0 : index
      %get3A_372 = arith.constant 0 : index
      %get3A_373 = arith.constant 0 : index
      %get3A_374 = vector.load %arg27[%get3A_371, %get3A_372, %get3A_373] : memref<1x16x128xf32, #tpu.memory_space<vmem>>, vector<1x16x128xf32>
      %get3A_375 = vector.shape_cast %get3A_374 : vector<1x16x128xf32> to vector<16x128xf32>
      %swap3A_376 = arith.constant 0 : index
      %swap3A_377 = arith.constant 0 : index
      %swap3A_378 = arith.constant 8 : index
      %swap3A_379 = arith.constant 0 : index
      %swap3A_380 = vector.load %arg37[%swap3A_376, %swap3A_377, %swap3A_378, %swap3A_379] : memref<1x16x16x128xf32, #tpu.memory_space<vmem>>, vector<1x16x1x128xf32>
      %swap3A_381 = vector.shape_cast %swap3A_380 : vector<1x16x1x128xf32> to vector<16x128xf32>
      %swap3A_382 = vector.shape_cast %get3A_375 : vector<16x128xf32> to vector<1x16x1x128xf32>
      tpu.vector_store %arg37[%swap3A_376, %swap3A_377, %swap3A_378, %swap3A_379], %swap3A_382 {strides = array<i32>} : memref<1x16x16x128xf32, #tpu.memory_space<vmem>>, vector<1x16x1x128xf32>,
    } else {
    }
    %get3A_210 = arith.constant 0 : index
    %get3A_211 = arith.constant 0 : index
    %get3A_212 = arith.constant 0 : index
    %get3A_213 = vector.load %arg12[%get3A_210, %get3A_211, %get3A_212] : memref<1x16x128xf32, #tpu.memory_space<vmem>>, vector<1x16x128xf32>
    %get3A_214 = vector.shape_cast %get3A_213 : vector<1x16x128xf32> to vector<16x128xf32>
    %swap3A_215 = arith.constant 0 : index
    %swap3A_216 = arith.constant 0 : index
    %swap3A_217 = arith.constant 9 : index
    %swap3A_218 = arith.constant 0 : index
    %swap3A_219 = vector.load %arg36[%swap3A_215, %swap3A_216, %swap3A_217, %swap3A_218] : memref<1x16x16x128xf32, #tpu.memory_space<vmem>>, vector<1x16x1x128xf32>
    %swap3A_220 = vector.shape_cast %swap3A_219 : vector<1x16x1x128xf32> to vector<16x128xf32>
    %swap3A_221 = vector.shape_cast %get3A_214 : vector<16x128xf32> to vector<1x16x1x128xf32>
    tpu.vector_store %arg36[%swap3A_215, %swap3A_216, %swap3A_217, %swap3A_218], %swap3A_221 {strides = array<i32>} : memref<1x16x16x128xf32, #tpu.memory_space<vmem>>, vector<1x16x1x128xf32>,
    %mul3A_222 = arith.constant 16 : i32
    %mul3A_223 = arith.muli %arg0, %mul3A_222 : i32
    %add3A_224 = arith.constant 9 : i32
    %add3A_225 = arith.addi %mul3A_223, %add3A_224 : i32
    %get3A_226 = arith.index_cast %add3A_225 : i32 to index
    %get3A_227 = memref.load %arg2[%get3A_226] : memref<8192xi32, #tpu.memory_space<smem>>
    %eq3A_228 = arith.constant 1 : i32
    %eq3A_229 = arith.cmpi eq, %get3A_227, %eq3A_228 : i32
    %convert_element_type3A_230 = arith.extui %eq3A_229 : i1 to i32
    %cond3A_231 = arith.constant 0 : i32
    %cond3A_232 = arith.cmpi ne, %convert_element_type3A_230, %cond3A_231 : i32
    scf.if %cond3A_232 {
      %get3A_371 = arith.constant 0 : index
      %get3A_372 = arith.constant 0 : index
      %get3A_373 = arith.constant 0 : index
      %get3A_374 = vector.load %arg28[%get3A_371, %get3A_372, %get3A_373] : memref<1x16x128xf32, #tpu.memory_space<vmem>>, vector<1x16x128xf32>
      %get3A_375 = vector.shape_cast %get3A_374 : vector<1x16x128xf32> to vector<16x128xf32>
      %swap3A_376 = arith.constant 0 : index
      %swap3A_377 = arith.constant 0 : index
      %swap3A_378 = arith.constant 9 : index
      %swap3A_379 = arith.constant 0 : index
      %swap3A_380 = vector.load %arg37[%swap3A_376, %swap3A_377, %swap3A_378, %swap3A_379] : memref<1x16x16x128xf32, #tpu.memory_space<vmem>>, vector<1x16x1x128xf32>
      %swap3A_381 = vector.shape_cast %swap3A_380 : vector<1x16x1x128xf32> to vector<16x128xf32>
      %swap3A_382 = vector.shape_cast %get3A_375 : vector<16x128xf32> to vector<1x16x1x128xf32>
      tpu.vector_store %arg37[%swap3A_376, %swap3A_377, %swap3A_378, %swap3A_379], %swap3A_382 {strides = array<i32>} : memref<1x16x16x128xf32, #tpu.memory_space<vmem>>, vector<1x16x1x128xf32>,
    } else {
    }
    %get3A_233 = arith.constant 0 : index
    %get3A_234 = arith.constant 0 : index
    %get3A_235 = arith.constant 0 : index
    %get3A_236 = vector.load %arg13[%get3A_233, %get3A_234, %get3A_235] : memref<1x16x128xf32, #tpu.memory_space<vmem>>, vector<1x16x128xf32>
    %get3A_237 = vector.shape_cast %get3A_236 : vector<1x16x128xf32> to vector<16x128xf32>
    %swap3A_238 = arith.constant 0 : index
    %swap3A_239 = arith.constant 0 : index
    %swap3A_240 = arith.constant 10 : index
    %swap3A_241 = arith.constant 0 : index
    %swap3A_242 = vector.load %arg36[%swap3A_238, %swap3A_239, %swap3A_240, %swap3A_241] : memref<1x16x16x128xf32, #tpu.memory_space<vmem>>, vector<1x16x1x128xf32>
    %swap3A_243 = vector.shape_cast %swap3A_242 : vector<1x16x1x128xf32> to vector<16x128xf32>
    %swap3A_244 = vector.shape_cast %get3A_237 : vector<16x128xf32> to vector<1x16x1x128xf32>
    tpu.vector_store %arg36[%swap3A_238, %swap3A_239, %swap3A_240, %swap3A_241], %swap3A_244 {strides = array<i32>} : memref<1x16x16x128xf32, #tpu.memory_space<vmem>>, vector<1x16x1x128xf32>,
    %mul3A_245 = arith.constant 16 : i32
    %mul3A_246 = arith.muli %arg0, %mul3A_245 : i32
    %add3A_247 = arith.constant 10 : i32
    %add3A_248 = arith.addi %mul3A_246, %add3A_247 : i32
    %get3A_249 = arith.index_cast %add3A_248 : i32 to index
    %get3A_250 = memref.load %arg2[%get3A_249] : memref<8192xi32, #tpu.memory_space<smem>>
    %eq3A_251 = arith.constant 1 : i32
    %eq3A_252 = arith.cmpi eq, %get3A_250, %eq3A_251 : i32
    %convert_element_type3A_253 = arith.extui %eq3A_252 : i1 to i32
    %cond3A_254 = arith.constant 0 : i32
    %cond3A_255 = arith.cmpi ne, %convert_element_type3A_253, %cond3A_254 : i32
    scf.if %cond3A_255 {
      %get3A_371 = arith.constant 0 : index
      %get3A_372 = arith.constant 0 : index
      %get3A_373 = arith.constant 0 : index
      %get3A_374 = vector.load %arg29[%get3A_371, %get3A_372, %get3A_373] : memref<1x16x128xf32, #tpu.memory_space<vmem>>, vector<1x16x128xf32>
      %get3A_375 = vector.shape_cast %get3A_374 : vector<1x16x128xf32> to vector<16x128xf32>
      %swap3A_376 = arith.constant 0 : index
      %swap3A_377 = arith.constant 0 : index
      %swap3A_378 = arith.constant 10 : index
      %swap3A_379 = arith.constant 0 : index
      %swap3A_380 = vector.load %arg37[%swap3A_376, %swap3A_377, %swap3A_378, %swap3A_379] : memref<1x16x16x128xf32, #tpu.memory_space<vmem>>, vector<1x16x1x128xf32>
      %swap3A_381 = vector.shape_cast %swap3A_380 : vector<1x16x1x128xf32> to vector<16x128xf32>
      %swap3A_382 = vector.shape_cast %get3A_375 : vector<16x128xf32> to vector<1x16x1x128xf32>
      tpu.vector_store %arg37[%swap3A_376, %swap3A_377, %swap3A_378, %swap3A_379], %swap3A_382 {strides = array<i32>} : memref<1x16x16x128xf32, #tpu.memory_space<vmem>>, vector<1x16x1x128xf32>,
    } else {
    }
    %get3A_256 = arith.constant 0 : index
    %get3A_257 = arith.constant 0 : index
    %get3A_258 = arith.constant 0 : index
    %get3A_259 = vector.load %arg14[%get3A_256, %get3A_257, %get3A_258] : memref<1x16x128xf32, #tpu.memory_space<vmem>>, vector<1x16x128xf32>
    %get3A_260 = vector.shape_cast %get3A_259 : vector<1x16x128xf32> to vector<16x128xf32>
    %swap3A_261 = arith.constant 0 : index
    %swap3A_262 = arith.constant 0 : index
    %swap3A_263 = arith.constant 11 : index
    %swap3A_264 = arith.constant 0 : index
    %swap3A_265 = vector.load %arg36[%swap3A_261, %swap3A_262, %swap3A_263, %swap3A_264] : memref<1x16x16x128xf32, #tpu.memory_space<vmem>>, vector<1x16x1x128xf32>
    %swap3A_266 = vector.shape_cast %swap3A_265 : vector<1x16x1x128xf32> to vector<16x128xf32>
    %swap3A_267 = vector.shape_cast %get3A_260 : vector<16x128xf32> to vector<1x16x1x128xf32>
    tpu.vector_store %arg36[%swap3A_261, %swap3A_262, %swap3A_263, %swap3A_264], %swap3A_267 {strides = array<i32>} : memref<1x16x16x128xf32, #tpu.memory_space<vmem>>, vector<1x16x1x128xf32>,
    %mul3A_268 = arith.constant 16 : i32
    %mul3A_269 = arith.muli %arg0, %mul3A_268 : i32
    %add3A_270 = arith.constant 11 : i32
    %add3A_271 = arith.addi %mul3A_269, %add3A_270 : i32
    %get3A_272 = arith.index_cast %add3A_271 : i32 to index
    %get3A_273 = memref.load %arg2[%get3A_272] : memref<8192xi32, #tpu.memory_space<smem>>
    %eq3A_274 = arith.constant 1 : i32
    %eq3A_275 = arith.cmpi eq, %get3A_273, %eq3A_274 : i32
    %convert_element_type3A_276 = arith.extui %eq3A_275 : i1 to i32
    %cond3A_277 = arith.constant 0 : i32
    %cond3A_278 = arith.cmpi ne, %convert_element_type3A_276, %cond3A_277 : i32
    scf.if %cond3A_278 {
      %get3A_371 = arith.constant 0 : index
      %get3A_372 = arith.constant 0 : index
      %get3A_373 = arith.constant 0 : index
      %get3A_374 = vector.load %arg30[%get3A_371, %get3A_372, %get3A_373] : memref<1x16x128xf32, #tpu.memory_space<vmem>>, vector<1x16x128xf32>
      %get3A_375 = vector.shape_cast %get3A_374 : vector<1x16x128xf32> to vector<16x128xf32>
      %swap3A_376 = arith.constant 0 : index
      %swap3A_377 = arith.constant 0 : index
      %swap3A_378 = arith.constant 11 : index
      %swap3A_379 = arith.constant 0 : index
      %swap3A_380 = vector.load %arg37[%swap3A_376, %swap3A_377, %swap3A_378, %swap3A_379] : memref<1x16x16x128xf32, #tpu.memory_space<vmem>>, vector<1x16x1x128xf32>
      %swap3A_381 = vector.shape_cast %swap3A_380 : vector<1x16x1x128xf32> to vector<16x128xf32>
      %swap3A_382 = vector.shape_cast %get3A_375 : vector<16x128xf32> to vector<1x16x1x128xf32>
      tpu.vector_store %arg37[%swap3A_376, %swap3A_377, %swap3A_378, %swap3A_379], %swap3A_382 {strides = array<i32>} : memref<1x16x16x128xf32, #tpu.memory_space<vmem>>, vector<1x16x1x128xf32>,
    } else {
    }
    %get3A_279 = arith.constant 0 : index
    %get3A_280 = arith.constant 0 : index
    %get3A_281 = arith.constant 0 : index
    %get3A_282 = vector.load %arg15[%get3A_279, %get3A_280, %get3A_281] : memref<1x16x128xf32, #tpu.memory_space<vmem>>, vector<1x16x128xf32>
    %get3A_283 = vector.shape_cast %get3A_282 : vector<1x16x128xf32> to vector<16x128xf32>
    %swap3A_284 = arith.constant 0 : index
    %swap3A_285 = arith.constant 0 : index
    %swap3A_286 = arith.constant 12 : index
    %swap3A_287 = arith.constant 0 : index
    %swap3A_288 = vector.load %arg36[%swap3A_284, %swap3A_285, %swap3A_286, %swap3A_287] : memref<1x16x16x128xf32, #tpu.memory_space<vmem>>, vector<1x16x1x128xf32>
    %swap3A_289 = vector.shape_cast %swap3A_288 : vector<1x16x1x128xf32> to vector<16x128xf32>
    %swap3A_290 = vector.shape_cast %get3A_283 : vector<16x128xf32> to vector<1x16x1x128xf32>
    tpu.vector_store %arg36[%swap3A_284, %swap3A_285, %swap3A_286, %swap3A_287], %swap3A_290 {strides = array<i32>} : memref<1x16x16x128xf32, #tpu.memory_space<vmem>>, vector<1x16x1x128xf32>,
    %mul3A_291 = arith.constant 16 : i32
    %mul3A_292 = arith.muli %arg0, %mul3A_291 : i32
    %add3A_293 = arith.constant 12 : i32
    %add3A_294 = arith.addi %mul3A_292, %add3A_293 : i32
    %get3A_295 = arith.index_cast %add3A_294 : i32 to index
    %get3A_296 = memref.load %arg2[%get3A_295] : memref<8192xi32, #tpu.memory_space<smem>>
    %eq3A_297 = arith.constant 1 : i32
    %eq3A_298 = arith.cmpi eq, %get3A_296, %eq3A_297 : i32
    %convert_element_type3A_299 = arith.extui %eq3A_298 : i1 to i32
    %cond3A_300 = arith.constant 0 : i32
    %cond3A_301 = arith.cmpi ne, %convert_element_type3A_299, %cond3A_300 : i32
    scf.if %cond3A_301 {
      %get3A_371 = arith.constant 0 : index
      %get3A_372 = arith.constant 0 : index
      %get3A_373 = arith.constant 0 : index
      %get3A_374 = vector.load %arg31[%get3A_371, %get3A_372, %get3A_373] : memref<1x16x128xf32, #tpu.memory_space<vmem>>, vector<1x16x128xf32>
      %get3A_375 = vector.shape_cast %get3A_374 : vector<1x16x128xf32> to vector<16x128xf32>
      %swap3A_376 = arith.constant 0 : index
      %swap3A_377 = arith.constant 0 : index
      %swap3A_378 = arith.constant 12 : index
      %swap3A_379 = arith.constant 0 : index
      %swap3A_380 = vector.load %arg37[%swap3A_376, %swap3A_377, %swap3A_378, %swap3A_379] : memref<1x16x16x128xf32, #tpu.memory_space<vmem>>, vector<1x16x1x128xf32>
      %swap3A_381 = vector.shape_cast %swap3A_380 : vector<1x16x1x128xf32> to vector<16x128xf32>
      %swap3A_382 = vector.shape_cast %get3A_375 : vector<16x128xf32> to vector<1x16x1x128xf32>
      tpu.vector_store %arg37[%swap3A_376, %swap3A_377, %swap3A_378, %swap3A_379], %swap3A_382 {strides = array<i32>} : memref<1x16x16x128xf32, #tpu.memory_space<vmem>>, vector<1x16x1x128xf32>,
    } else {
    }
    %get3A_302 = arith.constant 0 : index
    %get3A_303 = arith.constant 0 : index
    %get3A_304 = arith.constant 0 : index
    %get3A_305 = vector.load %arg16[%get3A_302, %get3A_303, %get3A_304] : memref<1x16x128xf32, #tpu.memory_space<vmem>>, vector<1x16x128xf32>
    %get3A_306 = vector.shape_cast %get3A_305 : vector<1x16x128xf32> to vector<16x128xf32>
    %swap3A_307 = arith.constant 0 : index
    %swap3A_308 = arith.constant 0 : index
    %swap3A_309 = arith.constant 13 : index
    %swap3A_310 = arith.constant 0 : index
    %swap3A_311 = vector.load %arg36[%swap3A_307, %swap3A_308, %swap3A_309, %swap3A_310] : memref<1x16x16x128xf32, #tpu.memory_space<vmem>>, vector<1x16x1x128xf32>
    %swap3A_312 = vector.shape_cast %swap3A_311 : vector<1x16x1x128xf32> to vector<16x128xf32>
    %swap3A_313 = vector.shape_cast %get3A_306 : vector<16x128xf32> to vector<1x16x1x128xf32>
    tpu.vector_store %arg36[%swap3A_307, %swap3A_308, %swap3A_309, %swap3A_310], %swap3A_313 {strides = array<i32>} : memref<1x16x16x128xf32, #tpu.memory_space<vmem>>, vector<1x16x1x128xf32>,
    %mul3A_314 = arith.constant 16 : i32
    %mul3A_315 = arith.muli %arg0, %mul3A_314 : i32
    %add3A_316 = arith.constant 13 : i32
    %add3A_317 = arith.addi %mul3A_315, %add3A_316 : i32
    %get3A_318 = arith.index_cast %add3A_317 : i32 to index
    %get3A_319 = memref.load %arg2[%get3A_318] : memref<8192xi32, #tpu.memory_space<smem>>
    %eq3A_320 = arith.constant 1 : i32
    %eq3A_321 = arith.cmpi eq, %get3A_319, %eq3A_320 : i32
    %convert_element_type3A_322 = arith.extui %eq3A_321 : i1 to i32
    %cond3A_323 = arith.constant 0 : i32
    %cond3A_324 = arith.cmpi ne, %convert_element_type3A_322, %cond3A_323 : i32
    scf.if %cond3A_324 {
      %get3A_371 = arith.constant 0 : index
      %get3A_372 = arith.constant 0 : index
      %get3A_373 = arith.constant 0 : index
      %get3A_374 = vector.load %arg32[%get3A_371, %get3A_372, %get3A_373] : memref<1x16x128xf32, #tpu.memory_space<vmem>>, vector<1x16x128xf32>
      %get3A_375 = vector.shape_cast %get3A_374 : vector<1x16x128xf32> to vector<16x128xf32>
      %swap3A_376 = arith.constant 0 : index
      %swap3A_377 = arith.constant 0 : index
      %swap3A_378 = arith.constant 13 : index
      %swap3A_379 = arith.constant 0 : index
      %swap3A_380 = vector.load %arg37[%swap3A_376, %swap3A_377, %swap3A_378, %swap3A_379] : memref<1x16x16x128xf32, #tpu.memory_space<vmem>>, vector<1x16x1x128xf32>
      %swap3A_381 = vector.shape_cast %swap3A_380 : vector<1x16x1x128xf32> to vector<16x128xf32>
      %swap3A_382 = vector.shape_cast %get3A_375 : vector<16x128xf32> to vector<1x16x1x128xf32>
      tpu.vector_store %arg37[%swap3A_376, %swap3A_377, %swap3A_378, %swap3A_379], %swap3A_382 {strides = array<i32>} : memref<1x16x16x128xf32, #tpu.memory_space<vmem>>, vector<1x16x1x128xf32>,
    } else {
    }
    %get3A_325 = arith.constant 0 : index
    %get3A_326 = arith.constant 0 : index
    %get3A_327 = arith.constant 0 : index
    %get3A_328 = vector.load %arg17[%get3A_325, %get3A_326, %get3A_327] : memref<1x16x128xf32, #tpu.memory_space<vmem>>, vector<1x16x128xf32>
    %get3A_329 = vector.shape_cast %get3A_328 : vector<1x16x128xf32> to vector<16x128xf32>
    %swap3A_330 = arith.constant 0 : index
    %swap3A_331 = arith.constant 0 : index
    %swap3A_332 = arith.constant 14 : index
    %swap3A_333 = arith.constant 0 : index
    %swap3A_334 = vector.load %arg36[%swap3A_330, %swap3A_331, %swap3A_332, %swap3A_333] : memref<1x16x16x128xf32, #tpu.memory_space<vmem>>, vector<1x16x1x128xf32>
    %swap3A_335 = vector.shape_cast %swap3A_334 : vector<1x16x1x128xf32> to vector<16x128xf32>
    %swap3A_336 = vector.shape_cast %get3A_329 : vector<16x128xf32> to vector<1x16x1x128xf32>
    tpu.vector_store %arg36[%swap3A_330, %swap3A_331, %swap3A_332, %swap3A_333], %swap3A_336 {strides = array<i32>} : memref<1x16x16x128xf32, #tpu.memory_space<vmem>>, vector<1x16x1x128xf32>,
    %mul3A_337 = arith.constant 16 : i32
    %mul3A_338 = arith.muli %arg0, %mul3A_337 : i32
    %add3A_339 = arith.constant 14 : i32
    %add3A_340 = arith.addi %mul3A_338, %add3A_339 : i32
    %get3A_341 = arith.index_cast %add3A_340 : i32 to index
    %get3A_342 = memref.load %arg2[%get3A_341] : memref<8192xi32, #tpu.memory_space<smem>>
    %eq3A_343 = arith.constant 1 : i32
    %eq3A_344 = arith.cmpi eq, %get3A_342, %eq3A_343 : i32
    %convert_element_type3A_345 = arith.extui %eq3A_344 : i1 to i32
    %cond3A_346 = arith.constant 0 : i32
    %cond3A_347 = arith.cmpi ne, %convert_element_type3A_345, %cond3A_346 : i32
    scf.if %cond3A_347 {
      %get3A_371 = arith.constant 0 : index
      %get3A_372 = arith.constant 0 : index
      %get3A_373 = arith.constant 0 : index
      %get3A_374 = vector.load %arg33[%get3A_371, %get3A_372, %get3A_373] : memref<1x16x128xf32, #tpu.memory_space<vmem>>, vector<1x16x128xf32>
      %get3A_375 = vector.shape_cast %get3A_374 : vector<1x16x128xf32> to vector<16x128xf32>
      %swap3A_376 = arith.constant 0 : index
      %swap3A_377 = arith.constant 0 : index
      %swap3A_378 = arith.constant 14 : index
      %swap3A_379 = arith.constant 0 : index
      %swap3A_380 = vector.load %arg37[%swap3A_376, %swap3A_377, %swap3A_378, %swap3A_379] : memref<1x16x16x128xf32, #tpu.memory_space<vmem>>, vector<1x16x1x128xf32>
      %swap3A_381 = vector.shape_cast %swap3A_380 : vector<1x16x1x128xf32> to vector<16x128xf32>
      %swap3A_382 = vector.shape_cast %get3A_375 : vector<16x128xf32> to vector<1x16x1x128xf32>
      tpu.vector_store %arg37[%swap3A_376, %swap3A_377, %swap3A_378, %swap3A_379], %swap3A_382 {strides = array<i32>} : memref<1x16x16x128xf32, #tpu.memory_space<vmem>>, vector<1x16x1x128xf32>,
    } else {
    }
    %get3A_348 = arith.constant 0 : index
    %get3A_349 = arith.constant 0 : index
    %get3A_350 = arith.constant 0 : index
    %get3A_351 = vector.load %arg18[%get3A_348, %get3A_349, %get3A_350] : memref<1x16x128xf32, #tpu.memory_space<vmem>>, vector<1x16x128xf32>
    %get3A_352 = vector.shape_cast %get3A_351 : vector<1x16x128xf32> to vector<16x128xf32>
    %swap3A_353 = arith.constant 0 : index
    %swap3A_354 = arith.constant 0 : index
    %swap3A_355 = arith.constant 15 : index
    %swap3A_356 = arith.constant 0 : index
    %swap3A_357 = vector.load %arg36[%swap3A_353, %swap3A_354, %swap3A_355, %swap3A_356] : memref<1x16x16x128xf32, #tpu.memory_space<vmem>>, vector<1x16x1x128xf32>
    %swap3A_358 = vector.shape_cast %swap3A_357 : vector<1x16x1x128xf32> to vector<16x128xf32>
    %swap3A_359 = vector.shape_cast %get3A_352 : vector<16x128xf32> to vector<1x16x1x128xf32>
    tpu.vector_store %arg36[%swap3A_353, %swap3A_354, %swap3A_355, %swap3A_356], %swap3A_359 {strides = array<i32>} : memref<1x16x16x128xf32, #tpu.memory_space<vmem>>, vector<1x16x1x128xf32>,
    %mul3A_360 = arith.constant 16 : i32
    %mul3A_361 = arith.muli %arg0, %mul3A_360 : i32
    %add3A_362 = arith.constant 15 : i32
    %add3A_363 = arith.addi %mul3A_361, %add3A_362 : i32
    %get3A_364 = arith.index_cast %add3A_363 : i32 to index
    %get3A_365 = memref.load %arg2[%get3A_364] : memref<8192xi32, #tpu.memory_space<smem>>
    %eq3A_366 = arith.constant 1 : i32
    %eq3A_367 = arith.cmpi eq, %get3A_365, %eq3A_366 : i32
    %convert_element_type3A_368 = arith.extui %eq3A_367 : i1 to i32
    %cond3A_369 = arith.constant 0 : i32
    %cond3A_370 = arith.cmpi ne, %convert_element_type3A_368, %cond3A_369 : i32
    scf.if %cond3A_370 {
      %get3A_371 = arith.constant 0 : index
      %get3A_372 = arith.constant 0 : index
      %get3A_373 = arith.constant 0 : index
      %get3A_374 = vector.load %arg34[%get3A_371, %get3A_372, %get3A_373] : memref<1x16x128xf32, #tpu.memory_space<vmem>>, vector<1x16x128xf32>
      %get3A_375 = vector.shape_cast %get3A_374 : vector<1x16x128xf32> to vector<16x128xf32>
      %swap3A_376 = arith.constant 0 : index
      %swap3A_377 = arith.constant 0 : index
      %swap3A_378 = arith.constant 15 : index
      %swap3A_379 = arith.constant 0 : index
      %swap3A_380 = vector.load %arg37[%swap3A_376, %swap3A_377, %swap3A_378, %swap3A_379] : memref<1x16x16x128xf32, #tpu.memory_space<vmem>>, vector<1x16x1x128xf32>
      %swap3A_381 = vector.shape_cast %swap3A_380 : vector<1x16x1x128xf32> to vector<16x128xf32>
      %swap3A_382 = vector.shape_cast %get3A_375 : vector<16x128xf32> to vector<1x16x1x128xf32>
      tpu.vector_store %arg37[%swap3A_376, %swap3A_377, %swap3A_378, %swap3A_379], %swap3A_382 {strides = array<i32>} : memref<1x16x16x128xf32, #tpu.memory_space<vmem>>, vector<1x16x1x128xf32>,
    } else {
    }
    return
  }
  func.func @transform_0(%arg0: i32, %arg1: memref<8192xi32, #tpu.memory_space<smem>>, %arg2: memref<8192xi32, #tpu.memory_space<smem>>) -> (i32, i32, i32) {
    %mul3A = arith.constant 16 : i32
    %mul3A_0 = arith.muli %arg0, %mul3A : i32
    %add3A = arith.constant 0 : i32
    %add3A_1 = arith.addi %mul3A_0, %add3A : i32
    %get3A = arith.index_cast %add3A_1 : i32 to index
    %get3A_2 = memref.load %arg1[%get3A] : memref<8192xi32, #tpu.memory_space<smem>>
    %c0_i32 = arith.constant 0 : i32
    %c0_i32_3 = arith.constant 0 : i32
    %c0_i32_4 = arith.constant 0 : i32
    return %get3A_2, %c0_i32, %c0_i32_3 : i32, i32, i32
  }
  func.func @transform_1(%arg0: i32, %arg1: memref<8192xi32, #tpu.memory_space<smem>>, %arg2: memref<8192xi32, #tpu.memory_space<smem>>) -> (i32, i32, i32) {
    %mul3A = arith.constant 16 : i32
    %mul3A_0 = arith.muli %arg0, %mul3A : i32
    %add3A = arith.constant 1 : i32
    %add3A_1 = arith.addi %mul3A_0, %add3A : i32
    %get3A = arith.index_cast %add3A_1 : i32 to index
    %get3A_2 = memref.load %arg1[%get3A] : memref<8192xi32, #tpu.memory_space<smem>>
    %c0_i32 = arith.constant 0 : i32
    %c0_i32_3 = arith.constant 0 : i32
    %c0_i32_4 = arith.constant 0 : i32
    return %get3A_2, %c0_i32, %c0_i32_3 : i32, i32, i32
  }
  func.func @transform_2(%arg0: i32, %arg1: memref<8192xi32, #tpu.memory_space<smem>>, %arg2: memref<8192xi32, #tpu.memory_space<smem>>) -> (i32, i32, i32) {
    %mul3A = arith.constant 16 : i32
    %mul3A_0 = arith.muli %arg0, %mul3A : i32
    %add3A = arith.constant 2 : i32
    %add3A_1 = arith.addi %mul3A_0, %add3A : i32
    %get3A = arith.index_cast %add3A_1 : i32 to index
    %get3A_2 = memref.load %arg1[%get3A] : memref<8192xi32, #tpu.memory_space<smem>>
    %c0_i32 = arith.constant 0 : i32
    %c0_i32_3 = arith.constant 0 : i32
    %c0_i32_4 = arith.constant 0 : i32
    return %get3A_2, %c0_i32, %c0_i32_3 : i32, i32, i32
  }
  func.func @transform_3(%arg0: i32, %arg1: memref<8192xi32, #tpu.memory_space<smem>>, %arg2: memref<8192xi32, #tpu.memory_space<smem>>) -> (i32, i32, i32) {
    %mul3A = arith.constant 16 : i32
    %mul3A_0 = arith.muli %arg0, %mul3A : i32
    %add3A = arith.constant 3 : i32
    %add3A_1 = arith.addi %mul3A_0, %add3A : i32
    %get3A = arith.index_cast %add3A_1 : i32 to index
    %get3A_2 = memref.load %arg1[%get3A] : memref<8192xi32, #tpu.memory_space<smem>>
    %c0_i32 = arith.constant 0 : i32
    %c0_i32_3 = arith.constant 0 : i32
    %c0_i32_4 = arith.constant 0 : i32
    return %get3A_2, %c0_i32, %c0_i32_3 : i32, i32, i32
  }
  func.func @transform_4(%arg0: i32, %arg1: memref<8192xi32, #tpu.memory_space<smem>>, %arg2: memref<8192xi32, #tpu.memory_space<smem>>) -> (i32, i32, i32) {
    %mul3A = arith.constant 16 : i32
    %mul3A_0 = arith.muli %arg0, %mul3A : i32
    %add3A = arith.constant 4 : i32
    %add3A_1 = arith.addi %mul3A_0, %add3A : i32
    %get3A = arith.index_cast %add3A_1 : i32 to index
    %get3A_2 = memref.load %arg1[%get3A] : memref<8192xi32, #tpu.memory_space<smem>>
    %c0_i32 = arith.constant 0 : i32
    %c0_i32_3 = arith.constant 0 : i32
    %c0_i32_4 = arith.constant 0 : i32
    return %get3A_2, %c0_i32, %c0_i32_3 : i32, i32, i32
  }
  func.func @transform_5(%arg0: i32, %arg1: memref<8192xi32, #tpu.memory_space<smem>>, %arg2: memref<8192xi32, #tpu.memory_space<smem>>) -> (i32, i32, i32) {
    %mul3A = arith.constant 16 : i32
    %mul3A_0 = arith.muli %arg0, %mul3A : i32
    %add3A = arith.constant 5 : i32
    %add3A_1 = arith.addi %mul3A_0, %add3A : i32
    %get3A = arith.index_cast %add3A_1 : i32 to index
    %get3A_2 = memref.load %arg1[%get3A] : memref<8192xi32, #tpu.memory_space<smem>>
    %c0_i32 = arith.constant 0 : i32
    %c0_i32_3 = arith.constant 0 : i32
    %c0_i32_4 = arith.constant 0 : i32
    return %get3A_2, %c0_i32, %c0_i32_3 : i32, i32, i32
  }
  func.func @transform_6(%arg0: i32, %arg1: memref<8192xi32, #tpu.memory_space<smem>>, %arg2: memref<8192xi32, #tpu.memory_space<smem>>) -> (i32, i32, i32) {
    %mul3A = arith.constant 16 : i32
    %mul3A_0 = arith.muli %arg0, %mul3A : i32
    %add3A = arith.constant 6 : i32
    %add3A_1 = arith.addi %mul3A_0, %add3A : i32
    %get3A = arith.index_cast %add3A_1 : i32 to index
    %get3A_2 = memref.load %arg1[%get3A] : memref<8192xi32, #tpu.memory_space<smem>>
    %c0_i32 = arith.constant 0 : i32
    %c0_i32_3 = arith.constant 0 : i32
    %c0_i32_4 = arith.constant 0 : i32
    return %get3A_2, %c0_i32, %c0_i32_3 : i32, i32, i32
  }
  func.func @transform_7(%arg0: i32, %arg1: memref<8192xi32, #tpu.memory_space<smem>>, %arg2: memref<8192xi32, #tpu.memory_space<smem>>) -> (i32, i32, i32) {
    %mul3A = arith.constant 16 : i32
    %mul3A_0 = arith.muli %arg0, %mul3A : i32
    %add3A = arith.constant 7 : i32
    %add3A_1 = arith.addi %mul3A_0, %add3A : i32
    %get3A = arith.index_cast %add3A_1 : i32 to index
    %get3A_2 = memref.load %arg1[%get3A] : memref<8192xi32, #tpu.memory_space<smem>>
    %c0_i32 = arith.constant 0 : i32
    %c0_i32_3 = arith.constant 0 : i32
    %c0_i32_4 = arith.constant 0 : i32
    return %get3A_2, %c0_i32, %c0_i32_3 : i32, i32, i32
  }
  func.func @transform_8(%arg0: i32, %arg1: memref<8192xi32, #tpu.memory_space<smem>>, %arg2: memref<8192xi32, #tpu.memory_space<smem>>) -> (i32, i32, i32) {
    %mul3A = arith.constant 16 : i32
    %mul3A_0 = arith.muli %arg0, %mul3A : i32
    %add3A = arith.constant 8 : i32
    %add3A_1 = arith.addi %mul3A_0, %add3A : i32
    %get3A = arith.index_cast %add3A_1 : i32 to index
    %get3A_2 = memref.load %arg1[%get3A] : memref<8192xi32, #tpu.memory_space<smem>>
    %c0_i32 = arith.constant 0 : i32
    %c0_i32_3 = arith.constant 0 : i32
    %c0_i32_4 = arith.constant 0 : i32
    return %get3A_2, %c0_i32, %c0_i32_3 : i32, i32, i32
  }
  func.func @transform_9(%arg0: i32, %arg1: memref<8192xi32, #tpu.memory_space<smem>>, %arg2: memref<8192xi32, #tpu.memory_space<smem>>) -> (i32, i32, i32) {
    %mul3A = arith.constant 16 : i32
    %mul3A_0 = arith.muli %arg0, %mul3A : i32
    %add3A = arith.constant 9 : i32
    %add3A_1 = arith.addi %mul3A_0, %add3A : i32
    %get3A = arith.index_cast %add3A_1 : i32 to index
    %get3A_2 = memref.load %arg1[%get3A] : memref<8192xi32, #tpu.memory_space<smem>>
    %c0_i32 = arith.constant 0 : i32
    %c0_i32_3 = arith.constant 0 : i32
    %c0_i32_4 = arith.constant 0 : i32
    return %get3A_2, %c0_i32, %c0_i32_3 : i32, i32, i32
  }
  func.func @transform_10(%arg0: i32, %arg1: memref<8192xi32, #tpu.memory_space<smem>>, %arg2: memref<8192xi32, #tpu.memory_space<smem>>) -> (i32, i32, i32) {
    %mul3A = arith.constant 16 : i32
    %mul3A_0 = arith.muli %arg0, %mul3A : i32
    %add3A = arith.constant 10 : i32
    %add3A_1 = arith.addi %mul3A_0, %add3A : i32
    %get3A = arith.index_cast %add3A_1 : i32 to index
    %get3A_2 = memref.load %arg1[%get3A] : memref<8192xi32, #tpu.memory_space<smem>>
    %c0_i32 = arith.constant 0 : i32
    %c0_i32_3 = arith.constant 0 : i32
    %c0_i32_4 = arith.constant 0 : i32
    return %get3A_2, %c0_i32, %c0_i32_3 : i32, i32, i32
  }
  func.func @transform_11(%arg0: i32, %arg1: memref<8192xi32, #tpu.memory_space<smem>>, %arg2: memref<8192xi32, #tpu.memory_space<smem>>) -> (i32, i32, i32) {
    %mul3A = arith.constant 16 : i32
    %mul3A_0 = arith.muli %arg0, %mul3A : i32
    %add3A = arith.constant 11 : i32
    %add3A_1 = arith.addi %mul3A_0, %add3A : i32
    %get3A = arith.index_cast %add3A_1 : i32 to index
    %get3A_2 = memref.load %arg1[%get3A] : memref<8192xi32, #tpu.memory_space<smem>>
    %c0_i32 = arith.constant 0 : i32
    %c0_i32_3 = arith.constant 0 : i32
    %c0_i32_4 = arith.constant 0 : i32
    return %get3A_2, %c0_i32, %c0_i32_3 : i32, i32, i32
  }
  func.func @transform_12(%arg0: i32, %arg1: memref<8192xi32, #tpu.memory_space<smem>>, %arg2: memref<8192xi32, #tpu.memory_space<smem>>) -> (i32, i32, i32) {
    %mul3A = arith.constant 16 : i32
    %mul3A_0 = arith.muli %arg0, %mul3A : i32
    %add3A = arith.constant 12 : i32
    %add3A_1 = arith.addi %mul3A_0, %add3A : i32
    %get3A = arith.index_cast %add3A_1 : i32 to index
    %get3A_2 = memref.load %arg1[%get3A] : memref<8192xi32, #tpu.memory_space<smem>>
    %c0_i32 = arith.constant 0 : i32
    %c0_i32_3 = arith.constant 0 : i32
    %c0_i32_4 = arith.constant 0 : i32
    return %get3A_2, %c0_i32, %c0_i32_3 : i32, i32, i32
  }
  func.func @transform_13(%arg0: i32, %arg1: memref<8192xi32, #tpu.memory_space<smem>>, %arg2: memref<8192xi32, #tpu.memory_space<smem>>) -> (i32, i32, i32) {
    %mul3A = arith.constant 16 : i32
    %mul3A_0 = arith.muli %arg0, %mul3A : i32
    %add3A = arith.constant 13 : i32
    %add3A_1 = arith.addi %mul3A_0, %add3A : i32
    %get3A = arith.index_cast %add3A_1 : i32 to index
    %get3A_2 = memref.load %arg1[%get3A] : memref<8192xi32, #tpu.memory_space<smem>>
    %c0_i32 = arith.constant 0 : i32
    %c0_i32_3 = arith.constant 0 : i32
    %c0_i32_4 = arith.constant 0 : i32
    return %get3A_2, %c0_i32, %c0_i32_3 : i32, i32, i32
  }
  func.func @transform_14(%arg0: i32, %arg1: memref<8192xi32, #tpu.memory_space<smem>>, %arg2: memref<8192xi32, #tpu.memory_space<smem>>) -> (i32, i32, i32) {
    %mul3A = arith.constant 16 : i32
    %mul3A_0 = arith.muli %arg0, %mul3A : i32
    %add3A = arith.constant 14 : i32
    %add3A_1 = arith.addi %mul3A_0, %add3A : i32
    %get3A = arith.index_cast %add3A_1 : i32 to index
    %get3A_2 = memref.load %arg1[%get3A] : memref<8192xi32, #tpu.memory_space<smem>>
    %c0_i32 = arith.constant 0 : i32
    %c0_i32_3 = arith.constant 0 : i32
    %c0_i32_4 = arith.constant 0 : i32
    return %get3A_2, %c0_i32, %c0_i32_3 : i32, i32, i32
  }
  func.func @transform_15(%arg0: i32, %arg1: memref<8192xi32, #tpu.memory_space<smem>>, %arg2: memref<8192xi32, #tpu.memory_space<smem>>) -> (i32, i32, i32) {
    %mul3A = arith.constant 16 : i32
    %mul3A_0 = arith.muli %arg0, %mul3A : i32
    %add3A = arith.constant 15 : i32
    %add3A_1 = arith.addi %mul3A_0, %add3A : i32
    %get3A = arith.index_cast %add3A_1 : i32 to index
    %get3A_2 = memref.load %arg1[%get3A] : memref<8192xi32, #tpu.memory_space<smem>>
    %c0_i32 = arith.constant 0 : i32
    %c0_i32_3 = arith.constant 0 : i32
    %c0_i32_4 = arith.constant 0 : i32
    return %get3A_2, %c0_i32, %c0_i32_3 : i32, i32, i32
  }
  func.func @transform_16(%arg0: i32, %arg1: memref<8192xi32, #tpu.memory_space<smem>>, %arg2: memref<8192xi32, #tpu.memory_space<smem>>) -> (i32, i32, i32) {
    %mul3A = arith.constant 16 : i32
    %mul3A_0 = arith.muli %arg0, %mul3A : i32
    %add3A = arith.constant 0 : i32
    %add3A_1 = arith.addi %mul3A_0, %add3A : i32
    %get3A = arith.index_cast %add3A_1 : i32 to index
    %get3A_2 = memref.load %arg1[%get3A] : memref<8192xi32, #tpu.memory_space<smem>>
    %c0_i32 = arith.constant 0 : i32
    %c0_i32_3 = arith.constant 0 : i32
    %c0_i32_4 = arith.constant 0 : i32
    return %get3A_2, %c0_i32, %c0_i32_3 : i32, i32, i32
  }
  func.func @transform_17(%arg0: i32, %arg1: memref<8192xi32, #tpu.memory_space<smem>>, %arg2: memref<8192xi32, #tpu.memory_space<smem>>) -> (i32, i32, i32) {
    %mul3A = arith.constant 16 : i32
    %mul3A_0 = arith.muli %arg0, %mul3A : i32
    %add3A = arith.constant 1 : i32
    %add3A_1 = arith.addi %mul3A_0, %add3A : i32
    %get3A = arith.index_cast %add3A_1 : i32 to index
    %get3A_2 = memref.load %arg1[%get3A] : memref<8192xi32, #tpu.memory_space<smem>>
    %c0_i32 = arith.constant 0 : i32
    %c0_i32_3 = arith.constant 0 : i32
    %c0_i32_4 = arith.constant 0 : i32
    return %get3A_2, %c0_i32, %c0_i32_3 : i32, i32, i32
  }
  func.func @transform_18(%arg0: i32, %arg1: memref<8192xi32, #tpu.memory_space<smem>>, %arg2: memref<8192xi32, #tpu.memory_space<smem>>) -> (i32, i32, i32) {
    %mul3A = arith.constant 16 : i32
    %mul3A_0 = arith.muli %arg0, %mul3A : i32
    %add3A = arith.constant 2 : i32
    %add3A_1 = arith.addi %mul3A_0, %add3A : i32
    %get3A = arith.index_cast %add3A_1 : i32 to index
    %get3A_2 = memref.load %arg1[%get3A] : memref<8192xi32, #tpu.memory_space<smem>>
    %c0_i32 = arith.constant 0 : i32
    %c0_i32_3 = arith.constant 0 : i32
    %c0_i32_4 = arith.constant 0 : i32
    return %get3A_2, %c0_i32, %c0_i32_3 : i32, i32, i32
  }
  func.func @transform_19(%arg0: i32, %arg1: memref<8192xi32, #tpu.memory_space<smem>>, %arg2: memref<8192xi32, #tpu.memory_space<smem>>) -> (i32, i32, i32) {
    %mul3A = arith.constant 16 : i32
    %mul3A_0 = arith.muli %arg0, %mul3A : i32
    %add3A = arith.constant 3 : i32
    %add3A_1 = arith.addi %mul3A_0, %add3A : i32
    %get3A = arith.index_cast %add3A_1 : i32 to index
    %get3A_2 = memref.load %arg1[%get3A] : memref<8192xi32, #tpu.memory_space<smem>>
    %c0_i32 = arith.constant 0 : i32
    %c0_i32_3 = arith.constant 0 : i32
    %c0_i32_4 = arith.constant 0 : i32
    return %get3A_2, %c0_i32, %c0_i32_3 : i32, i32, i32
  }
  func.func @transform_20(%arg0: i32, %arg1: memref<8192xi32, #tpu.memory_space<smem>>, %arg2: memref<8192xi32, #tpu.memory_space<smem>>) -> (i32, i32, i32) {
    %mul3A = arith.constant 16 : i32
    %mul3A_0 = arith.muli %arg0, %mul3A : i32
    %add3A = arith.constant 4 : i32
    %add3A_1 = arith.addi %mul3A_0, %add3A : i32
    %get3A = arith.index_cast %add3A_1 : i32 to index
    %get3A_2 = memref.load %arg1[%get3A] : memref<8192xi32, #tpu.memory_space<smem>>
    %c0_i32 = arith.constant 0 : i32
    %c0_i32_3 = arith.constant 0 : i32
    %c0_i32_4 = arith.constant 0 : i32
    return %get3A_2, %c0_i32, %c0_i32_3 : i32, i32, i32
  }
  func.func @transform_21(%arg0: i32, %arg1: memref<8192xi32, #tpu.memory_space<smem>>, %arg2: memref<8192xi32, #tpu.memory_space<smem>>) -> (i32, i32, i32) {
    %mul3A = arith.constant 16 : i32
    %mul3A_0 = arith.muli %arg0, %mul3A : i32
    %add3A = arith.constant 5 : i32
    %add3A_1 = arith.addi %mul3A_0, %add3A : i32
    %get3A = arith.index_cast %add3A_1 : i32 to index
    %get3A_2 = memref.load %arg1[%get3A] : memref<8192xi32, #tpu.memory_space<smem>>
    %c0_i32 = arith.constant 0 : i32
    %c0_i32_3 = arith.constant 0 : i32
    %c0_i32_4 = arith.constant 0 : i32
    return %get3A_2, %c0_i32, %c0_i32_3 : i32, i32, i32
  }
  func.func @transform_22(%arg0: i32, %arg1: memref<8192xi32, #tpu.memory_space<smem>>, %arg2: memref<8192xi32, #tpu.memory_space<smem>>) -> (i32, i32, i32) {
    %mul3A = arith.constant 16 : i32
    %mul3A_0 = arith.muli %arg0, %mul3A : i32
    %add3A = arith.constant 6 : i32
    %add3A_1 = arith.addi %mul3A_0, %add3A : i32
    %get3A = arith.index_cast %add3A_1 : i32 to index
    %get3A_2 = memref.load %arg1[%get3A] : memref<8192xi32, #tpu.memory_space<smem>>
    %c0_i32 = arith.constant 0 : i32
    %c0_i32_3 = arith.constant 0 : i32
    %c0_i32_4 = arith.constant 0 : i32
    return %get3A_2, %c0_i32, %c0_i32_3 : i32, i32, i32
  }
  func.func @transform_23(%arg0: i32, %arg1: memref<8192xi32, #tpu.memory_space<smem>>, %arg2: memref<8192xi32, #tpu.memory_space<smem>>) -> (i32, i32, i32) {
    %mul3A = arith.constant 16 : i32
    %mul3A_0 = arith.muli %arg0, %mul3A : i32
    %add3A = arith.constant 7 : i32
    %add3A_1 = arith.addi %mul3A_0, %add3A : i32
    %get3A = arith.index_cast %add3A_1 : i32 to index
    %get3A_2 = memref.load %arg1[%get3A] : memref<8192xi32, #tpu.memory_space<smem>>
    %c0_i32 = arith.constant 0 : i32
    %c0_i32_3 = arith.constant 0 : i32
    %c0_i32_4 = arith.constant 0 : i32
    return %get3A_2, %c0_i32, %c0_i32_3 : i32, i32, i32
  }
  func.func @transform_24(%arg0: i32, %arg1: memref<8192xi32, #tpu.memory_space<smem>>, %arg2: memref<8192xi32, #tpu.memory_space<smem>>) -> (i32, i32, i32) {
    %mul3A = arith.constant 16 : i32
    %mul3A_0 = arith.muli %arg0, %mul3A : i32
    %add3A = arith.constant 8 : i32
    %add3A_1 = arith.addi %mul3A_0, %add3A : i32
    %get3A = arith.index_cast %add3A_1 : i32 to index
    %get3A_2 = memref.load %arg1[%get3A] : memref<8192xi32, #tpu.memory_space<smem>>
    %c0_i32 = arith.constant 0 : i32
    %c0_i32_3 = arith.constant 0 : i32
    %c0_i32_4 = arith.constant 0 : i32
    return %get3A_2, %c0_i32, %c0_i32_3 : i32, i32, i32
  }
  func.func @transform_25(%arg0: i32, %arg1: memref<8192xi32, #tpu.memory_space<smem>>, %arg2: memref<8192xi32, #tpu.memory_space<smem>>) -> (i32, i32, i32) {
    %mul3A = arith.constant 16 : i32
    %mul3A_0 = arith.muli %arg0, %mul3A : i32
    %add3A = arith.constant 9 : i32
    %add3A_1 = arith.addi %mul3A_0, %add3A : i32
    %get3A = arith.index_cast %add3A_1 : i32 to index
    %get3A_2 = memref.load %arg1[%get3A] : memref<8192xi32, #tpu.memory_space<smem>>
    %c0_i32 = arith.constant 0 : i32
    %c0_i32_3 = arith.constant 0 : i32
    %c0_i32_4 = arith.constant 0 : i32
    return %get3A_2, %c0_i32, %c0_i32_3 : i32, i32, i32
  }
  func.func @transform_26(%arg0: i32, %arg1: memref<8192xi32, #tpu.memory_space<smem>>, %arg2: memref<8192xi32, #tpu.memory_space<smem>>) -> (i32, i32, i32) {
    %mul3A = arith.constant 16 : i32
    %mul3A_0 = arith.muli %arg0, %mul3A : i32
    %add3A = arith.constant 10 : i32
    %add3A_1 = arith.addi %mul3A_0, %add3A : i32
    %get3A = arith.index_cast %add3A_1 : i32 to index
    %get3A_2 = memref.load %arg1[%get3A] : memref<8192xi32, #tpu.memory_space<smem>>
    %c0_i32 = arith.constant 0 : i32
    %c0_i32_3 = arith.constant 0 : i32
    %c0_i32_4 = arith.constant 0 : i32
    return %get3A_2, %c0_i32, %c0_i32_3 : i32, i32, i32
  }
  func.func @transform_27(%arg0: i32, %arg1: memref<8192xi32, #tpu.memory_space<smem>>, %arg2: memref<8192xi32, #tpu.memory_space<smem>>) -> (i32, i32, i32) {
    %mul3A = arith.constant 16 : i32
    %mul3A_0 = arith.muli %arg0, %mul3A : i32
    %add3A = arith.constant 11 : i32
    %add3A_1 = arith.addi %mul3A_0, %add3A : i32
    %get3A = arith.index_cast %add3A_1 : i32 to index
    %get3A_2 = memref.load %arg1[%get3A] : memref<8192xi32, #tpu.memory_space<smem>>
    %c0_i32 = arith.constant 0 : i32
    %c0_i32_3 = arith.constant 0 : i32
    %c0_i32_4 = arith.constant 0 : i32
    return %get3A_2, %c0_i32, %c0_i32_3 : i32, i32, i32
  }
  func.func @transform_28(%arg0: i32, %arg1: memref<8192xi32, #tpu.memory_space<smem>>, %arg2: memref<8192xi32, #tpu.memory_space<smem>>) -> (i32, i32, i32) {
    %mul3A = arith.constant 16 : i32
    %mul3A_0 = arith.muli %arg0, %mul3A : i32
    %add3A = arith.constant 12 : i32
    %add3A_1 = arith.addi %mul3A_0, %add3A : i32
    %get3A = arith.index_cast %add3A_1 : i32 to index
    %get3A_2 = memref.load %arg1[%get3A] : memref<8192xi32, #tpu.memory_space<smem>>
    %c0_i32 = arith.constant 0 : i32
    %c0_i32_3 = arith.constant 0 : i32
    %c0_i32_4 = arith.constant 0 : i32
    return %get3A_2, %c0_i32, %c0_i32_3 : i32, i32, i32
  }
  func.func @transform_29(%arg0: i32, %arg1: memref<8192xi32, #tpu.memory_space<smem>>, %arg2: memref<8192xi32, #tpu.memory_space<smem>>) -> (i32, i32, i32) {
    %mul3A = arith.constant 16 : i32
    %mul3A_0 = arith.muli %arg0, %mul3A : i32
    %add3A = arith.constant 13 : i32
    %add3A_1 = arith.addi %mul3A_0, %add3A : i32
    %get3A = arith.index_cast %add3A_1 : i32 to index
    %get3A_2 = memref.load %arg1[%get3A] : memref<8192xi32, #tpu.memory_space<smem>>
    %c0_i32 = arith.constant 0 : i32
    %c0_i32_3 = arith.constant 0 : i32
    %c0_i32_4 = arith.constant 0 : i32
    return %get3A_2, %c0_i32, %c0_i32_3 : i32, i32, i32
  }
  func.func @transform_30(%arg0: i32, %arg1: memref<8192xi32, #tpu.memory_space<smem>>, %arg2: memref<8192xi32, #tpu.memory_space<smem>>) -> (i32, i32, i32) {
    %mul3A = arith.constant 16 : i32
    %mul3A_0 = arith.muli %arg0, %mul3A : i32
    %add3A = arith.constant 14 : i32
    %add3A_1 = arith.addi %mul3A_0, %add3A : i32
    %get3A = arith.index_cast %add3A_1 : i32 to index
    %get3A_2 = memref.load %arg1[%get3A] : memref<8192xi32, #tpu.memory_space<smem>>
    %c0_i32 = arith.constant 0 : i32
    %c0_i32_3 = arith.constant 0 : i32
    %c0_i32_4 = arith.constant 0 : i32
    return %get3A_2, %c0_i32, %c0_i32_3 : i32, i32, i32
  }
  func.func @transform_31(%arg0: i32, %arg1: memref<8192xi32, #tpu.memory_space<smem>>, %arg2: memref<8192xi32, #tpu.memory_space<smem>>) -> (i32, i32, i32) {
    %mul3A = arith.constant 16 : i32
    %mul3A_0 = arith.muli %arg0, %mul3A : i32
    %add3A = arith.constant 15 : i32
    %add3A_1 = arith.addi %mul3A_0, %add3A : i32
    %get3A = arith.index_cast %add3A_1 : i32 to index
    %get3A_2 = memref.load %arg1[%get3A] : memref<8192xi32, #tpu.memory_space<smem>>
    %c0_i32 = arith.constant 0 : i32
    %c0_i32_3 = arith.constant 0 : i32
    %c0_i32_4 = arith.constant 0 : i32
    return %get3A_2, %c0_i32, %c0_i32_3 : i32, i32, i32
  }
  func.func @transform_32(%arg0: i32, %arg1: memref<8192xi32, #tpu.memory_space<smem>>, %arg2: memref<8192xi32, #tpu.memory_space<smem>>) -> (i32, i32, i32, i32) {
    %c0_i32 = arith.constant 0 : i32
    %c0_i32_0 = arith.constant 0 : i32
    %c0_i32_1 = arith.constant 0 : i32
    %c0_i32_2 = arith.constant 0 : i32
    return %arg0, %c0_i32, %c0_i32_0, %c0_i32_1 : i32, i32, i32, i32
  }
  func.func @transform_33(%arg0: i32, %arg1: memref<8192xi32, #tpu.memory_space<smem>>, %arg2: memref<8192xi32, #tpu.memory_space<smem>>) -> (i32, i32, i32, i32) {
    %c0_i32 = arith.constant 0 : i32
    %c0_i32_0 = arith.constant 0 : i32
    %c0_i32_1 = arith.constant 0 : i32
    %c0_i32_2 = arith.constant 0 : i32
    return %arg0, %c0_i32, %c0_i32_0, %c0_i32_1 : i32, i32, i32, i32
  }
  func.func @transform_34(%arg0: i32, %arg1: memref<8192xi32, #tpu.memory_space<smem>>, %arg2: memref<8192xi32, #tpu.memory_space<smem>>) -> (i32, i32, i32, i32) {
    %c0_i32 = arith.constant 0 : i32
    %c0_i32_0 = arith.constant 0 : i32
    %c0_i32_1 = arith.constant 0 : i32
    %c0_i32_2 = arith.constant 0 : i32
    return %arg0, %c0_i32, %c0_i32_0, %c0_i32_1 : i32, i32, i32, i32
  }
}

module attributes {stable_mosaic.version = 14 : i64} {
  func.func @_gen_body(%arg0: i32, %arg1: i32, %arg2: memref<16x64xi32, #tpu.memory_space<smem>>, %arg3: memref<16xi32, #tpu.memory_space<smem>>, %arg4: memref<1x16x128xf32, #tpu.memory_space<vmem>>, %arg5: memref<1x16x16x128xf32, #tpu.memory_space<vmem>>, %arg6: memref<1x16x16x128xf32, #tpu.memory_space<vmem>>, %arg7: memref<1x16x16x128xf32, #tpu.memory_space<vmem>>, %arg8: memref<1x16x16x128xf32, #tpu.memory_space<vmem>>, %arg9: memref<1x16x16x128xf32, #tpu.memory_space<vmem>>, %arg10: memref<1x16x16x128xf32, #tpu.memory_space<vmem>>, %arg11: memref<1x16x16x128xf32, #tpu.memory_space<vmem>>, %arg12: memref<1x16x16x128xf32, #tpu.memory_space<vmem>>, %arg13: memref<1x16x16x128xf32, #tpu.memory_space<vmem>>, %arg14: memref<1x16x16x128xf32, #tpu.memory_space<vmem>>, %arg15: memref<1x16x16x128xf32, #tpu.memory_space<vmem>>, %arg16: memref<1x16x16x128xf32, #tpu.memory_space<vmem>>, %arg17: memref<1x16x16x128xf32, #tpu.memory_space<vmem>>, %arg18: memref<1x16x16x128xf32, #tpu.memory_space<vmem>>, %arg19: memref<1x16x16x128xf32, #tpu.memory_space<vmem>>, %arg20: memref<1x16x16x128xf32, #tpu.memory_space<vmem>>, %arg21: memref<1x16x16x128xf32, #tpu.memory_space<vmem>>, %arg22: memref<1x16x16x128xf32, #tpu.memory_space<vmem>>, %arg23: memref<1x16x16x128xf32, #tpu.memory_space<vmem>>, %arg24: memref<1x16x16x128xf32, #tpu.memory_space<vmem>>, %arg25: memref<1x16x16x128xf32, #tpu.memory_space<vmem>>, %arg26: memref<1x16x16x128xf32, #tpu.memory_space<vmem>>, %arg27: memref<1x16x16x128xf32, #tpu.memory_space<vmem>>, %arg28: memref<1x16x16x128xf32, #tpu.memory_space<vmem>>, %arg29: memref<1x16x16xf32, #tpu.memory_space<vmem>>, %arg30: memref<1x16x16xf32, #tpu.memory_space<vmem>>, %arg31: memref<1x16x16xf32, #tpu.memory_space<vmem>>, %arg32: memref<1x16x16xf32, #tpu.memory_space<vmem>>, %arg33: memref<1x16x16xf32, #tpu.memory_space<vmem>>, %arg34: memref<1x16x16xf32, #tpu.memory_space<vmem>>, %arg35: memref<1x16x16xf32, #tpu.memory_space<vmem>>, %arg36: memref<1x16x16xf32, #tpu.memory_space<vmem>>, %arg37: memref<1x16x128xf32, #tpu.memory_space<vmem>>, %arg38: memref<16x128xf32, #tpu.memory_space<vmem>>, %arg39: memref<16x128xf32, #tpu.memory_space<vmem>>, %arg40: memref<16x128xf32, #tpu.memory_space<vmem>>) attributes {dimension_semantics = [#tpu.dimension_semantics<arbitrary>, #tpu.dimension_semantics<arbitrary>], iteration_bounds = array<i64: 16, 8>, scalar_prefetch = 2 : i64, scratch_operands = 3 : i64, tpu.core_type = #tpu.core_type<tc>, window_params = [{transform_indices = @transform_0, window_bounds = array<i64: 1, 16, 128>}, {transform_indices = @transform_1, window_bounds = array<i64: 1, 16, 16, 128>}, {transform_indices = @transform_2, window_bounds = array<i64: 1, 16, 16, 128>}, {transform_indices = @transform_3, window_bounds = array<i64: 1, 16, 16, 128>}, {transform_indices = @transform_4, window_bounds = array<i64: 1, 16, 16, 128>}, {transform_indices = @transform_5, window_bounds = array<i64: 1, 16, 16, 128>}, {transform_indices = @transform_6, window_bounds = array<i64: 1, 16, 16, 128>}, {transform_indices = @transform_7, window_bounds = array<i64: 1, 16, 16, 128>}, {transform_indices = @transform_8, window_bounds = array<i64: 1, 16, 16, 128>}, {transform_indices = @transform_9, window_bounds = array<i64: 1, 16, 16, 128>}, {transform_indices = @transform_10, window_bounds = array<i64: 1, 16, 16, 128>}, {transform_indices = @transform_11, window_bounds = array<i64: 1, 16, 16, 128>}, {transform_indices = @transform_12, window_bounds = array<i64: 1, 16, 16, 128>}, {transform_indices = @transform_13, window_bounds = array<i64: 1, 16, 16, 128>}, {transform_indices = @transform_14, window_bounds = array<i64: 1, 16, 16, 128>}, {transform_indices = @transform_15, window_bounds = array<i64: 1, 16, 16, 128>}, {transform_indices = @transform_16, window_bounds = array<i64: 1, 16, 16, 128>}, {transform_indices = @transform_17, window_bounds = array<i64: 1, 16, 16, 128>}, {transform_indices = @transform_18, window_bounds = array<i64: 1, 16, 16, 128>}, {transform_indices = @transform_19, window_bounds = array<i64: 1, 16, 16, 128>}, {transform_indices = @transform_20, window_bounds = array<i64: 1, 16, 16, 128>}, {transform_indices = @transform_21, window_bounds = array<i64: 1, 16, 16, 128>}, {transform_indices = @transform_22, window_bounds = array<i64: 1, 16, 16, 128>}, {transform_indices = @transform_23, window_bounds = array<i64: 1, 16, 16, 128>}, {transform_indices = @transform_24, window_bounds = array<i64: 1, 16, 16, 128>}, {transform_indices = @transform_25, window_bounds = array<i64: 1, 16, 16>}, {transform_indices = @transform_26, window_bounds = array<i64: 1, 16, 16>}, {transform_indices = @transform_27, window_bounds = array<i64: 1, 16, 16>}, {transform_indices = @transform_28, window_bounds = array<i64: 1, 16, 16>}, {transform_indices = @transform_29, window_bounds = array<i64: 1, 16, 16>}, {transform_indices = @transform_30, window_bounds = array<i64: 1, 16, 16>}, {transform_indices = @transform_31, window_bounds = array<i64: 1, 16, 16>}, {transform_indices = @transform_32, window_bounds = array<i64: 1, 16, 16>}, {transform_indices = @transform_33, window_bounds = array<i64: 1, 16, 128>}]} {
    %get3A = arith.index_cast %arg0 : i32 to index
    %get3A_0 = memref.load %arg3[%get3A] : memref<16xi32, #tpu.memory_space<smem>>
    %eq3A = arith.constant 0 : i32
    %eq3A_1 = arith.cmpi eq, %arg1, %eq3A : i32
    %convert_element_type3A = arith.extui %eq3A_1 : i1 to i32
    %cond3A = arith.constant 0 : i32
    %cond3A_2 = arith.cmpi ne, %convert_element_type3A, %cond3A : i32
    scf.if %cond3A_2 {
      %broadcast_in_dim3A = arith.constant -1.000000e+30 : f32
      %broadcast_in_dim3A_14 = vector.broadcast %broadcast_in_dim3A : f32 to vector<16x128xf32>
      %swap3A = arith.constant 0 : index
      %swap3A_15 = arith.constant 0 : index
      %swap3A_16 = vector.load %arg38[%swap3A, %swap3A_15] : memref<16x128xf32, #tpu.memory_space<vmem>>, vector<16x128xf32>
      tpu.vector_store %arg38[%swap3A, %swap3A_15], %broadcast_in_dim3A_14 {strides = array<i32>} : memref<16x128xf32, #tpu.memory_space<vmem>>, vector<16x128xf32>,
      %broadcast_in_dim3A_17 = arith.constant 0.000000e+00 : f32
      %broadcast_in_dim3A_18 = vector.broadcast %broadcast_in_dim3A_17 : f32 to vector<16x128xf32>
      %swap3A_19 = arith.constant 0 : index
      %swap3A_20 = arith.constant 0 : index
      %swap3A_21 = vector.load %arg39[%swap3A_19, %swap3A_20] : memref<16x128xf32, #tpu.memory_space<vmem>>, vector<16x128xf32>
      tpu.vector_store %arg39[%swap3A_19, %swap3A_20], %broadcast_in_dim3A_18 {strides = array<i32>} : memref<16x128xf32, #tpu.memory_space<vmem>>, vector<16x128xf32>,
      %broadcast_in_dim3A_22 = arith.constant 0.000000e+00 : f32
      %broadcast_in_dim3A_23 = vector.broadcast %broadcast_in_dim3A_22 : f32 to vector<16x128xf32>
      %swap3A_24 = arith.constant 0 : index
      %swap3A_25 = arith.constant 0 : index
      %swap3A_26 = vector.load %arg40[%swap3A_24, %swap3A_25] : memref<16x128xf32, #tpu.memory_space<vmem>>, vector<16x128xf32>
      tpu.vector_store %arg40[%swap3A_24, %swap3A_25], %broadcast_in_dim3A_23 {strides = array<i32>} : memref<16x128xf32, #tpu.memory_space<vmem>>, vector<16x128xf32>,
    } else {
    }
    %mul3A = arith.constant 8 : i32
    %mul3A_3 = arith.muli %arg1, %mul3A : i32
    %mul3A_4 = arith.constant 16 : i32
    %mul3A_5 = arith.muli %mul3A_3, %mul3A_4 : i32
    %lt3A = arith.cmpi slt, %mul3A_5, %get3A_0 : i32
    %convert_element_type3A_6 = arith.extui %lt3A : i1 to i32
    %cond3A_7 = arith.constant 0 : i32
    %cond3A_8 = arith.cmpi ne, %convert_element_type3A_6, %cond3A_7 : i32
    scf.if %cond3A_8 {
      %get3A_14 = arith.constant 0 : index
      %get3A_15 = arith.constant 0 : index
      %get3A_16 = arith.constant 0 : index
      %get3A_17 = vector.load %arg4[%get3A_14, %get3A_15, %get3A_16] : memref<1x16x128xf32, #tpu.memory_space<vmem>>, vector<1x16x128xf32>
      %get3A_18 = vector.shape_cast %get3A_17 : vector<1x16x128xf32> to vector<16x128xf32>
      %mul3A_19 = arith.constant 0.0883883461 : f32
      %mul3A_20 = vector.broadcast %mul3A_19 : f32 to vector<16x128xf32>
      %mul3A_21 = arith.mulf %get3A_18, %mul3A_20 : vector<16x128xf32>
      %reshape3A = vector.shape_cast %mul3A_21 : vector<16x128xf32> to vector<16x16x1x8xf32>
      %broadcast_in_dim3A = vector.shape_cast %reshape3A : vector<16x16x1x8xf32> to vector<16x16x1x8xf32>
      %broadcast_in_dim3A_22 = vector.broadcast %broadcast_in_dim3A : vector<16x16x1x8xf32> to vector<16x16x16x8xf32>
      %reshape3A_23 = vector.shape_cast %broadcast_in_dim3A_22 : vector<16x16x16x8xf32> to vector<16x16x128xf32>
      %iota3A = tpu.iota {dimensions = array<i32: 0>} : vector<16x16x16xi32>
      %iota3A_24 = tpu.iota {dimensions = array<i32: 2>} : vector<16x16x16xi32>
      %eq3A_25 = arith.cmpi eq, %iota3A, %iota3A_24 : vector<16x16x16xi32>
      %convert_element_type3A_26 = arith.extui %eq3A_25 : vector<16x16x16xi1> to vector<16x16x16xi32>
      %convert_element_type3A_27 = arith.sitofp %convert_element_type3A_26 : vector<16x16x16xi32> to vector<16x16x16xf32>
      %get3A_28 = arith.constant 0 : index
      %get3A_29 = arith.constant 0 : index
      %get3A_30 = vector.load %arg38[%get3A_28, %get3A_29] : memref<16x128xf32, #tpu.memory_space<vmem>>, vector<16x1xf32>
      %get3A_31 = arith.constant 0 : index
      %get3A_32 = arith.constant 0 : index
      %get3A_33 = vector.load %arg39[%get3A_31, %get3A_32] : memref<16x128xf32, #tpu.memory_space<vmem>>, vector<16x1xf32>
      %get3A_34 = arith.constant 0 : index
      %get3A_35 = arith.constant 0 : index
      %get3A_36 = vector.load %arg40[%get3A_34, %get3A_35] : memref<16x128xf32, #tpu.memory_space<vmem>>, vector<16x128xf32>
      %get3A_37 = arith.constant 0 : index
      %get3A_38 = arith.constant 0 : index
      %get3A_39 = arith.constant 0 : index
      %get3A_40 = arith.constant 0 : index
      %get3A_41 = vector.load %arg5[%get3A_37, %get3A_38, %get3A_39, %get3A_40] : memref<1x16x16x128xf32, #tpu.memory_space<vmem>>, vector<1x16x16x128xf32>
      %get3A_42 = vector.shape_cast %get3A_41 : vector<1x16x16x128xf32> to vector<16x16x128xf32>
      %mul3A_43 = arith.mulf %get3A_42, %reshape3A_23 : vector<16x16x128xf32>
      %reduce_sum3A = arith.constant dense<0.000000e+00> : vector<16x128xf32>
      %reduce_sum3A_44 = vector.multi_reduction <add>, %mul3A_43, %reduce_sum3A [1] : vector<16x16x128xf32> to vector<16x128xf32>
      %reshape3A_45 = vector.shape_cast %reduce_sum3A_44 : vector<16x128xf32> to vector<16x16x8xf32>
      %reduce_sum3A_46 = arith.constant dense<0.000000e+00> : vector<16x16xf32>
      %reduce_sum3A_47 = vector.multi_reduction <add>, %reshape3A_45, %reduce_sum3A_46 [2] : vector<16x16x8xf32> to vector<16x16xf32>
      %get3A_48 = arith.constant 0 : index
      %get3A_49 = arith.constant 0 : index
      %get3A_50 = arith.constant 0 : index
      %get3A_51 = arith.constant 0 : index
      %get3A_52 = vector.load %arg21[%get3A_48, %get3A_49, %get3A_50, %get3A_51] : memref<1x16x16x128xf32, #tpu.memory_space<vmem>>, vector<1x16x16x128xf32>
      %get3A_53 = vector.shape_cast %get3A_52 : vector<1x16x16x128xf32> to vector<16x16x128xf32>
      %reshape3A_54 = vector.shape_cast %get3A_53 : vector<16x16x128xf32> to vector<256x128xf32>
      %dot_general3A = arith.constant dense<0.000000e+00> : vector<256x16xf32>
      %dot_general3A_55 = tpu.matmul %reshape3A_54, %mul3A_21, %dot_general3A {dimension_numbers = #tpu.dot_dimension_numbers<[1], [1], [0], [0], [0, 0, 1, 0], [], []>, transpose_lhs_hint = false} : vector<256x128xf32>, vector<16x128xf32>, vector<256x16xf32> -> vector<256x16xf32>
      %reshape3A_56 = vector.shape_cast %dot_general3A_55 : vector<256x16xf32> to vector<16x16x16xf32>
      %mul3A_57 = arith.mulf %reshape3A_56, %convert_element_type3A_27 : vector<16x16x16xf32>
      %reduce_sum3A_58 = arith.constant dense<0.000000e+00> : vector<16x16xf32>
      %reduce_sum3A_59 = vector.multi_reduction <add>, %mul3A_57, %reduce_sum3A_58 [2] : vector<16x16x16xf32> to vector<16x16xf32>
      %get3A_60 = arith.constant 0 : index
      %get3A_61 = arith.constant 0 : index
      %get3A_62 = arith.constant 0 : index
      %get3A_63 = vector.load %arg29[%get3A_60, %get3A_61, %get3A_62] : memref<1x16x16xf32, #tpu.memory_space<vmem>>, vector<1x16x16xf32>
      %get3A_64 = vector.shape_cast %get3A_63 : vector<1x16x16xf32> to vector<16x16xf32>
      %sub3A = arith.subf %reduce_sum3A_59, %reduce_sum3A_47 : vector<16x16xf32>
      %mul3A_65 = arith.mulf %get3A_64, %sub3A : vector<16x16xf32>
      %add3A = arith.addf %reduce_sum3A_47, %mul3A_65 : vector<16x16xf32>
      %mul3A_66 = arith.constant 8 : i32
      %mul3A_67 = arith.muli %arg1, %mul3A_66 : i32
      %add3A_68 = arith.constant 0 : i32
      %add3A_69 = arith.addi %mul3A_67, %add3A_68 : i32
      %mul3A_70 = arith.constant 16 : i32
      %mul3A_71 = arith.muli %add3A_69, %mul3A_70 : i32
      %iota3A_72 = tpu.iota {dimensions = array<i32: 1>} : vector<16x16xi32>
      %add3A_73 = vector.broadcast %mul3A_71 : i32 to vector<16x16xi32>
      %add3A_74 = arith.addi %add3A_73, %iota3A_72 : vector<16x16xi32>
      %lt3A_75 = vector.broadcast %get3A_0 : i32 to vector<16x16xi32>
      %lt3A_76 = arith.cmpi slt, %add3A_74, %lt3A_75 : vector<16x16xi32>
      %jit3A = arith.constant -1.000000e+30 : f32
      %broadcast_in_dim3A_77 = vector.broadcast %jit3A : f32 to vector<16x16xf32>
      %select_n3A = arith.select %lt3A_76, %add3A, %broadcast_in_dim3A_77 : vector<16x16xi1>, vector<16x16xf32>
      %reduce_max3A = arith.constant dense<0xFF800000> : vector<16xf32>
      %reduce_max3A_78 = vector.multi_reduction <maximumf>, %select_n3A, %reduce_max3A [1] : vector<16x16xf32> to vector<16xf32>
      %broadcast_in_dim3A_79 = vector.shape_cast %reduce_max3A_78 : vector<16xf32> to vector<16x1xf32>
      %max3A = arith.maximumf %get3A_30, %broadcast_in_dim3A_79 : vector<16x1xf32>
      %sub3A_80 = vector.broadcast %max3A : vector<16x1xf32> to vector<16x16xf32>
      %sub3A_81 = arith.subf %select_n3A, %sub3A_80 : vector<16x16xf32>
      %exp3A = math.exp %sub3A_81 : vector<16x16xf32>
      %sub3A_82 = arith.subf %get3A_30, %max3A : vector<16x1xf32>
      %exp3A_83 = math.exp %sub3A_82 : vector<16x1xf32>
      %mul3A_84 = arith.mulf %get3A_33, %exp3A_83 : vector<16x1xf32>
      %reduce_sum3A_85 = arith.constant dense<0.000000e+00> : vector<16xf32>
      %reduce_sum3A_86 = vector.multi_reduction <add>, %exp3A, %reduce_sum3A_85 [1] : vector<16x16xf32> to vector<16xf32>
      %broadcast_in_dim3A_87 = vector.shape_cast %reduce_sum3A_86 : vector<16xf32> to vector<16x1xf32>
      %add3A_88 = arith.addf %mul3A_84, %broadcast_in_dim3A_87 : vector<16x1xf32>
      %get3A_89 = arith.constant 0 : index
      %get3A_90 = arith.constant 0 : index
      %get3A_91 = arith.constant 0 : index
      %get3A_92 = arith.constant 0 : index
      %get3A_93 = vector.load %arg13[%get3A_89, %get3A_90, %get3A_91, %get3A_92] : memref<1x16x16x128xf32, #tpu.memory_space<vmem>>, vector<1x16x16x128xf32>
      %get3A_94 = vector.shape_cast %get3A_93 : vector<1x16x16x128xf32> to vector<16x16x128xf32>
      %broadcast_in_dim3A_95 = vector.shape_cast %exp3A : vector<16x16xf32> to vector<16x16x1xf32>
      %mul3A_96 = vector.broadcast %broadcast_in_dim3A_95 : vector<16x16x1xf32> to vector<16x16x128xf32>
      %mul3A_97 = arith.mulf %get3A_94, %mul3A_96 : vector<16x16x128xf32>
      %reduce_sum3A_98 = arith.constant dense<0.000000e+00> : vector<16x128xf32>
      %reduce_sum3A_99 = vector.multi_reduction <add>, %mul3A_97, %reduce_sum3A_98 [1] : vector<16x16x128xf32> to vector<16x128xf32>
      %mul3A_100 = vector.broadcast %exp3A_83 : vector<16x1xf32> to vector<16x128xf32>
      %mul3A_101 = arith.mulf %get3A_36, %mul3A_100 : vector<16x128xf32>
      %add3A_102 = arith.addf %mul3A_101, %reduce_sum3A_99 : vector<16x128xf32>
      %get3A_103 = arith.constant 0 : index
      %get3A_104 = arith.constant 0 : index
      %get3A_105 = arith.constant 0 : index
      %get3A_106 = arith.constant 0 : index
      %get3A_107 = vector.load %arg6[%get3A_103, %get3A_104, %get3A_105, %get3A_106] : memref<1x16x16x128xf32, #tpu.memory_space<vmem>>, vector<1x16x16x128xf32>
      %get3A_108 = vector.shape_cast %get3A_107 : vector<1x16x16x128xf32> to vector<16x16x128xf32>
      %mul3A_109 = arith.mulf %get3A_108, %reshape3A_23 : vector<16x16x128xf32>
      %reduce_sum3A_110 = arith.constant dense<0.000000e+00> : vector<16x128xf32>
      %reduce_sum3A_111 = vector.multi_reduction <add>, %mul3A_109, %reduce_sum3A_110 [1] : vector<16x16x128xf32> to vector<16x128xf32>
      %reshape3A_112 = vector.shape_cast %reduce_sum3A_111 : vector<16x128xf32> to vector<16x16x8xf32>
      %reduce_sum3A_113 = arith.constant dense<0.000000e+00> : vector<16x16xf32>
      %reduce_sum3A_114 = vector.multi_reduction <add>, %reshape3A_112, %reduce_sum3A_113 [2] : vector<16x16x8xf32> to vector<16x16xf32>
      %get3A_115 = arith.constant 0 : index
      %get3A_116 = arith.constant 0 : index
      %get3A_117 = arith.constant 0 : index
      %get3A_118 = arith.constant 0 : index
      %get3A_119 = vector.load %arg22[%get3A_115, %get3A_116, %get3A_117, %get3A_118] : memref<1x16x16x128xf32, #tpu.memory_space<vmem>>, vector<1x16x16x128xf32>
      %get3A_120 = vector.shape_cast %get3A_119 : vector<1x16x16x128xf32> to vector<16x16x128xf32>
      %reshape3A_121 = vector.shape_cast %get3A_120 : vector<16x16x128xf32> to vector<256x128xf32>
      %dot_general3A_122 = arith.constant dense<0.000000e+00> : vector<256x16xf32>
      %dot_general3A_123 = tpu.matmul %reshape3A_121, %mul3A_21, %dot_general3A_122 {dimension_numbers = #tpu.dot_dimension_numbers<[1], [1], [0], [0], [0, 0, 1, 0], [], []>, transpose_lhs_hint = false} : vector<256x128xf32>, vector<16x128xf32>, vector<256x16xf32> -> vector<256x16xf32>
      %reshape3A_124 = vector.shape_cast %dot_general3A_123 : vector<256x16xf32> to vector<16x16x16xf32>
      %mul3A_125 = arith.mulf %reshape3A_124, %convert_element_type3A_27 : vector<16x16x16xf32>
      %reduce_sum3A_126 = arith.constant dense<0.000000e+00> : vector<16x16xf32>
      %reduce_sum3A_127 = vector.multi_reduction <add>, %mul3A_125, %reduce_sum3A_126 [2] : vector<16x16x16xf32> to vector<16x16xf32>
      %get3A_128 = arith.constant 0 : index
      %get3A_129 = arith.constant 0 : index
      %get3A_130 = arith.constant 0 : index
      %get3A_131 = vector.load %arg30[%get3A_128, %get3A_129, %get3A_130] : memref<1x16x16xf32, #tpu.memory_space<vmem>>, vector<1x16x16xf32>
      %get3A_132 = vector.shape_cast %get3A_131 : vector<1x16x16xf32> to vector<16x16xf32>
      %sub3A_133 = arith.subf %reduce_sum3A_127, %reduce_sum3A_114 : vector<16x16xf32>
      %mul3A_134 = arith.mulf %get3A_132, %sub3A_133 : vector<16x16xf32>
      %add3A_135 = arith.addf %reduce_sum3A_114, %mul3A_134 : vector<16x16xf32>
      %mul3A_136 = arith.constant 8 : i32
      %mul3A_137 = arith.muli %arg1, %mul3A_136 : i32
      %add3A_138 = arith.constant 1 : i32
      %add3A_139 = arith.addi %mul3A_137, %add3A_138 : i32
      %mul3A_140 = arith.constant 16 : i32
      %mul3A_141 = arith.muli %add3A_139, %mul3A_140 : i32
      %iota3A_142 = tpu.iota {dimensions = array<i32: 1>} : vector<16x16xi32>
      %add3A_143 = vector.broadcast %mul3A_141 : i32 to vector<16x16xi32>
      %add3A_144 = arith.addi %add3A_143, %iota3A_142 : vector<16x16xi32>
      %lt3A_145 = vector.broadcast %get3A_0 : i32 to vector<16x16xi32>
      %lt3A_146 = arith.cmpi slt, %add3A_144, %lt3A_145 : vector<16x16xi32>
      %jit3A_147 = arith.constant -1.000000e+30 : f32
      %broadcast_in_dim3A_148 = vector.broadcast %jit3A_147 : f32 to vector<16x16xf32>
      %select_n3A_149 = arith.select %lt3A_146, %add3A_135, %broadcast_in_dim3A_148 : vector<16x16xi1>, vector<16x16xf32>
      %reduce_max3A_150 = arith.constant dense<0xFF800000> : vector<16xf32>
      %reduce_max3A_151 = vector.multi_reduction <maximumf>, %select_n3A_149, %reduce_max3A_150 [1] : vector<16x16xf32> to vector<16xf32>
      %broadcast_in_dim3A_152 = vector.shape_cast %reduce_max3A_151 : vector<16xf32> to vector<16x1xf32>
      %max3A_153 = arith.maximumf %max3A, %broadcast_in_dim3A_152 : vector<16x1xf32>
      %sub3A_154 = vector.broadcast %max3A_153 : vector<16x1xf32> to vector<16x16xf32>
      %sub3A_155 = arith.subf %select_n3A_149, %sub3A_154 : vector<16x16xf32>
      %exp3A_156 = math.exp %sub3A_155 : vector<16x16xf32>
      %sub3A_157 = arith.subf %max3A, %max3A_153 : vector<16x1xf32>
      %exp3A_158 = math.exp %sub3A_157 : vector<16x1xf32>
      %mul3A_159 = arith.mulf %add3A_88, %exp3A_158 : vector<16x1xf32>
      %reduce_sum3A_160 = arith.constant dense<0.000000e+00> : vector<16xf32>
      %reduce_sum3A_161 = vector.multi_reduction <add>, %exp3A_156, %reduce_sum3A_160 [1] : vector<16x16xf32> to vector<16xf32>
      %broadcast_in_dim3A_162 = vector.shape_cast %reduce_sum3A_161 : vector<16xf32> to vector<16x1xf32>
      %add3A_163 = arith.addf %mul3A_159, %broadcast_in_dim3A_162 : vector<16x1xf32>
      %get3A_164 = arith.constant 0 : index
      %get3A_165 = arith.constant 0 : index
      %get3A_166 = arith.constant 0 : index
      %get3A_167 = arith.constant 0 : index
      %get3A_168 = vector.load %arg14[%get3A_164, %get3A_165, %get3A_166, %get3A_167] : memref<1x16x16x128xf32, #tpu.memory_space<vmem>>, vector<1x16x16x128xf32>
      %get3A_169 = vector.shape_cast %get3A_168 : vector<1x16x16x128xf32> to vector<16x16x128xf32>
      %broadcast_in_dim3A_170 = vector.shape_cast %exp3A_156 : vector<16x16xf32> to vector<16x16x1xf32>
      %mul3A_171 = vector.broadcast %broadcast_in_dim3A_170 : vector<16x16x1xf32> to vector<16x16x128xf32>
      %mul3A_172 = arith.mulf %get3A_169, %mul3A_171 : vector<16x16x128xf32>
      %reduce_sum3A_173 = arith.constant dense<0.000000e+00> : vector<16x128xf32>
      %reduce_sum3A_174 = vector.multi_reduction <add>, %mul3A_172, %reduce_sum3A_173 [1] : vector<16x16x128xf32> to vector<16x128xf32>
      %mul3A_175 = vector.broadcast %exp3A_158 : vector<16x1xf32> to vector<16x128xf32>
      %mul3A_176 = arith.mulf %add3A_102, %mul3A_175 : vector<16x128xf32>
      %add3A_177 = arith.addf %mul3A_176, %reduce_sum3A_174 : vector<16x128xf32>
      %get3A_178 = arith.constant 0 : index
      %get3A_179 = arith.constant 0 : index
      %get3A_180 = arith.constant 0 : index
      %get3A_181 = arith.constant 0 : index
      %get3A_182 = vector.load %arg7[%get3A_178, %get3A_179, %get3A_180, %get3A_181] : memref<1x16x16x128xf32, #tpu.memory_space<vmem>>, vector<1x16x16x128xf32>
      %get3A_183 = vector.shape_cast %get3A_182 : vector<1x16x16x128xf32> to vector<16x16x128xf32>
      %mul3A_184 = arith.mulf %get3A_183, %reshape3A_23 : vector<16x16x128xf32>
      %reduce_sum3A_185 = arith.constant dense<0.000000e+00> : vector<16x128xf32>
      %reduce_sum3A_186 = vector.multi_reduction <add>, %mul3A_184, %reduce_sum3A_185 [1] : vector<16x16x128xf32> to vector<16x128xf32>
      %reshape3A_187 = vector.shape_cast %reduce_sum3A_186 : vector<16x128xf32> to vector<16x16x8xf32>
      %reduce_sum3A_188 = arith.constant dense<0.000000e+00> : vector<16x16xf32>
      %reduce_sum3A_189 = vector.multi_reduction <add>, %reshape3A_187, %reduce_sum3A_188 [2] : vector<16x16x8xf32> to vector<16x16xf32>
      %get3A_190 = arith.constant 0 : index
      %get3A_191 = arith.constant 0 : index
      %get3A_192 = arith.constant 0 : index
      %get3A_193 = arith.constant 0 : index
      %get3A_194 = vector.load %arg23[%get3A_190, %get3A_191, %get3A_192, %get3A_193] : memref<1x16x16x128xf32, #tpu.memory_space<vmem>>, vector<1x16x16x128xf32>
      %get3A_195 = vector.shape_cast %get3A_194 : vector<1x16x16x128xf32> to vector<16x16x128xf32>
      %reshape3A_196 = vector.shape_cast %get3A_195 : vector<16x16x128xf32> to vector<256x128xf32>
      %dot_general3A_197 = arith.constant dense<0.000000e+00> : vector<256x16xf32>
      %dot_general3A_198 = tpu.matmul %reshape3A_196, %mul3A_21, %dot_general3A_197 {dimension_numbers = #tpu.dot_dimension_numbers<[1], [1], [0], [0], [0, 0, 1, 0], [], []>, transpose_lhs_hint = false} : vector<256x128xf32>, vector<16x128xf32>, vector<256x16xf32> -> vector<256x16xf32>
      %reshape3A_199 = vector.shape_cast %dot_general3A_198 : vector<256x16xf32> to vector<16x16x16xf32>
      %mul3A_200 = arith.mulf %reshape3A_199, %convert_element_type3A_27 : vector<16x16x16xf32>
      %reduce_sum3A_201 = arith.constant dense<0.000000e+00> : vector<16x16xf32>
      %reduce_sum3A_202 = vector.multi_reduction <add>, %mul3A_200, %reduce_sum3A_201 [2] : vector<16x16x16xf32> to vector<16x16xf32>
      %get3A_203 = arith.constant 0 : index
      %get3A_204 = arith.constant 0 : index
      %get3A_205 = arith.constant 0 : index
      %get3A_206 = vector.load %arg31[%get3A_203, %get3A_204, %get3A_205] : memref<1x16x16xf32, #tpu.memory_space<vmem>>, vector<1x16x16xf32>
      %get3A_207 = vector.shape_cast %get3A_206 : vector<1x16x16xf32> to vector<16x16xf32>
      %sub3A_208 = arith.subf %reduce_sum3A_202, %reduce_sum3A_189 : vector<16x16xf32>
      %mul3A_209 = arith.mulf %get3A_207, %sub3A_208 : vector<16x16xf32>
      %add3A_210 = arith.addf %reduce_sum3A_189, %mul3A_209 : vector<16x16xf32>
      %mul3A_211 = arith.constant 8 : i32
      %mul3A_212 = arith.muli %arg1, %mul3A_211 : i32
      %add3A_213 = arith.constant 2 : i32
      %add3A_214 = arith.addi %mul3A_212, %add3A_213 : i32
      %mul3A_215 = arith.constant 16 : i32
      %mul3A_216 = arith.muli %add3A_214, %mul3A_215 : i32
      %iota3A_217 = tpu.iota {dimensions = array<i32: 1>} : vector<16x16xi32>
      %add3A_218 = vector.broadcast %mul3A_216 : i32 to vector<16x16xi32>
      %add3A_219 = arith.addi %add3A_218, %iota3A_217 : vector<16x16xi32>
      %lt3A_220 = vector.broadcast %get3A_0 : i32 to vector<16x16xi32>
      %lt3A_221 = arith.cmpi slt, %add3A_219, %lt3A_220 : vector<16x16xi32>
      %jit3A_222 = arith.constant -1.000000e+30 : f32
      %broadcast_in_dim3A_223 = vector.broadcast %jit3A_222 : f32 to vector<16x16xf32>
      %select_n3A_224 = arith.select %lt3A_221, %add3A_210, %broadcast_in_dim3A_223 : vector<16x16xi1>, vector<16x16xf32>
      %reduce_max3A_225 = arith.constant dense<0xFF800000> : vector<16xf32>
      %reduce_max3A_226 = vector.multi_reduction <maximumf>, %select_n3A_224, %reduce_max3A_225 [1] : vector<16x16xf32> to vector<16xf32>
      %broadcast_in_dim3A_227 = vector.shape_cast %reduce_max3A_226 : vector<16xf32> to vector<16x1xf32>
      %max3A_228 = arith.maximumf %max3A_153, %broadcast_in_dim3A_227 : vector<16x1xf32>
      %sub3A_229 = vector.broadcast %max3A_228 : vector<16x1xf32> to vector<16x16xf32>
      %sub3A_230 = arith.subf %select_n3A_224, %sub3A_229 : vector<16x16xf32>
      %exp3A_231 = math.exp %sub3A_230 : vector<16x16xf32>
      %sub3A_232 = arith.subf %max3A_153, %max3A_228 : vector<16x1xf32>
      %exp3A_233 = math.exp %sub3A_232 : vector<16x1xf32>
      %mul3A_234 = arith.mulf %add3A_163, %exp3A_233 : vector<16x1xf32>
      %reduce_sum3A_235 = arith.constant dense<0.000000e+00> : vector<16xf32>
      %reduce_sum3A_236 = vector.multi_reduction <add>, %exp3A_231, %reduce_sum3A_235 [1] : vector<16x16xf32> to vector<16xf32>
      %broadcast_in_dim3A_237 = vector.shape_cast %reduce_sum3A_236 : vector<16xf32> to vector<16x1xf32>
      %add3A_238 = arith.addf %mul3A_234, %broadcast_in_dim3A_237 : vector<16x1xf32>
      %get3A_239 = arith.constant 0 : index
      %get3A_240 = arith.constant 0 : index
      %get3A_241 = arith.constant 0 : index
      %get3A_242 = arith.constant 0 : index
      %get3A_243 = vector.load %arg15[%get3A_239, %get3A_240, %get3A_241, %get3A_242] : memref<1x16x16x128xf32, #tpu.memory_space<vmem>>, vector<1x16x16x128xf32>
      %get3A_244 = vector.shape_cast %get3A_243 : vector<1x16x16x128xf32> to vector<16x16x128xf32>
      %broadcast_in_dim3A_245 = vector.shape_cast %exp3A_231 : vector<16x16xf32> to vector<16x16x1xf32>
      %mul3A_246 = vector.broadcast %broadcast_in_dim3A_245 : vector<16x16x1xf32> to vector<16x16x128xf32>
      %mul3A_247 = arith.mulf %get3A_244, %mul3A_246 : vector<16x16x128xf32>
      %reduce_sum3A_248 = arith.constant dense<0.000000e+00> : vector<16x128xf32>
      %reduce_sum3A_249 = vector.multi_reduction <add>, %mul3A_247, %reduce_sum3A_248 [1] : vector<16x16x128xf32> to vector<16x128xf32>
      %mul3A_250 = vector.broadcast %exp3A_233 : vector<16x1xf32> to vector<16x128xf32>
      %mul3A_251 = arith.mulf %add3A_177, %mul3A_250 : vector<16x128xf32>
      %add3A_252 = arith.addf %mul3A_251, %reduce_sum3A_249 : vector<16x128xf32>
      %get3A_253 = arith.constant 0 : index
      %get3A_254 = arith.constant 0 : index
      %get3A_255 = arith.constant 0 : index
      %get3A_256 = arith.constant 0 : index
      %get3A_257 = vector.load %arg8[%get3A_253, %get3A_254, %get3A_255, %get3A_256] : memref<1x16x16x128xf32, #tpu.memory_space<vmem>>, vector<1x16x16x128xf32>
      %get3A_258 = vector.shape_cast %get3A_257 : vector<1x16x16x128xf32> to vector<16x16x128xf32>
      %mul3A_259 = arith.mulf %get3A_258, %reshape3A_23 : vector<16x16x128xf32>
      %reduce_sum3A_260 = arith.constant dense<0.000000e+00> : vector<16x128xf32>
      %reduce_sum3A_261 = vector.multi_reduction <add>, %mul3A_259, %reduce_sum3A_260 [1] : vector<16x16x128xf32> to vector<16x128xf32>
      %reshape3A_262 = vector.shape_cast %reduce_sum3A_261 : vector<16x128xf32> to vector<16x16x8xf32>
      %reduce_sum3A_263 = arith.constant dense<0.000000e+00> : vector<16x16xf32>
      %reduce_sum3A_264 = vector.multi_reduction <add>, %reshape3A_262, %reduce_sum3A_263 [2] : vector<16x16x8xf32> to vector<16x16xf32>
      %get3A_265 = arith.constant 0 : index
      %get3A_266 = arith.constant 0 : index
      %get3A_267 = arith.constant 0 : index
      %get3A_268 = arith.constant 0 : index
      %get3A_269 = vector.load %arg24[%get3A_265, %get3A_266, %get3A_267, %get3A_268] : memref<1x16x16x128xf32, #tpu.memory_space<vmem>>, vector<1x16x16x128xf32>
      %get3A_270 = vector.shape_cast %get3A_269 : vector<1x16x16x128xf32> to vector<16x16x128xf32>
      %reshape3A_271 = vector.shape_cast %get3A_270 : vector<16x16x128xf32> to vector<256x128xf32>
      %dot_general3A_272 = arith.constant dense<0.000000e+00> : vector<256x16xf32>
      %dot_general3A_273 = tpu.matmul %reshape3A_271, %mul3A_21, %dot_general3A_272 {dimension_numbers = #tpu.dot_dimension_numbers<[1], [1], [0], [0], [0, 0, 1, 0], [], []>, transpose_lhs_hint = false} : vector<256x128xf32>, vector<16x128xf32>, vector<256x16xf32> -> vector<256x16xf32>
      %reshape3A_274 = vector.shape_cast %dot_general3A_273 : vector<256x16xf32> to vector<16x16x16xf32>
      %mul3A_275 = arith.mulf %reshape3A_274, %convert_element_type3A_27 : vector<16x16x16xf32>
      %reduce_sum3A_276 = arith.constant dense<0.000000e+00> : vector<16x16xf32>
      %reduce_sum3A_277 = vector.multi_reduction <add>, %mul3A_275, %reduce_sum3A_276 [2] : vector<16x16x16xf32> to vector<16x16xf32>
      %get3A_278 = arith.constant 0 : index
      %get3A_279 = arith.constant 0 : index
      %get3A_280 = arith.constant 0 : index
      %get3A_281 = vector.load %arg32[%get3A_278, %get3A_279, %get3A_280] : memref<1x16x16xf32, #tpu.memory_space<vmem>>, vector<1x16x16xf32>
      %get3A_282 = vector.shape_cast %get3A_281 : vector<1x16x16xf32> to vector<16x16xf32>
      %sub3A_283 = arith.subf %reduce_sum3A_277, %reduce_sum3A_264 : vector<16x16xf32>
      %mul3A_284 = arith.mulf %get3A_282, %sub3A_283 : vector<16x16xf32>
      %add3A_285 = arith.addf %reduce_sum3A_264, %mul3A_284 : vector<16x16xf32>
      %mul3A_286 = arith.constant 8 : i32
      %mul3A_287 = arith.muli %arg1, %mul3A_286 : i32
      %add3A_288 = arith.constant 3 : i32
      %add3A_289 = arith.addi %mul3A_287, %add3A_288 : i32
      %mul3A_290 = arith.constant 16 : i32
      %mul3A_291 = arith.muli %add3A_289, %mul3A_290 : i32
      %iota3A_292 = tpu.iota {dimensions = array<i32: 1>} : vector<16x16xi32>
      %add3A_293 = vector.broadcast %mul3A_291 : i32 to vector<16x16xi32>
      %add3A_294 = arith.addi %add3A_293, %iota3A_292 : vector<16x16xi32>
      %lt3A_295 = vector.broadcast %get3A_0 : i32 to vector<16x16xi32>
      %lt3A_296 = arith.cmpi slt, %add3A_294, %lt3A_295 : vector<16x16xi32>
      %jit3A_297 = arith.constant -1.000000e+30 : f32
      %broadcast_in_dim3A_298 = vector.broadcast %jit3A_297 : f32 to vector<16x16xf32>
      %select_n3A_299 = arith.select %lt3A_296, %add3A_285, %broadcast_in_dim3A_298 : vector<16x16xi1>, vector<16x16xf32>
      %reduce_max3A_300 = arith.constant dense<0xFF800000> : vector<16xf32>
      %reduce_max3A_301 = vector.multi_reduction <maximumf>, %select_n3A_299, %reduce_max3A_300 [1] : vector<16x16xf32> to vector<16xf32>
      %broadcast_in_dim3A_302 = vector.shape_cast %reduce_max3A_301 : vector<16xf32> to vector<16x1xf32>
      %max3A_303 = arith.maximumf %max3A_228, %broadcast_in_dim3A_302 : vector<16x1xf32>
      %sub3A_304 = vector.broadcast %max3A_303 : vector<16x1xf32> to vector<16x16xf32>
      %sub3A_305 = arith.subf %select_n3A_299, %sub3A_304 : vector<16x16xf32>
      %exp3A_306 = math.exp %sub3A_305 : vector<16x16xf32>
      %sub3A_307 = arith.subf %max3A_228, %max3A_303 : vector<16x1xf32>
      %exp3A_308 = math.exp %sub3A_307 : vector<16x1xf32>
      %mul3A_309 = arith.mulf %add3A_238, %exp3A_308 : vector<16x1xf32>
      %reduce_sum3A_310 = arith.constant dense<0.000000e+00> : vector<16xf32>
      %reduce_sum3A_311 = vector.multi_reduction <add>, %exp3A_306, %reduce_sum3A_310 [1] : vector<16x16xf32> to vector<16xf32>
      %broadcast_in_dim3A_312 = vector.shape_cast %reduce_sum3A_311 : vector<16xf32> to vector<16x1xf32>
      %add3A_313 = arith.addf %mul3A_309, %broadcast_in_dim3A_312 : vector<16x1xf32>
      %get3A_314 = arith.constant 0 : index
      %get3A_315 = arith.constant 0 : index
      %get3A_316 = arith.constant 0 : index
      %get3A_317 = arith.constant 0 : index
      %get3A_318 = vector.load %arg16[%get3A_314, %get3A_315, %get3A_316, %get3A_317] : memref<1x16x16x128xf32, #tpu.memory_space<vmem>>, vector<1x16x16x128xf32>
      %get3A_319 = vector.shape_cast %get3A_318 : vector<1x16x16x128xf32> to vector<16x16x128xf32>
      %broadcast_in_dim3A_320 = vector.shape_cast %exp3A_306 : vector<16x16xf32> to vector<16x16x1xf32>
      %mul3A_321 = vector.broadcast %broadcast_in_dim3A_320 : vector<16x16x1xf32> to vector<16x16x128xf32>
      %mul3A_322 = arith.mulf %get3A_319, %mul3A_321 : vector<16x16x128xf32>
      %reduce_sum3A_323 = arith.constant dense<0.000000e+00> : vector<16x128xf32>
      %reduce_sum3A_324 = vector.multi_reduction <add>, %mul3A_322, %reduce_sum3A_323 [1] : vector<16x16x128xf32> to vector<16x128xf32>
      %mul3A_325 = vector.broadcast %exp3A_308 : vector<16x1xf32> to vector<16x128xf32>
      %mul3A_326 = arith.mulf %add3A_252, %mul3A_325 : vector<16x128xf32>
      %add3A_327 = arith.addf %mul3A_326, %reduce_sum3A_324 : vector<16x128xf32>
      %get3A_328 = arith.constant 0 : index
      %get3A_329 = arith.constant 0 : index
      %get3A_330 = arith.constant 0 : index
      %get3A_331 = arith.constant 0 : index
      %get3A_332 = vector.load %arg9[%get3A_328, %get3A_329, %get3A_330, %get3A_331] : memref<1x16x16x128xf32, #tpu.memory_space<vmem>>, vector<1x16x16x128xf32>
      %get3A_333 = vector.shape_cast %get3A_332 : vector<1x16x16x128xf32> to vector<16x16x128xf32>
      %mul3A_334 = arith.mulf %get3A_333, %reshape3A_23 : vector<16x16x128xf32>
      %reduce_sum3A_335 = arith.constant dense<0.000000e+00> : vector<16x128xf32>
      %reduce_sum3A_336 = vector.multi_reduction <add>, %mul3A_334, %reduce_sum3A_335 [1] : vector<16x16x128xf32> to vector<16x128xf32>
      %reshape3A_337 = vector.shape_cast %reduce_sum3A_336 : vector<16x128xf32> to vector<16x16x8xf32>
      %reduce_sum3A_338 = arith.constant dense<0.000000e+00> : vector<16x16xf32>
      %reduce_sum3A_339 = vector.multi_reduction <add>, %reshape3A_337, %reduce_sum3A_338 [2] : vector<16x16x8xf32> to vector<16x16xf32>
      %get3A_340 = arith.constant 0 : index
      %get3A_341 = arith.constant 0 : index
      %get3A_342 = arith.constant 0 : index
      %get3A_343 = arith.constant 0 : index
      %get3A_344 = vector.load %arg25[%get3A_340, %get3A_341, %get3A_342, %get3A_343] : memref<1x16x16x128xf32, #tpu.memory_space<vmem>>, vector<1x16x16x128xf32>
      %get3A_345 = vector.shape_cast %get3A_344 : vector<1x16x16x128xf32> to vector<16x16x128xf32>
      %reshape3A_346 = vector.shape_cast %get3A_345 : vector<16x16x128xf32> to vector<256x128xf32>
      %dot_general3A_347 = arith.constant dense<0.000000e+00> : vector<256x16xf32>
      %dot_general3A_348 = tpu.matmul %reshape3A_346, %mul3A_21, %dot_general3A_347 {dimension_numbers = #tpu.dot_dimension_numbers<[1], [1], [0], [0], [0, 0, 1, 0], [], []>, transpose_lhs_hint = false} : vector<256x128xf32>, vector<16x128xf32>, vector<256x16xf32> -> vector<256x16xf32>
      %reshape3A_349 = vector.shape_cast %dot_general3A_348 : vector<256x16xf32> to vector<16x16x16xf32>
      %mul3A_350 = arith.mulf %reshape3A_349, %convert_element_type3A_27 : vector<16x16x16xf32>
      %reduce_sum3A_351 = arith.constant dense<0.000000e+00> : vector<16x16xf32>
      %reduce_sum3A_352 = vector.multi_reduction <add>, %mul3A_350, %reduce_sum3A_351 [2] : vector<16x16x16xf32> to vector<16x16xf32>
      %get3A_353 = arith.constant 0 : index
      %get3A_354 = arith.constant 0 : index
      %get3A_355 = arith.constant 0 : index
      %get3A_356 = vector.load %arg33[%get3A_353, %get3A_354, %get3A_355] : memref<1x16x16xf32, #tpu.memory_space<vmem>>, vector<1x16x16xf32>
      %get3A_357 = vector.shape_cast %get3A_356 : vector<1x16x16xf32> to vector<16x16xf32>
      %sub3A_358 = arith.subf %reduce_sum3A_352, %reduce_sum3A_339 : vector<16x16xf32>
      %mul3A_359 = arith.mulf %get3A_357, %sub3A_358 : vector<16x16xf32>
      %add3A_360 = arith.addf %reduce_sum3A_339, %mul3A_359 : vector<16x16xf32>
      %mul3A_361 = arith.constant 8 : i32
      %mul3A_362 = arith.muli %arg1, %mul3A_361 : i32
      %add3A_363 = arith.constant 4 : i32
      %add3A_364 = arith.addi %mul3A_362, %add3A_363 : i32
      %mul3A_365 = arith.constant 16 : i32
      %mul3A_366 = arith.muli %add3A_364, %mul3A_365 : i32
      %iota3A_367 = tpu.iota {dimensions = array<i32: 1>} : vector<16x16xi32>
      %add3A_368 = vector.broadcast %mul3A_366 : i32 to vector<16x16xi32>
      %add3A_369 = arith.addi %add3A_368, %iota3A_367 : vector<16x16xi32>
      %lt3A_370 = vector.broadcast %get3A_0 : i32 to vector<16x16xi32>
      %lt3A_371 = arith.cmpi slt, %add3A_369, %lt3A_370 : vector<16x16xi32>
      %jit3A_372 = arith.constant -1.000000e+30 : f32
      %broadcast_in_dim3A_373 = vector.broadcast %jit3A_372 : f32 to vector<16x16xf32>
      %select_n3A_374 = arith.select %lt3A_371, %add3A_360, %broadcast_in_dim3A_373 : vector<16x16xi1>, vector<16x16xf32>
      %reduce_max3A_375 = arith.constant dense<0xFF800000> : vector<16xf32>
      %reduce_max3A_376 = vector.multi_reduction <maximumf>, %select_n3A_374, %reduce_max3A_375 [1] : vector<16x16xf32> to vector<16xf32>
      %broadcast_in_dim3A_377 = vector.shape_cast %reduce_max3A_376 : vector<16xf32> to vector<16x1xf32>
      %max3A_378 = arith.maximumf %max3A_303, %broadcast_in_dim3A_377 : vector<16x1xf32>
      %sub3A_379 = vector.broadcast %max3A_378 : vector<16x1xf32> to vector<16x16xf32>
      %sub3A_380 = arith.subf %select_n3A_374, %sub3A_379 : vector<16x16xf32>
      %exp3A_381 = math.exp %sub3A_380 : vector<16x16xf32>
      %sub3A_382 = arith.subf %max3A_303, %max3A_378 : vector<16x1xf32>
      %exp3A_383 = math.exp %sub3A_382 : vector<16x1xf32>
      %mul3A_384 = arith.mulf %add3A_313, %exp3A_383 : vector<16x1xf32>
      %reduce_sum3A_385 = arith.constant dense<0.000000e+00> : vector<16xf32>
      %reduce_sum3A_386 = vector.multi_reduction <add>, %exp3A_381, %reduce_sum3A_385 [1] : vector<16x16xf32> to vector<16xf32>
      %broadcast_in_dim3A_387 = vector.shape_cast %reduce_sum3A_386 : vector<16xf32> to vector<16x1xf32>
      %add3A_388 = arith.addf %mul3A_384, %broadcast_in_dim3A_387 : vector<16x1xf32>
      %get3A_389 = arith.constant 0 : index
      %get3A_390 = arith.constant 0 : index
      %get3A_391 = arith.constant 0 : index
      %get3A_392 = arith.constant 0 : index
      %get3A_393 = vector.load %arg17[%get3A_389, %get3A_390, %get3A_391, %get3A_392] : memref<1x16x16x128xf32, #tpu.memory_space<vmem>>, vector<1x16x16x128xf32>
      %get3A_394 = vector.shape_cast %get3A_393 : vector<1x16x16x128xf32> to vector<16x16x128xf32>
      %broadcast_in_dim3A_395 = vector.shape_cast %exp3A_381 : vector<16x16xf32> to vector<16x16x1xf32>
      %mul3A_396 = vector.broadcast %broadcast_in_dim3A_395 : vector<16x16x1xf32> to vector<16x16x128xf32>
      %mul3A_397 = arith.mulf %get3A_394, %mul3A_396 : vector<16x16x128xf32>
      %reduce_sum3A_398 = arith.constant dense<0.000000e+00> : vector<16x128xf32>
      %reduce_sum3A_399 = vector.multi_reduction <add>, %mul3A_397, %reduce_sum3A_398 [1] : vector<16x16x128xf32> to vector<16x128xf32>
      %mul3A_400 = vector.broadcast %exp3A_383 : vector<16x1xf32> to vector<16x128xf32>
      %mul3A_401 = arith.mulf %add3A_327, %mul3A_400 : vector<16x128xf32>
      %add3A_402 = arith.addf %mul3A_401, %reduce_sum3A_399 : vector<16x128xf32>
      %get3A_403 = arith.constant 0 : index
      %get3A_404 = arith.constant 0 : index
      %get3A_405 = arith.constant 0 : index
      %get3A_406 = arith.constant 0 : index
      %get3A_407 = vector.load %arg10[%get3A_403, %get3A_404, %get3A_405, %get3A_406] : memref<1x16x16x128xf32, #tpu.memory_space<vmem>>, vector<1x16x16x128xf32>
      %get3A_408 = vector.shape_cast %get3A_407 : vector<1x16x16x128xf32> to vector<16x16x128xf32>
      %mul3A_409 = arith.mulf %get3A_408, %reshape3A_23 : vector<16x16x128xf32>
      %reduce_sum3A_410 = arith.constant dense<0.000000e+00> : vector<16x128xf32>
      %reduce_sum3A_411 = vector.multi_reduction <add>, %mul3A_409, %reduce_sum3A_410 [1] : vector<16x16x128xf32> to vector<16x128xf32>
      %reshape3A_412 = vector.shape_cast %reduce_sum3A_411 : vector<16x128xf32> to vector<16x16x8xf32>
      %reduce_sum3A_413 = arith.constant dense<0.000000e+00> : vector<16x16xf32>
      %reduce_sum3A_414 = vector.multi_reduction <add>, %reshape3A_412, %reduce_sum3A_413 [2] : vector<16x16x8xf32> to vector<16x16xf32>
      %get3A_415 = arith.constant 0 : index
      %get3A_416 = arith.constant 0 : index
      %get3A_417 = arith.constant 0 : index
      %get3A_418 = arith.constant 0 : index
      %get3A_419 = vector.load %arg26[%get3A_415, %get3A_416, %get3A_417, %get3A_418] : memref<1x16x16x128xf32, #tpu.memory_space<vmem>>, vector<1x16x16x128xf32>
      %get3A_420 = vector.shape_cast %get3A_419 : vector<1x16x16x128xf32> to vector<16x16x128xf32>
      %reshape3A_421 = vector.shape_cast %get3A_420 : vector<16x16x128xf32> to vector<256x128xf32>
      %dot_general3A_422 = arith.constant dense<0.000000e+00> : vector<256x16xf32>
      %dot_general3A_423 = tpu.matmul %reshape3A_421, %mul3A_21, %dot_general3A_422 {dimension_numbers = #tpu.dot_dimension_numbers<[1], [1], [0], [0], [0, 0, 1, 0], [], []>, transpose_lhs_hint = false} : vector<256x128xf32>, vector<16x128xf32>, vector<256x16xf32> -> vector<256x16xf32>
      %reshape3A_424 = vector.shape_cast %dot_general3A_423 : vector<256x16xf32> to vector<16x16x16xf32>
      %mul3A_425 = arith.mulf %reshape3A_424, %convert_element_type3A_27 : vector<16x16x16xf32>
      %reduce_sum3A_426 = arith.constant dense<0.000000e+00> : vector<16x16xf32>
      %reduce_sum3A_427 = vector.multi_reduction <add>, %mul3A_425, %reduce_sum3A_426 [2] : vector<16x16x16xf32> to vector<16x16xf32>
      %get3A_428 = arith.constant 0 : index
      %get3A_429 = arith.constant 0 : index
      %get3A_430 = arith.constant 0 : index
      %get3A_431 = vector.load %arg34[%get3A_428, %get3A_429, %get3A_430] : memref<1x16x16xf32, #tpu.memory_space<vmem>>, vector<1x16x16xf32>
      %get3A_432 = vector.shape_cast %get3A_431 : vector<1x16x16xf32> to vector<16x16xf32>
      %sub3A_433 = arith.subf %reduce_sum3A_427, %reduce_sum3A_414 : vector<16x16xf32>
      %mul3A_434 = arith.mulf %get3A_432, %sub3A_433 : vector<16x16xf32>
      %add3A_435 = arith.addf %reduce_sum3A_414, %mul3A_434 : vector<16x16xf32>
      %mul3A_436 = arith.constant 8 : i32
      %mul3A_437 = arith.muli %arg1, %mul3A_436 : i32
      %add3A_438 = arith.constant 5 : i32
      %add3A_439 = arith.addi %mul3A_437, %add3A_438 : i32
      %mul3A_440 = arith.constant 16 : i32
      %mul3A_441 = arith.muli %add3A_439, %mul3A_440 : i32
      %iota3A_442 = tpu.iota {dimensions = array<i32: 1>} : vector<16x16xi32>
      %add3A_443 = vector.broadcast %mul3A_441 : i32 to vector<16x16xi32>
      %add3A_444 = arith.addi %add3A_443, %iota3A_442 : vector<16x16xi32>
      %lt3A_445 = vector.broadcast %get3A_0 : i32 to vector<16x16xi32>
      %lt3A_446 = arith.cmpi slt, %add3A_444, %lt3A_445 : vector<16x16xi32>
      %jit3A_447 = arith.constant -1.000000e+30 : f32
      %broadcast_in_dim3A_448 = vector.broadcast %jit3A_447 : f32 to vector<16x16xf32>
      %select_n3A_449 = arith.select %lt3A_446, %add3A_435, %broadcast_in_dim3A_448 : vector<16x16xi1>, vector<16x16xf32>
      %reduce_max3A_450 = arith.constant dense<0xFF800000> : vector<16xf32>
      %reduce_max3A_451 = vector.multi_reduction <maximumf>, %select_n3A_449, %reduce_max3A_450 [1] : vector<16x16xf32> to vector<16xf32>
      %broadcast_in_dim3A_452 = vector.shape_cast %reduce_max3A_451 : vector<16xf32> to vector<16x1xf32>
      %max3A_453 = arith.maximumf %max3A_378, %broadcast_in_dim3A_452 : vector<16x1xf32>
      %sub3A_454 = vector.broadcast %max3A_453 : vector<16x1xf32> to vector<16x16xf32>
      %sub3A_455 = arith.subf %select_n3A_449, %sub3A_454 : vector<16x16xf32>
      %exp3A_456 = math.exp %sub3A_455 : vector<16x16xf32>
      %sub3A_457 = arith.subf %max3A_378, %max3A_453 : vector<16x1xf32>
      %exp3A_458 = math.exp %sub3A_457 : vector<16x1xf32>
      %mul3A_459 = arith.mulf %add3A_388, %exp3A_458 : vector<16x1xf32>
      %reduce_sum3A_460 = arith.constant dense<0.000000e+00> : vector<16xf32>
      %reduce_sum3A_461 = vector.multi_reduction <add>, %exp3A_456, %reduce_sum3A_460 [1] : vector<16x16xf32> to vector<16xf32>
      %broadcast_in_dim3A_462 = vector.shape_cast %reduce_sum3A_461 : vector<16xf32> to vector<16x1xf32>
      %add3A_463 = arith.addf %mul3A_459, %broadcast_in_dim3A_462 : vector<16x1xf32>
      %get3A_464 = arith.constant 0 : index
      %get3A_465 = arith.constant 0 : index
      %get3A_466 = arith.constant 0 : index
      %get3A_467 = arith.constant 0 : index
      %get3A_468 = vector.load %arg18[%get3A_464, %get3A_465, %get3A_466, %get3A_467] : memref<1x16x16x128xf32, #tpu.memory_space<vmem>>, vector<1x16x16x128xf32>
      %get3A_469 = vector.shape_cast %get3A_468 : vector<1x16x16x128xf32> to vector<16x16x128xf32>
      %broadcast_in_dim3A_470 = vector.shape_cast %exp3A_456 : vector<16x16xf32> to vector<16x16x1xf32>
      %mul3A_471 = vector.broadcast %broadcast_in_dim3A_470 : vector<16x16x1xf32> to vector<16x16x128xf32>
      %mul3A_472 = arith.mulf %get3A_469, %mul3A_471 : vector<16x16x128xf32>
      %reduce_sum3A_473 = arith.constant dense<0.000000e+00> : vector<16x128xf32>
      %reduce_sum3A_474 = vector.multi_reduction <add>, %mul3A_472, %reduce_sum3A_473 [1] : vector<16x16x128xf32> to vector<16x128xf32>
      %mul3A_475 = vector.broadcast %exp3A_458 : vector<16x1xf32> to vector<16x128xf32>
      %mul3A_476 = arith.mulf %add3A_402, %mul3A_475 : vector<16x128xf32>
      %add3A_477 = arith.addf %mul3A_476, %reduce_sum3A_474 : vector<16x128xf32>
      %get3A_478 = arith.constant 0 : index
      %get3A_479 = arith.constant 0 : index
      %get3A_480 = arith.constant 0 : index
      %get3A_481 = arith.constant 0 : index
      %get3A_482 = vector.load %arg11[%get3A_478, %get3A_479, %get3A_480, %get3A_481] : memref<1x16x16x128xf32, #tpu.memory_space<vmem>>, vector<1x16x16x128xf32>
      %get3A_483 = vector.shape_cast %get3A_482 : vector<1x16x16x128xf32> to vector<16x16x128xf32>
      %mul3A_484 = arith.mulf %get3A_483, %reshape3A_23 : vector<16x16x128xf32>
      %reduce_sum3A_485 = arith.constant dense<0.000000e+00> : vector<16x128xf32>
      %reduce_sum3A_486 = vector.multi_reduction <add>, %mul3A_484, %reduce_sum3A_485 [1] : vector<16x16x128xf32> to vector<16x128xf32>
      %reshape3A_487 = vector.shape_cast %reduce_sum3A_486 : vector<16x128xf32> to vector<16x16x8xf32>
      %reduce_sum3A_488 = arith.constant dense<0.000000e+00> : vector<16x16xf32>
      %reduce_sum3A_489 = vector.multi_reduction <add>, %reshape3A_487, %reduce_sum3A_488 [2] : vector<16x16x8xf32> to vector<16x16xf32>
      %get3A_490 = arith.constant 0 : index
      %get3A_491 = arith.constant 0 : index
      %get3A_492 = arith.constant 0 : index
      %get3A_493 = arith.constant 0 : index
      %get3A_494 = vector.load %arg27[%get3A_490, %get3A_491, %get3A_492, %get3A_493] : memref<1x16x16x128xf32, #tpu.memory_space<vmem>>, vector<1x16x16x128xf32>
      %get3A_495 = vector.shape_cast %get3A_494 : vector<1x16x16x128xf32> to vector<16x16x128xf32>
      %reshape3A_496 = vector.shape_cast %get3A_495 : vector<16x16x128xf32> to vector<256x128xf32>
      %dot_general3A_497 = arith.constant dense<0.000000e+00> : vector<256x16xf32>
      %dot_general3A_498 = tpu.matmul %reshape3A_496, %mul3A_21, %dot_general3A_497 {dimension_numbers = #tpu.dot_dimension_numbers<[1], [1], [0], [0], [0, 0, 1, 0], [], []>, transpose_lhs_hint = false} : vector<256x128xf32>, vector<16x128xf32>, vector<256x16xf32> -> vector<256x16xf32>
      %reshape3A_499 = vector.shape_cast %dot_general3A_498 : vector<256x16xf32> to vector<16x16x16xf32>
      %mul3A_500 = arith.mulf %reshape3A_499, %convert_element_type3A_27 : vector<16x16x16xf32>
      %reduce_sum3A_501 = arith.constant dense<0.000000e+00> : vector<16x16xf32>
      %reduce_sum3A_502 = vector.multi_reduction <add>, %mul3A_500, %reduce_sum3A_501 [2] : vector<16x16x16xf32> to vector<16x16xf32>
      %get3A_503 = arith.constant 0 : index
      %get3A_504 = arith.constant 0 : index
      %get3A_505 = arith.constant 0 : index
      %get3A_506 = vector.load %arg35[%get3A_503, %get3A_504, %get3A_505] : memref<1x16x16xf32, #tpu.memory_space<vmem>>, vector<1x16x16xf32>
      %get3A_507 = vector.shape_cast %get3A_506 : vector<1x16x16xf32> to vector<16x16xf32>
      %sub3A_508 = arith.subf %reduce_sum3A_502, %reduce_sum3A_489 : vector<16x16xf32>
      %mul3A_509 = arith.mulf %get3A_507, %sub3A_508 : vector<16x16xf32>
      %add3A_510 = arith.addf %reduce_sum3A_489, %mul3A_509 : vector<16x16xf32>
      %mul3A_511 = arith.constant 8 : i32
      %mul3A_512 = arith.muli %arg1, %mul3A_511 : i32
      %add3A_513 = arith.constant 6 : i32
      %add3A_514 = arith.addi %mul3A_512, %add3A_513 : i32
      %mul3A_515 = arith.constant 16 : i32
      %mul3A_516 = arith.muli %add3A_514, %mul3A_515 : i32
      %iota3A_517 = tpu.iota {dimensions = array<i32: 1>} : vector<16x16xi32>
      %add3A_518 = vector.broadcast %mul3A_516 : i32 to vector<16x16xi32>
      %add3A_519 = arith.addi %add3A_518, %iota3A_517 : vector<16x16xi32>
      %lt3A_520 = vector.broadcast %get3A_0 : i32 to vector<16x16xi32>
      %lt3A_521 = arith.cmpi slt, %add3A_519, %lt3A_520 : vector<16x16xi32>
      %jit3A_522 = arith.constant -1.000000e+30 : f32
      %broadcast_in_dim3A_523 = vector.broadcast %jit3A_522 : f32 to vector<16x16xf32>
      %select_n3A_524 = arith.select %lt3A_521, %add3A_510, %broadcast_in_dim3A_523 : vector<16x16xi1>, vector<16x16xf32>
      %reduce_max3A_525 = arith.constant dense<0xFF800000> : vector<16xf32>
      %reduce_max3A_526 = vector.multi_reduction <maximumf>, %select_n3A_524, %reduce_max3A_525 [1] : vector<16x16xf32> to vector<16xf32>
      %broadcast_in_dim3A_527 = vector.shape_cast %reduce_max3A_526 : vector<16xf32> to vector<16x1xf32>
      %max3A_528 = arith.maximumf %max3A_453, %broadcast_in_dim3A_527 : vector<16x1xf32>
      %sub3A_529 = vector.broadcast %max3A_528 : vector<16x1xf32> to vector<16x16xf32>
      %sub3A_530 = arith.subf %select_n3A_524, %sub3A_529 : vector<16x16xf32>
      %exp3A_531 = math.exp %sub3A_530 : vector<16x16xf32>
      %sub3A_532 = arith.subf %max3A_453, %max3A_528 : vector<16x1xf32>
      %exp3A_533 = math.exp %sub3A_532 : vector<16x1xf32>
      %mul3A_534 = arith.mulf %add3A_463, %exp3A_533 : vector<16x1xf32>
      %reduce_sum3A_535 = arith.constant dense<0.000000e+00> : vector<16xf32>
      %reduce_sum3A_536 = vector.multi_reduction <add>, %exp3A_531, %reduce_sum3A_535 [1] : vector<16x16xf32> to vector<16xf32>
      %broadcast_in_dim3A_537 = vector.shape_cast %reduce_sum3A_536 : vector<16xf32> to vector<16x1xf32>
      %add3A_538 = arith.addf %mul3A_534, %broadcast_in_dim3A_537 : vector<16x1xf32>
      %get3A_539 = arith.constant 0 : index
      %get3A_540 = arith.constant 0 : index
      %get3A_541 = arith.constant 0 : index
      %get3A_542 = arith.constant 0 : index
      %get3A_543 = vector.load %arg19[%get3A_539, %get3A_540, %get3A_541, %get3A_542] : memref<1x16x16x128xf32, #tpu.memory_space<vmem>>, vector<1x16x16x128xf32>
      %get3A_544 = vector.shape_cast %get3A_543 : vector<1x16x16x128xf32> to vector<16x16x128xf32>
      %broadcast_in_dim3A_545 = vector.shape_cast %exp3A_531 : vector<16x16xf32> to vector<16x16x1xf32>
      %mul3A_546 = vector.broadcast %broadcast_in_dim3A_545 : vector<16x16x1xf32> to vector<16x16x128xf32>
      %mul3A_547 = arith.mulf %get3A_544, %mul3A_546 : vector<16x16x128xf32>
      %reduce_sum3A_548 = arith.constant dense<0.000000e+00> : vector<16x128xf32>
      %reduce_sum3A_549 = vector.multi_reduction <add>, %mul3A_547, %reduce_sum3A_548 [1] : vector<16x16x128xf32> to vector<16x128xf32>
      %mul3A_550 = vector.broadcast %exp3A_533 : vector<16x1xf32> to vector<16x128xf32>
      %mul3A_551 = arith.mulf %add3A_477, %mul3A_550 : vector<16x128xf32>
      %add3A_552 = arith.addf %mul3A_551, %reduce_sum3A_549 : vector<16x128xf32>
      %get3A_553 = arith.constant 0 : index
      %get3A_554 = arith.constant 0 : index
      %get3A_555 = arith.constant 0 : index
      %get3A_556 = arith.constant 0 : index
      %get3A_557 = vector.load %arg12[%get3A_553, %get3A_554, %get3A_555, %get3A_556] : memref<1x16x16x128xf32, #tpu.memory_space<vmem>>, vector<1x16x16x128xf32>
      %get3A_558 = vector.shape_cast %get3A_557 : vector<1x16x16x128xf32> to vector<16x16x128xf32>
      %mul3A_559 = arith.mulf %get3A_558, %reshape3A_23 : vector<16x16x128xf32>
      %reduce_sum3A_560 = arith.constant dense<0.000000e+00> : vector<16x128xf32>
      %reduce_sum3A_561 = vector.multi_reduction <add>, %mul3A_559, %reduce_sum3A_560 [1] : vector<16x16x128xf32> to vector<16x128xf32>
      %reshape3A_562 = vector.shape_cast %reduce_sum3A_561 : vector<16x128xf32> to vector<16x16x8xf32>
      %reduce_sum3A_563 = arith.constant dense<0.000000e+00> : vector<16x16xf32>
      %reduce_sum3A_564 = vector.multi_reduction <add>, %reshape3A_562, %reduce_sum3A_563 [2] : vector<16x16x8xf32> to vector<16x16xf32>
      %get3A_565 = arith.constant 0 : index
      %get3A_566 = arith.constant 0 : index
      %get3A_567 = arith.constant 0 : index
      %get3A_568 = arith.constant 0 : index
      %get3A_569 = vector.load %arg28[%get3A_565, %get3A_566, %get3A_567, %get3A_568] : memref<1x16x16x128xf32, #tpu.memory_space<vmem>>, vector<1x16x16x128xf32>
      %get3A_570 = vector.shape_cast %get3A_569 : vector<1x16x16x128xf32> to vector<16x16x128xf32>
      %reshape3A_571 = vector.shape_cast %get3A_570 : vector<16x16x128xf32> to vector<256x128xf32>
      %dot_general3A_572 = arith.constant dense<0.000000e+00> : vector<256x16xf32>
      %dot_general3A_573 = tpu.matmul %reshape3A_571, %mul3A_21, %dot_general3A_572 {dimension_numbers = #tpu.dot_dimension_numbers<[1], [1], [0], [0], [0, 0, 1, 0], [], []>, transpose_lhs_hint = false} : vector<256x128xf32>, vector<16x128xf32>, vector<256x16xf32> -> vector<256x16xf32>
      %reshape3A_574 = vector.shape_cast %dot_general3A_573 : vector<256x16xf32> to vector<16x16x16xf32>
      %mul3A_575 = arith.mulf %reshape3A_574, %convert_element_type3A_27 : vector<16x16x16xf32>
      %reduce_sum3A_576 = arith.constant dense<0.000000e+00> : vector<16x16xf32>
      %reduce_sum3A_577 = vector.multi_reduction <add>, %mul3A_575, %reduce_sum3A_576 [2] : vector<16x16x16xf32> to vector<16x16xf32>
      %get3A_578 = arith.constant 0 : index
      %get3A_579 = arith.constant 0 : index
      %get3A_580 = arith.constant 0 : index
      %get3A_581 = vector.load %arg36[%get3A_578, %get3A_579, %get3A_580] : memref<1x16x16xf32, #tpu.memory_space<vmem>>, vector<1x16x16xf32>
      %get3A_582 = vector.shape_cast %get3A_581 : vector<1x16x16xf32> to vector<16x16xf32>
      %sub3A_583 = arith.subf %reduce_sum3A_577, %reduce_sum3A_564 : vector<16x16xf32>
      %mul3A_584 = arith.mulf %get3A_582, %sub3A_583 : vector<16x16xf32>
      %add3A_585 = arith.addf %reduce_sum3A_564, %mul3A_584 : vector<16x16xf32>
      %mul3A_586 = arith.constant 8 : i32
      %mul3A_587 = arith.muli %arg1, %mul3A_586 : i32
      %add3A_588 = arith.constant 7 : i32
      %add3A_589 = arith.addi %mul3A_587, %add3A_588 : i32
      %mul3A_590 = arith.constant 16 : i32
      %mul3A_591 = arith.muli %add3A_589, %mul3A_590 : i32
      %iota3A_592 = tpu.iota {dimensions = array<i32: 1>} : vector<16x16xi32>
      %add3A_593 = vector.broadcast %mul3A_591 : i32 to vector<16x16xi32>
      %add3A_594 = arith.addi %add3A_593, %iota3A_592 : vector<16x16xi32>
      %lt3A_595 = vector.broadcast %get3A_0 : i32 to vector<16x16xi32>
      %lt3A_596 = arith.cmpi slt, %add3A_594, %lt3A_595 : vector<16x16xi32>
      %jit3A_597 = arith.constant -1.000000e+30 : f32
      %broadcast_in_dim3A_598 = vector.broadcast %jit3A_597 : f32 to vector<16x16xf32>
      %select_n3A_599 = arith.select %lt3A_596, %add3A_585, %broadcast_in_dim3A_598 : vector<16x16xi1>, vector<16x16xf32>
      %reduce_max3A_600 = arith.constant dense<0xFF800000> : vector<16xf32>
      %reduce_max3A_601 = vector.multi_reduction <maximumf>, %select_n3A_599, %reduce_max3A_600 [1] : vector<16x16xf32> to vector<16xf32>
      %broadcast_in_dim3A_602 = vector.shape_cast %reduce_max3A_601 : vector<16xf32> to vector<16x1xf32>
      %max3A_603 = arith.maximumf %max3A_528, %broadcast_in_dim3A_602 : vector<16x1xf32>
      %sub3A_604 = vector.broadcast %max3A_603 : vector<16x1xf32> to vector<16x16xf32>
      %sub3A_605 = arith.subf %select_n3A_599, %sub3A_604 : vector<16x16xf32>
      %exp3A_606 = math.exp %sub3A_605 : vector<16x16xf32>
      %sub3A_607 = arith.subf %max3A_528, %max3A_603 : vector<16x1xf32>
      %exp3A_608 = math.exp %sub3A_607 : vector<16x1xf32>
      %mul3A_609 = arith.mulf %add3A_538, %exp3A_608 : vector<16x1xf32>
      %reduce_sum3A_610 = arith.constant dense<0.000000e+00> : vector<16xf32>
      %reduce_sum3A_611 = vector.multi_reduction <add>, %exp3A_606, %reduce_sum3A_610 [1] : vector<16x16xf32> to vector<16xf32>
      %broadcast_in_dim3A_612 = vector.shape_cast %reduce_sum3A_611 : vector<16xf32> to vector<16x1xf32>
      %add3A_613 = arith.addf %mul3A_609, %broadcast_in_dim3A_612 : vector<16x1xf32>
      %get3A_614 = arith.constant 0 : index
      %get3A_615 = arith.constant 0 : index
      %get3A_616 = arith.constant 0 : index
      %get3A_617 = arith.constant 0 : index
      %get3A_618 = vector.load %arg20[%get3A_614, %get3A_615, %get3A_616, %get3A_617] : memref<1x16x16x128xf32, #tpu.memory_space<vmem>>, vector<1x16x16x128xf32>
      %get3A_619 = vector.shape_cast %get3A_618 : vector<1x16x16x128xf32> to vector<16x16x128xf32>
      %broadcast_in_dim3A_620 = vector.shape_cast %exp3A_606 : vector<16x16xf32> to vector<16x16x1xf32>
      %mul3A_621 = vector.broadcast %broadcast_in_dim3A_620 : vector<16x16x1xf32> to vector<16x16x128xf32>
      %mul3A_622 = arith.mulf %get3A_619, %mul3A_621 : vector<16x16x128xf32>
      %reduce_sum3A_623 = arith.constant dense<0.000000e+00> : vector<16x128xf32>
      %reduce_sum3A_624 = vector.multi_reduction <add>, %mul3A_622, %reduce_sum3A_623 [1] : vector<16x16x128xf32> to vector<16x128xf32>
      %mul3A_625 = vector.broadcast %exp3A_608 : vector<16x1xf32> to vector<16x128xf32>
      %mul3A_626 = arith.mulf %add3A_552, %mul3A_625 : vector<16x128xf32>
      %add3A_627 = arith.addf %mul3A_626, %reduce_sum3A_624 : vector<16x128xf32>
      %swap3A = arith.constant 0 : index
      %swap3A_628 = arith.constant 0 : index
      %swap3A_629 = vector.load %arg40[%swap3A, %swap3A_628] : memref<16x128xf32, #tpu.memory_space<vmem>>, vector<16x128xf32>
      tpu.vector_store %arg40[%swap3A, %swap3A_628], %add3A_627 {strides = array<i32>} : memref<16x128xf32, #tpu.memory_space<vmem>>, vector<16x128xf32>,
      %broadcast_in_dim3A_630 = vector.shape_cast %max3A_603 : vector<16x1xf32> to vector<16x1xf32>
      %broadcast_in_dim3A_631 = vector.broadcast %broadcast_in_dim3A_630 : vector<16x1xf32> to vector<16x128xf32>
      %swap3A_632 = arith.constant 0 : index
      %swap3A_633 = arith.constant 0 : index
      %swap3A_634 = vector.load %arg38[%swap3A_632, %swap3A_633] : memref<16x128xf32, #tpu.memory_space<vmem>>, vector<16x128xf32>
      tpu.vector_store %arg38[%swap3A_632, %swap3A_633], %broadcast_in_dim3A_631 {strides = array<i32>} : memref<16x128xf32, #tpu.memory_space<vmem>>, vector<16x128xf32>,
      %broadcast_in_dim3A_635 = vector.shape_cast %add3A_613 : vector<16x1xf32> to vector<16x1xf32>
      %broadcast_in_dim3A_636 = vector.broadcast %broadcast_in_dim3A_635 : vector<16x1xf32> to vector<16x128xf32>
      %swap3A_637 = arith.constant 0 : index
      %swap3A_638 = arith.constant 0 : index
      %swap3A_639 = vector.load %arg39[%swap3A_637, %swap3A_638] : memref<16x128xf32, #tpu.memory_space<vmem>>, vector<16x128xf32>
      tpu.vector_store %arg39[%swap3A_637, %swap3A_638], %broadcast_in_dim3A_636 {strides = array<i32>} : memref<16x128xf32, #tpu.memory_space<vmem>>, vector<16x128xf32>,
    } else {
    }
    %eq3A_9 = arith.constant 7 : i32
    %eq3A_10 = arith.cmpi eq, %arg1, %eq3A_9 : i32
    %convert_element_type3A_11 = arith.extui %eq3A_10 : i1 to i32
    %cond3A_12 = arith.constant 0 : i32
    %cond3A_13 = arith.cmpi ne, %convert_element_type3A_11, %cond3A_12 : i32
    scf.if %cond3A_13 {
      %get3A_14 = arith.constant 0 : index
      %get3A_15 = arith.constant 0 : index
      %get3A_16 = vector.load %arg40[%get3A_14, %get3A_15] : memref<16x128xf32, #tpu.memory_space<vmem>>, vector<16x128xf32>
      %get3A_17 = arith.constant 0 : index
      %get3A_18 = arith.constant 0 : index
      %get3A_19 = vector.load %arg39[%get3A_17, %get3A_18] : memref<16x128xf32, #tpu.memory_space<vmem>>, vector<16x1xf32>
      %div3A = vector.broadcast %get3A_19 : vector<16x1xf32> to vector<16x128xf32>
      %div3A_20 = arith.divf %get3A_16, %div3A : vector<16x128xf32>
      %swap3A = arith.constant 0 : index
      %swap3A_21 = arith.constant 0 : index
      %swap3A_22 = arith.constant 0 : index
      %swap3A_23 = vector.load %arg37[%swap3A, %swap3A_21, %swap3A_22] : memref<1x16x128xf32, #tpu.memory_space<vmem>>, vector<1x16x128xf32>
      %swap3A_24 = vector.shape_cast %swap3A_23 : vector<1x16x128xf32> to vector<16x128xf32>
      %swap3A_25 = vector.shape_cast %div3A_20 : vector<16x128xf32> to vector<1x16x128xf32>
      tpu.vector_store %arg37[%swap3A, %swap3A_21, %swap3A_22], %swap3A_25 {strides = array<i32>} : memref<1x16x128xf32, #tpu.memory_space<vmem>>, vector<1x16x128xf32>,
    } else {
    }
    return
  }
  func.func @transform_0(%arg0: i32, %arg1: i32, %arg2: memref<16x64xi32, #tpu.memory_space<smem>>, %arg3: memref<16xi32, #tpu.memory_space<smem>>) -> (i32, i32, i32) {
    %c0_i32 = arith.constant 0 : i32
    %c0_i32_0 = arith.constant 0 : i32
    %c0_i32_1 = arith.constant 0 : i32
    return %arg0, %c0_i32, %c0_i32_0 : i32, i32, i32
  }
  func.func @transform_1(%arg0: i32, %arg1: i32, %arg2: memref<16x64xi32, #tpu.memory_space<smem>>, %arg3: memref<16xi32, #tpu.memory_space<smem>>) -> (i32, i32, i32, i32) {
    %mul3A = arith.constant 8 : i32
    %mul3A_0 = arith.muli %arg1, %mul3A : i32
    %add3A = arith.constant 0 : i32
    %add3A_1 = arith.addi %mul3A_0, %add3A : i32
    %get3A = arith.index_cast %arg0 : i32 to index
    %get3A_2 = arith.index_cast %add3A_1 : i32 to index
    %get3A_3 = memref.load %arg2[%get3A, %get3A_2] : memref<16x64xi32, #tpu.memory_space<smem>>
    %c0_i32 = arith.constant 0 : i32
    %c0_i32_4 = arith.constant 0 : i32
    %c0_i32_5 = arith.constant 0 : i32
    %c0_i32_6 = arith.constant 0 : i32
    return %get3A_3, %c0_i32, %c0_i32_4, %c0_i32_5 : i32, i32, i32, i32
  }
  func.func @transform_2(%arg0: i32, %arg1: i32, %arg2: memref<16x64xi32, #tpu.memory_space<smem>>, %arg3: memref<16xi32, #tpu.memory_space<smem>>) -> (i32, i32, i32, i32) {
    %mul3A = arith.constant 8 : i32
    %mul3A_0 = arith.muli %arg1, %mul3A : i32
    %add3A = arith.constant 1 : i32
    %add3A_1 = arith.addi %mul3A_0, %add3A : i32
    %get3A = arith.index_cast %arg0 : i32 to index
    %get3A_2 = arith.index_cast %add3A_1 : i32 to index
    %get3A_3 = memref.load %arg2[%get3A, %get3A_2] : memref<16x64xi32, #tpu.memory_space<smem>>
    %c0_i32 = arith.constant 0 : i32
    %c0_i32_4 = arith.constant 0 : i32
    %c0_i32_5 = arith.constant 0 : i32
    %c0_i32_6 = arith.constant 0 : i32
    return %get3A_3, %c0_i32, %c0_i32_4, %c0_i32_5 : i32, i32, i32, i32
  }
  func.func @transform_3(%arg0: i32, %arg1: i32, %arg2: memref<16x64xi32, #tpu.memory_space<smem>>, %arg3: memref<16xi32, #tpu.memory_space<smem>>) -> (i32, i32, i32, i32) {
    %mul3A = arith.constant 8 : i32
    %mul3A_0 = arith.muli %arg1, %mul3A : i32
    %add3A = arith.constant 2 : i32
    %add3A_1 = arith.addi %mul3A_0, %add3A : i32
    %get3A = arith.index_cast %arg0 : i32 to index
    %get3A_2 = arith.index_cast %add3A_1 : i32 to index
    %get3A_3 = memref.load %arg2[%get3A, %get3A_2] : memref<16x64xi32, #tpu.memory_space<smem>>
    %c0_i32 = arith.constant 0 : i32
    %c0_i32_4 = arith.constant 0 : i32
    %c0_i32_5 = arith.constant 0 : i32
    %c0_i32_6 = arith.constant 0 : i32
    return %get3A_3, %c0_i32, %c0_i32_4, %c0_i32_5 : i32, i32, i32, i32
  }
  func.func @transform_4(%arg0: i32, %arg1: i32, %arg2: memref<16x64xi32, #tpu.memory_space<smem>>, %arg3: memref<16xi32, #tpu.memory_space<smem>>) -> (i32, i32, i32, i32) {
    %mul3A = arith.constant 8 : i32
    %mul3A_0 = arith.muli %arg1, %mul3A : i32
    %add3A = arith.constant 3 : i32
    %add3A_1 = arith.addi %mul3A_0, %add3A : i32
    %get3A = arith.index_cast %arg0 : i32 to index
    %get3A_2 = arith.index_cast %add3A_1 : i32 to index
    %get3A_3 = memref.load %arg2[%get3A, %get3A_2] : memref<16x64xi32, #tpu.memory_space<smem>>
    %c0_i32 = arith.constant 0 : i32
    %c0_i32_4 = arith.constant 0 : i32
    %c0_i32_5 = arith.constant 0 : i32
    %c0_i32_6 = arith.constant 0 : i32
    return %get3A_3, %c0_i32, %c0_i32_4, %c0_i32_5 : i32, i32, i32, i32
  }
  func.func @transform_5(%arg0: i32, %arg1: i32, %arg2: memref<16x64xi32, #tpu.memory_space<smem>>, %arg3: memref<16xi32, #tpu.memory_space<smem>>) -> (i32, i32, i32, i32) {
    %mul3A = arith.constant 8 : i32
    %mul3A_0 = arith.muli %arg1, %mul3A : i32
    %add3A = arith.constant 4 : i32
    %add3A_1 = arith.addi %mul3A_0, %add3A : i32
    %get3A = arith.index_cast %arg0 : i32 to index
    %get3A_2 = arith.index_cast %add3A_1 : i32 to index
    %get3A_3 = memref.load %arg2[%get3A, %get3A_2] : memref<16x64xi32, #tpu.memory_space<smem>>
    %c0_i32 = arith.constant 0 : i32
    %c0_i32_4 = arith.constant 0 : i32
    %c0_i32_5 = arith.constant 0 : i32
    %c0_i32_6 = arith.constant 0 : i32
    return %get3A_3, %c0_i32, %c0_i32_4, %c0_i32_5 : i32, i32, i32, i32
  }
  func.func @transform_6(%arg0: i32, %arg1: i32, %arg2: memref<16x64xi32, #tpu.memory_space<smem>>, %arg3: memref<16xi32, #tpu.memory_space<smem>>) -> (i32, i32, i32, i32) {
    %mul3A = arith.constant 8 : i32
    %mul3A_0 = arith.muli %arg1, %mul3A : i32
    %add3A = arith.constant 5 : i32
    %add3A_1 = arith.addi %mul3A_0, %add3A : i32
    %get3A = arith.index_cast %arg0 : i32 to index
    %get3A_2 = arith.index_cast %add3A_1 : i32 to index
    %get3A_3 = memref.load %arg2[%get3A, %get3A_2] : memref<16x64xi32, #tpu.memory_space<smem>>
    %c0_i32 = arith.constant 0 : i32
    %c0_i32_4 = arith.constant 0 : i32
    %c0_i32_5 = arith.constant 0 : i32
    %c0_i32_6 = arith.constant 0 : i32
    return %get3A_3, %c0_i32, %c0_i32_4, %c0_i32_5 : i32, i32, i32, i32
  }
  func.func @transform_7(%arg0: i32, %arg1: i32, %arg2: memref<16x64xi32, #tpu.memory_space<smem>>, %arg3: memref<16xi32, #tpu.memory_space<smem>>) -> (i32, i32, i32, i32) {
    %mul3A = arith.constant 8 : i32
    %mul3A_0 = arith.muli %arg1, %mul3A : i32
    %add3A = arith.constant 6 : i32
    %add3A_1 = arith.addi %mul3A_0, %add3A : i32
    %get3A = arith.index_cast %arg0 : i32 to index
    %get3A_2 = arith.index_cast %add3A_1 : i32 to index
    %get3A_3 = memref.load %arg2[%get3A, %get3A_2] : memref<16x64xi32, #tpu.memory_space<smem>>
    %c0_i32 = arith.constant 0 : i32
    %c0_i32_4 = arith.constant 0 : i32
    %c0_i32_5 = arith.constant 0 : i32
    %c0_i32_6 = arith.constant 0 : i32
    return %get3A_3, %c0_i32, %c0_i32_4, %c0_i32_5 : i32, i32, i32, i32
  }
  func.func @transform_8(%arg0: i32, %arg1: i32, %arg2: memref<16x64xi32, #tpu.memory_space<smem>>, %arg3: memref<16xi32, #tpu.memory_space<smem>>) -> (i32, i32, i32, i32) {
    %mul3A = arith.constant 8 : i32
    %mul3A_0 = arith.muli %arg1, %mul3A : i32
    %add3A = arith.constant 7 : i32
    %add3A_1 = arith.addi %mul3A_0, %add3A : i32
    %get3A = arith.index_cast %arg0 : i32 to index
    %get3A_2 = arith.index_cast %add3A_1 : i32 to index
    %get3A_3 = memref.load %arg2[%get3A, %get3A_2] : memref<16x64xi32, #tpu.memory_space<smem>>
    %c0_i32 = arith.constant 0 : i32
    %c0_i32_4 = arith.constant 0 : i32
    %c0_i32_5 = arith.constant 0 : i32
    %c0_i32_6 = arith.constant 0 : i32
    return %get3A_3, %c0_i32, %c0_i32_4, %c0_i32_5 : i32, i32, i32, i32
  }
  func.func @transform_9(%arg0: i32, %arg1: i32, %arg2: memref<16x64xi32, #tpu.memory_space<smem>>, %arg3: memref<16xi32, #tpu.memory_space<smem>>) -> (i32, i32, i32, i32) {
    %mul3A = arith.constant 8 : i32
    %mul3A_0 = arith.muli %arg1, %mul3A : i32
    %add3A = arith.constant 0 : i32
    %add3A_1 = arith.addi %mul3A_0, %add3A : i32
    %get3A = arith.index_cast %arg0 : i32 to index
    %get3A_2 = arith.index_cast %add3A_1 : i32 to index
    %get3A_3 = memref.load %arg2[%get3A, %get3A_2] : memref<16x64xi32, #tpu.memory_space<smem>>
    %c0_i32 = arith.constant 0 : i32
    %c0_i32_4 = arith.constant 0 : i32
    %c0_i32_5 = arith.constant 0 : i32
    %c0_i32_6 = arith.constant 0 : i32
    return %get3A_3, %c0_i32, %c0_i32_4, %c0_i32_5 : i32, i32, i32, i32
  }
  func.func @transform_10(%arg0: i32, %arg1: i32, %arg2: memref<16x64xi32, #tpu.memory_space<smem>>, %arg3: memref<16xi32, #tpu.memory_space<smem>>) -> (i32, i32, i32, i32) {
    %mul3A = arith.constant 8 : i32
    %mul3A_0 = arith.muli %arg1, %mul3A : i32
    %add3A = arith.constant 1 : i32
    %add3A_1 = arith.addi %mul3A_0, %add3A : i32
    %get3A = arith.index_cast %arg0 : i32 to index
    %get3A_2 = arith.index_cast %add3A_1 : i32 to index
    %get3A_3 = memref.load %arg2[%get3A, %get3A_2] : memref<16x64xi32, #tpu.memory_space<smem>>
    %c0_i32 = arith.constant 0 : i32
    %c0_i32_4 = arith.constant 0 : i32
    %c0_i32_5 = arith.constant 0 : i32
    %c0_i32_6 = arith.constant 0 : i32
    return %get3A_3, %c0_i32, %c0_i32_4, %c0_i32_5 : i32, i32, i32, i32
  }
  func.func @transform_11(%arg0: i32, %arg1: i32, %arg2: memref<16x64xi32, #tpu.memory_space<smem>>, %arg3: memref<16xi32, #tpu.memory_space<smem>>) -> (i32, i32, i32, i32) {
    %mul3A = arith.constant 8 : i32
    %mul3A_0 = arith.muli %arg1, %mul3A : i32
    %add3A = arith.constant 2 : i32
    %add3A_1 = arith.addi %mul3A_0, %add3A : i32
    %get3A = arith.index_cast %arg0 : i32 to index
    %get3A_2 = arith.index_cast %add3A_1 : i32 to index
    %get3A_3 = memref.load %arg2[%get3A, %get3A_2] : memref<16x64xi32, #tpu.memory_space<smem>>
    %c0_i32 = arith.constant 0 : i32
    %c0_i32_4 = arith.constant 0 : i32
    %c0_i32_5 = arith.constant 0 : i32
    %c0_i32_6 = arith.constant 0 : i32
    return %get3A_3, %c0_i32, %c0_i32_4, %c0_i32_5 : i32, i32, i32, i32
  }
  func.func @transform_12(%arg0: i32, %arg1: i32, %arg2: memref<16x64xi32, #tpu.memory_space<smem>>, %arg3: memref<16xi32, #tpu.memory_space<smem>>) -> (i32, i32, i32, i32) {
    %mul3A = arith.constant 8 : i32
    %mul3A_0 = arith.muli %arg1, %mul3A : i32
    %add3A = arith.constant 3 : i32
    %add3A_1 = arith.addi %mul3A_0, %add3A : i32
    %get3A = arith.index_cast %arg0 : i32 to index
    %get3A_2 = arith.index_cast %add3A_1 : i32 to index
    %get3A_3 = memref.load %arg2[%get3A, %get3A_2] : memref<16x64xi32, #tpu.memory_space<smem>>
    %c0_i32 = arith.constant 0 : i32
    %c0_i32_4 = arith.constant 0 : i32
    %c0_i32_5 = arith.constant 0 : i32
    %c0_i32_6 = arith.constant 0 : i32
    return %get3A_3, %c0_i32, %c0_i32_4, %c0_i32_5 : i32, i32, i32, i32
  }
  func.func @transform_13(%arg0: i32, %arg1: i32, %arg2: memref<16x64xi32, #tpu.memory_space<smem>>, %arg3: memref<16xi32, #tpu.memory_space<smem>>) -> (i32, i32, i32, i32) {
    %mul3A = arith.constant 8 : i32
    %mul3A_0 = arith.muli %arg1, %mul3A : i32
    %add3A = arith.constant 4 : i32
    %add3A_1 = arith.addi %mul3A_0, %add3A : i32
    %get3A = arith.index_cast %arg0 : i32 to index
    %get3A_2 = arith.index_cast %add3A_1 : i32 to index
    %get3A_3 = memref.load %arg2[%get3A, %get3A_2] : memref<16x64xi32, #tpu.memory_space<smem>>
    %c0_i32 = arith.constant 0 : i32
    %c0_i32_4 = arith.constant 0 : i32
    %c0_i32_5 = arith.constant 0 : i32
    %c0_i32_6 = arith.constant 0 : i32
    return %get3A_3, %c0_i32, %c0_i32_4, %c0_i32_5 : i32, i32, i32, i32
  }
  func.func @transform_14(%arg0: i32, %arg1: i32, %arg2: memref<16x64xi32, #tpu.memory_space<smem>>, %arg3: memref<16xi32, #tpu.memory_space<smem>>) -> (i32, i32, i32, i32) {
    %mul3A = arith.constant 8 : i32
    %mul3A_0 = arith.muli %arg1, %mul3A : i32
    %add3A = arith.constant 5 : i32
    %add3A_1 = arith.addi %mul3A_0, %add3A : i32
    %get3A = arith.index_cast %arg0 : i32 to index
    %get3A_2 = arith.index_cast %add3A_1 : i32 to index
    %get3A_3 = memref.load %arg2[%get3A, %get3A_2] : memref<16x64xi32, #tpu.memory_space<smem>>
    %c0_i32 = arith.constant 0 : i32
    %c0_i32_4 = arith.constant 0 : i32
    %c0_i32_5 = arith.constant 0 : i32
    %c0_i32_6 = arith.constant 0 : i32
    return %get3A_3, %c0_i32, %c0_i32_4, %c0_i32_5 : i32, i32, i32, i32
  }
  func.func @transform_15(%arg0: i32, %arg1: i32, %arg2: memref<16x64xi32, #tpu.memory_space<smem>>, %arg3: memref<16xi32, #tpu.memory_space<smem>>) -> (i32, i32, i32, i32) {
    %mul3A = arith.constant 8 : i32
    %mul3A_0 = arith.muli %arg1, %mul3A : i32
    %add3A = arith.constant 6 : i32
    %add3A_1 = arith.addi %mul3A_0, %add3A : i32
    %get3A = arith.index_cast %arg0 : i32 to index
    %get3A_2 = arith.index_cast %add3A_1 : i32 to index
    %get3A_3 = memref.load %arg2[%get3A, %get3A_2] : memref<16x64xi32, #tpu.memory_space<smem>>
    %c0_i32 = arith.constant 0 : i32
    %c0_i32_4 = arith.constant 0 : i32
    %c0_i32_5 = arith.constant 0 : i32
    %c0_i32_6 = arith.constant 0 : i32
    return %get3A_3, %c0_i32, %c0_i32_4, %c0_i32_5 : i32, i32, i32, i32
  }
  func.func @transform_16(%arg0: i32, %arg1: i32, %arg2: memref<16x64xi32, #tpu.memory_space<smem>>, %arg3: memref<16xi32, #tpu.memory_space<smem>>) -> (i32, i32, i32, i32) {
    %mul3A = arith.constant 8 : i32
    %mul3A_0 = arith.muli %arg1, %mul3A : i32
    %add3A = arith.constant 7 : i32
    %add3A_1 = arith.addi %mul3A_0, %add3A : i32
    %get3A = arith.index_cast %arg0 : i32 to index
    %get3A_2 = arith.index_cast %add3A_1 : i32 to index
    %get3A_3 = memref.load %arg2[%get3A, %get3A_2] : memref<16x64xi32, #tpu.memory_space<smem>>
    %c0_i32 = arith.constant 0 : i32
    %c0_i32_4 = arith.constant 0 : i32
    %c0_i32_5 = arith.constant 0 : i32
    %c0_i32_6 = arith.constant 0 : i32
    return %get3A_3, %c0_i32, %c0_i32_4, %c0_i32_5 : i32, i32, i32, i32
  }
  func.func @transform_17(%arg0: i32, %arg1: i32, %arg2: memref<16x64xi32, #tpu.memory_space<smem>>, %arg3: memref<16xi32, #tpu.memory_space<smem>>) -> (i32, i32, i32, i32) {
    %mul3A = arith.constant 8 : i32
    %mul3A_0 = arith.muli %arg1, %mul3A : i32
    %add3A = arith.constant 0 : i32
    %add3A_1 = arith.addi %mul3A_0, %add3A : i32
    %get3A = arith.index_cast %arg0 : i32 to index
    %get3A_2 = arith.index_cast %add3A_1 : i32 to index
    %get3A_3 = memref.load %arg2[%get3A, %get3A_2] : memref<16x64xi32, #tpu.memory_space<smem>>
    %c0_i32 = arith.constant 0 : i32
    %c0_i32_4 = arith.constant 0 : i32
    %c0_i32_5 = arith.constant 0 : i32
    %c0_i32_6 = arith.constant 0 : i32
    return %get3A_3, %c0_i32, %c0_i32_4, %c0_i32_5 : i32, i32, i32, i32
  }
  func.func @transform_18(%arg0: i32, %arg1: i32, %arg2: memref<16x64xi32, #tpu.memory_space<smem>>, %arg3: memref<16xi32, #tpu.memory_space<smem>>) -> (i32, i32, i32, i32) {
    %mul3A = arith.constant 8 : i32
    %mul3A_0 = arith.muli %arg1, %mul3A : i32
    %add3A = arith.constant 1 : i32
    %add3A_1 = arith.addi %mul3A_0, %add3A : i32
    %get3A = arith.index_cast %arg0 : i32 to index
    %get3A_2 = arith.index_cast %add3A_1 : i32 to index
    %get3A_3 = memref.load %arg2[%get3A, %get3A_2] : memref<16x64xi32, #tpu.memory_space<smem>>
    %c0_i32 = arith.constant 0 : i32
    %c0_i32_4 = arith.constant 0 : i32
    %c0_i32_5 = arith.constant 0 : i32
    %c0_i32_6 = arith.constant 0 : i32
    return %get3A_3, %c0_i32, %c0_i32_4, %c0_i32_5 : i32, i32, i32, i32
  }
  func.func @transform_19(%arg0: i32, %arg1: i32, %arg2: memref<16x64xi32, #tpu.memory_space<smem>>, %arg3: memref<16xi32, #tpu.memory_space<smem>>) -> (i32, i32, i32, i32) {
    %mul3A = arith.constant 8 : i32
    %mul3A_0 = arith.muli %arg1, %mul3A : i32
    %add3A = arith.constant 2 : i32
    %add3A_1 = arith.addi %mul3A_0, %add3A : i32
    %get3A = arith.index_cast %arg0 : i32 to index
    %get3A_2 = arith.index_cast %add3A_1 : i32 to index
    %get3A_3 = memref.load %arg2[%get3A, %get3A_2] : memref<16x64xi32, #tpu.memory_space<smem>>
    %c0_i32 = arith.constant 0 : i32
    %c0_i32_4 = arith.constant 0 : i32
    %c0_i32_5 = arith.constant 0 : i32
    %c0_i32_6 = arith.constant 0 : i32
    return %get3A_3, %c0_i32, %c0_i32_4, %c0_i32_5 : i32, i32, i32, i32
  }
  func.func @transform_20(%arg0: i32, %arg1: i32, %arg2: memref<16x64xi32, #tpu.memory_space<smem>>, %arg3: memref<16xi32, #tpu.memory_space<smem>>) -> (i32, i32, i32, i32) {
    %mul3A = arith.constant 8 : i32
    %mul3A_0 = arith.muli %arg1, %mul3A : i32
    %add3A = arith.constant 3 : i32
    %add3A_1 = arith.addi %mul3A_0, %add3A : i32
    %get3A = arith.index_cast %arg0 : i32 to index
    %get3A_2 = arith.index_cast %add3A_1 : i32 to index
    %get3A_3 = memref.load %arg2[%get3A, %get3A_2] : memref<16x64xi32, #tpu.memory_space<smem>>
    %c0_i32 = arith.constant 0 : i32
    %c0_i32_4 = arith.constant 0 : i32
    %c0_i32_5 = arith.constant 0 : i32
    %c0_i32_6 = arith.constant 0 : i32
    return %get3A_3, %c0_i32, %c0_i32_4, %c0_i32_5 : i32, i32, i32, i32
  }
  func.func @transform_21(%arg0: i32, %arg1: i32, %arg2: memref<16x64xi32, #tpu.memory_space<smem>>, %arg3: memref<16xi32, #tpu.memory_space<smem>>) -> (i32, i32, i32, i32) {
    %mul3A = arith.constant 8 : i32
    %mul3A_0 = arith.muli %arg1, %mul3A : i32
    %add3A = arith.constant 4 : i32
    %add3A_1 = arith.addi %mul3A_0, %add3A : i32
    %get3A = arith.index_cast %arg0 : i32 to index
    %get3A_2 = arith.index_cast %add3A_1 : i32 to index
    %get3A_3 = memref.load %arg2[%get3A, %get3A_2] : memref<16x64xi32, #tpu.memory_space<smem>>
    %c0_i32 = arith.constant 0 : i32
    %c0_i32_4 = arith.constant 0 : i32
    %c0_i32_5 = arith.constant 0 : i32
    %c0_i32_6 = arith.constant 0 : i32
    return %get3A_3, %c0_i32, %c0_i32_4, %c0_i32_5 : i32, i32, i32, i32
  }
  func.func @transform_22(%arg0: i32, %arg1: i32, %arg2: memref<16x64xi32, #tpu.memory_space<smem>>, %arg3: memref<16xi32, #tpu.memory_space<smem>>) -> (i32, i32, i32, i32) {
    %mul3A = arith.constant 8 : i32
    %mul3A_0 = arith.muli %arg1, %mul3A : i32
    %add3A = arith.constant 5 : i32
    %add3A_1 = arith.addi %mul3A_0, %add3A : i32
    %get3A = arith.index_cast %arg0 : i32 to index
    %get3A_2 = arith.index_cast %add3A_1 : i32 to index
    %get3A_3 = memref.load %arg2[%get3A, %get3A_2] : memref<16x64xi32, #tpu.memory_space<smem>>
    %c0_i32 = arith.constant 0 : i32
    %c0_i32_4 = arith.constant 0 : i32
    %c0_i32_5 = arith.constant 0 : i32
    %c0_i32_6 = arith.constant 0 : i32
    return %get3A_3, %c0_i32, %c0_i32_4, %c0_i32_5 : i32, i32, i32, i32
  }
  func.func @transform_23(%arg0: i32, %arg1: i32, %arg2: memref<16x64xi32, #tpu.memory_space<smem>>, %arg3: memref<16xi32, #tpu.memory_space<smem>>) -> (i32, i32, i32, i32) {
    %mul3A = arith.constant 8 : i32
    %mul3A_0 = arith.muli %arg1, %mul3A : i32
    %add3A = arith.constant 6 : i32
    %add3A_1 = arith.addi %mul3A_0, %add3A : i32
    %get3A = arith.index_cast %arg0 : i32 to index
    %get3A_2 = arith.index_cast %add3A_1 : i32 to index
    %get3A_3 = memref.load %arg2[%get3A, %get3A_2] : memref<16x64xi32, #tpu.memory_space<smem>>
    %c0_i32 = arith.constant 0 : i32
    %c0_i32_4 = arith.constant 0 : i32
    %c0_i32_5 = arith.constant 0 : i32
    %c0_i32_6 = arith.constant 0 : i32
    return %get3A_3, %c0_i32, %c0_i32_4, %c0_i32_5 : i32, i32, i32, i32
  }
  func.func @transform_24(%arg0: i32, %arg1: i32, %arg2: memref<16x64xi32, #tpu.memory_space<smem>>, %arg3: memref<16xi32, #tpu.memory_space<smem>>) -> (i32, i32, i32, i32) {
    %mul3A = arith.constant 8 : i32
    %mul3A_0 = arith.muli %arg1, %mul3A : i32
    %add3A = arith.constant 7 : i32
    %add3A_1 = arith.addi %mul3A_0, %add3A : i32
    %get3A = arith.index_cast %arg0 : i32 to index
    %get3A_2 = arith.index_cast %add3A_1 : i32 to index
    %get3A_3 = memref.load %arg2[%get3A, %get3A_2] : memref<16x64xi32, #tpu.memory_space<smem>>
    %c0_i32 = arith.constant 0 : i32
    %c0_i32_4 = arith.constant 0 : i32
    %c0_i32_5 = arith.constant 0 : i32
    %c0_i32_6 = arith.constant 0 : i32
    return %get3A_3, %c0_i32, %c0_i32_4, %c0_i32_5 : i32, i32, i32, i32
  }
  func.func @transform_25(%arg0: i32, %arg1: i32, %arg2: memref<16x64xi32, #tpu.memory_space<smem>>, %arg3: memref<16xi32, #tpu.memory_space<smem>>) -> (i32, i32, i32) {
    %mul3A = arith.constant 8 : i32
    %mul3A_0 = arith.muli %arg1, %mul3A : i32
    %add3A = arith.constant 0 : i32
    %add3A_1 = arith.addi %mul3A_0, %add3A : i32
    %get3A = arith.index_cast %arg0 : i32 to index
    %get3A_2 = arith.index_cast %add3A_1 : i32 to index
    %get3A_3 = memref.load %arg2[%get3A, %get3A_2] : memref<16x64xi32, #tpu.memory_space<smem>>
    %c0_i32 = arith.constant 0 : i32
    %c0_i32_4 = arith.constant 0 : i32
    %c0_i32_5 = arith.constant 0 : i32
    return %get3A_3, %c0_i32, %c0_i32_4 : i32, i32, i32
  }
  func.func @transform_26(%arg0: i32, %arg1: i32, %arg2: memref<16x64xi32, #tpu.memory_space<smem>>, %arg3: memref<16xi32, #tpu.memory_space<smem>>) -> (i32, i32, i32) {
    %mul3A = arith.constant 8 : i32
    %mul3A_0 = arith.muli %arg1, %mul3A : i32
    %add3A = arith.constant 1 : i32
    %add3A_1 = arith.addi %mul3A_0, %add3A : i32
    %get3A = arith.index_cast %arg0 : i32 to index
    %get3A_2 = arith.index_cast %add3A_1 : i32 to index
    %get3A_3 = memref.load %arg2[%get3A, %get3A_2] : memref<16x64xi32, #tpu.memory_space<smem>>
    %c0_i32 = arith.constant 0 : i32
    %c0_i32_4 = arith.constant 0 : i32
    %c0_i32_5 = arith.constant 0 : i32
    return %get3A_3, %c0_i32, %c0_i32_4 : i32, i32, i32
  }
  func.func @transform_27(%arg0: i32, %arg1: i32, %arg2: memref<16x64xi32, #tpu.memory_space<smem>>, %arg3: memref<16xi32, #tpu.memory_space<smem>>) -> (i32, i32, i32) {
    %mul3A = arith.constant 8 : i32
    %mul3A_0 = arith.muli %arg1, %mul3A : i32
    %add3A = arith.constant 2 : i32
    %add3A_1 = arith.addi %mul3A_0, %add3A : i32
    %get3A = arith.index_cast %arg0 : i32 to index
    %get3A_2 = arith.index_cast %add3A_1 : i32 to index
    %get3A_3 = memref.load %arg2[%get3A, %get3A_2] : memref<16x64xi32, #tpu.memory_space<smem>>
    %c0_i32 = arith.constant 0 : i32
    %c0_i32_4 = arith.constant 0 : i32
    %c0_i32_5 = arith.constant 0 : i32
    return %get3A_3, %c0_i32, %c0_i32_4 : i32, i32, i32
  }
  func.func @transform_28(%arg0: i32, %arg1: i32, %arg2: memref<16x64xi32, #tpu.memory_space<smem>>, %arg3: memref<16xi32, #tpu.memory_space<smem>>) -> (i32, i32, i32) {
    %mul3A = arith.constant 8 : i32
    %mul3A_0 = arith.muli %arg1, %mul3A : i32
    %add3A = arith.constant 3 : i32
    %add3A_1 = arith.addi %mul3A_0, %add3A : i32
    %get3A = arith.index_cast %arg0 : i32 to index
    %get3A_2 = arith.index_cast %add3A_1 : i32 to index
    %get3A_3 = memref.load %arg2[%get3A, %get3A_2] : memref<16x64xi32, #tpu.memory_space<smem>>
    %c0_i32 = arith.constant 0 : i32
    %c0_i32_4 = arith.constant 0 : i32
    %c0_i32_5 = arith.constant 0 : i32
    return %get3A_3, %c0_i32, %c0_i32_4 : i32, i32, i32
  }
  func.func @transform_29(%arg0: i32, %arg1: i32, %arg2: memref<16x64xi32, #tpu.memory_space<smem>>, %arg3: memref<16xi32, #tpu.memory_space<smem>>) -> (i32, i32, i32) {
    %mul3A = arith.constant 8 : i32
    %mul3A_0 = arith.muli %arg1, %mul3A : i32
    %add3A = arith.constant 4 : i32
    %add3A_1 = arith.addi %mul3A_0, %add3A : i32
    %get3A = arith.index_cast %arg0 : i32 to index
    %get3A_2 = arith.index_cast %add3A_1 : i32 to index
    %get3A_3 = memref.load %arg2[%get3A, %get3A_2] : memref<16x64xi32, #tpu.memory_space<smem>>
    %c0_i32 = arith.constant 0 : i32
    %c0_i32_4 = arith.constant 0 : i32
    %c0_i32_5 = arith.constant 0 : i32
    return %get3A_3, %c0_i32, %c0_i32_4 : i32, i32, i32
  }
  func.func @transform_30(%arg0: i32, %arg1: i32, %arg2: memref<16x64xi32, #tpu.memory_space<smem>>, %arg3: memref<16xi32, #tpu.memory_space<smem>>) -> (i32, i32, i32) {
    %mul3A = arith.constant 8 : i32
    %mul3A_0 = arith.muli %arg1, %mul3A : i32
    %add3A = arith.constant 5 : i32
    %add3A_1 = arith.addi %mul3A_0, %add3A : i32
    %get3A = arith.index_cast %arg0 : i32 to index
    %get3A_2 = arith.index_cast %add3A_1 : i32 to index
    %get3A_3 = memref.load %arg2[%get3A, %get3A_2] : memref<16x64xi32, #tpu.memory_space<smem>>
    %c0_i32 = arith.constant 0 : i32
    %c0_i32_4 = arith.constant 0 : i32
    %c0_i32_5 = arith.constant 0 : i32
    return %get3A_3, %c0_i32, %c0_i32_4 : i32, i32, i32
  }
  func.func @transform_31(%arg0: i32, %arg1: i32, %arg2: memref<16x64xi32, #tpu.memory_space<smem>>, %arg3: memref<16xi32, #tpu.memory_space<smem>>) -> (i32, i32, i32) {
    %mul3A = arith.constant 8 : i32
    %mul3A_0 = arith.muli %arg1, %mul3A : i32
    %add3A = arith.constant 6 : i32
    %add3A_1 = arith.addi %mul3A_0, %add3A : i32
    %get3A = arith.index_cast %arg0 : i32 to index
    %get3A_2 = arith.index_cast %add3A_1 : i32 to index
    %get3A_3 = memref.load %arg2[%get3A, %get3A_2] : memref<16x64xi32, #tpu.memory_space<smem>>
    %c0_i32 = arith.constant 0 : i32
    %c0_i32_4 = arith.constant 0 : i32
    %c0_i32_5 = arith.constant 0 : i32
    return %get3A_3, %c0_i32, %c0_i32_4 : i32, i32, i32
  }
  func.func @transform_32(%arg0: i32, %arg1: i32, %arg2: memref<16x64xi32, #tpu.memory_space<smem>>, %arg3: memref<16xi32, #tpu.memory_space<smem>>) -> (i32, i32, i32) {
    %mul3A = arith.constant 8 : i32
    %mul3A_0 = arith.muli %arg1, %mul3A : i32
    %add3A = arith.constant 7 : i32
    %add3A_1 = arith.addi %mul3A_0, %add3A : i32
    %get3A = arith.index_cast %arg0 : i32 to index
    %get3A_2 = arith.index_cast %add3A_1 : i32 to index
    %get3A_3 = memref.load %arg2[%get3A, %get3A_2] : memref<16x64xi32, #tpu.memory_space<smem>>
    %c0_i32 = arith.constant 0 : i32
    %c0_i32_4 = arith.constant 0 : i32
    %c0_i32_5 = arith.constant 0 : i32
    return %get3A_3, %c0_i32, %c0_i32_4 : i32, i32, i32
  }
  func.func @transform_33(%arg0: i32, %arg1: i32, %arg2: memref<16x64xi32, #tpu.memory_space<smem>>, %arg3: memref<16xi32, #tpu.memory_space<smem>>) -> (i32, i32, i32) {
    %c0_i32 = arith.constant 0 : i32
    %c0_i32_0 = arith.constant 0 : i32
    %c0_i32_1 = arith.constant 0 : i32
    return %arg0, %c0_i32, %c0_i32_0 : i32, i32, i32
  }
}

</mosaic_0001>

<sc_bundles>
// kernel: sparse-core-data-format-call.1.cloned.1.call-start
scs
called_computation.1_lowered:
.L_overlay_start_0:
0x0: {  	s1 =	sld [smem:$0x3FD9]  }
0x1: {  	s2 =	sld [smem:$0x3FFE];
	_ =	sdelay $0x1  }
0x2: {  	s3 =	srdreg.scid  }
0x3: {  	s0 =	sand.u32 $0x1, s3  }
0x4: {  	s17 =	sshll.u32 s0, $0xA;
	s1 =	sadd.s32 s2, s1  }
0x5: {  	s1 =	sadd.s32 s1, s17  }
0x6: {  	[smem:$0x3FC0] =	sst s1  }
0x7: {  	_ = 	snop  }
0x8: {  	(tm) =	ssettm $0x1  }
0x9: {  	s18 =	sld [smem:$0x3FFB];
	_ =	sdelay $0x3  }
0xa: {  	_ =	strace s18  }
0xb: {  	s1 =	sld [smem:$0x3FFC];
	_ =	sdelay $0x3  }
0xc: {  	_ =	strace s1  }
0xd: {  	s1 =	sld [smem:$0x3FFD];
	_ =	sdelay $0x3  }
0xe: {  	_ =	strace s1  }
0xf: {  	_ =	strace $0x8FFFFFFF  }
0x10: {  	s19 =	sld [smem:$0x3FDB];
	_ =	sdelay $0x1  }
0x11: {  	s20 =	simm.s32 $_scs_section_size  }
0x12: {  	s4 =	simm.s32 $_size__tile_overlayer_lowered;
	s5 =	simm.s32 $_tile_overlayer_lowered  }
0x13: {  	s23 =	simm.s32 $0x1BFF;
	s22 =	sshll.u32 s5, $0x1;
	s1 =	sadd.s32 s20, s19  }
0x14: {  	s6 =	simm.s32 $0x0;
	s21 =	sshll.u32 s4, $0x1;
	s4 =	sadd.s32 s22, s1  }
0x15: {  	[timem:s6], [sflag:s23] =	dma.local [hbm:s4], s21  }
0x16: {  	_ =	swait.ge [sflag:s23], s21  }
0x17: {  	s2 =	ssub.s32 $0x0, s21;
	[sflag:s23] =	ssyncset.done $0x0  }
0x18: {  	[sflag:s23] =	ssyncadd.s32 s2;
	_ =	sdelay $0x1  }
0x19: {  	s24 =	simm.s32 $0x1B8B  }
0x1a: {  	_ =	swait.ge [sflag:s24], $0x1  }
0x1b: {  	[sflag:s24] =	ssyncset.done $0x0  }
0x1c: {  	s26 =	simm.s32 $0x1B8E;
	s25 =	sld [smem:$0x3FFE];
	[sflag:s24] =	ssyncadd.s32 $0xFFFFFFFF  }
0x1d: {  	s27 =	simm.s32 $execute0_lowered;
	[smem:$0x3FD2] =	sst s26  }
0x1e: {  	s4 =	sshll.u32 s27, $0x1;
	_ =	strace $0x80000052;
	[dreg:$0x1] =	wrdreg $0xFFFFFFFF  }
0x1f: {  	s28 =	simm.s32 $_size_execute0_lowered;
	s1 =	sadd.s32 s1, s4;
	[dreg:$0x0] =	wrdreg $0x0  }
0x20: {  	s4 =	sshll.u32 s28, $0x1;
	[dreg:$0x2] =	wrdreg s1  }
0x21: {  	[dreg:$0x3] =	wrdreg s4  }
0x22: {  	[dreg:$0x4] =	wrdreg $0xC0  }
0x23: {  	_ =	task [dreg:s6], $0x5FFFF  }
0x24: {  	[dreg:$0x1] =	wrdreg $0xFFFFFFFF  }
0x25: {  	[dreg:$0x0] =	wrdreg $0x60  }
0x26: {  	[dreg:$0x2] =	wrdreg s25  }
0x27: {  	[dreg:$0x3] =	wrdreg $0xC  }
0x28: {  	_ =	task.clear_ibuf [dreg:s6], $0x4FFFF;
	_ =	strace $0x90000052  }
0x29: {  	s29 =	simm.s32 $0xC;
	_ =	strace $0x80000054  }
0x2a: {  	_ =	swait.ge [sflag:s29], $0x1  }
0x2b: {  	[sflag:s29] =	ssyncadd.s32 $0xFFFFFFFF  }
0x2c: {  	_ =	strace $0x90000054  }
0x2d: {  	_ =	sfence  }
0x2e: {  	s30 =	sld [smem:$0x0];
	_ =	sdelay $0x2  }
0x2f: {  	s31 =	sshll.u32 s3, $0xD;
	s3 =	sshrl.u32 s3, $0x2  }
0x30: {  	s2 =	sand.u32 $0x4000, s31;
	s1 =	sadd.s32 s3, s30  }
0x31: {  	s0 =	sor.u32 s2, s0;
	s1 =	sshll.u32 s1, $0x11  }
0x32: {  	s0 =	sor.u32 s1, s0  }
0x33: {  	s0 =	sadd.s32 $0x8F2B, s0  }
0x34: {  	[sflag:s0] =	ssyncadd.remote.s32 $0x1  }
0x35: {  	_ =	sfence.sel $0xFFFF  }
0x36: {  	[dreg:$0x0] =	wrdreg $0xFFFFFFFF;
	(pc) =	sbr.abs _section_cstart, $3  }
0x37: {  	[dreg:$0x1] =	wrdreg $0xFFFFFFFF  }
0x38: {  	_ =	task.clear_ibuf [dreg:s6], $0x2FFFF;
	_ =	strace $0x9FFFFFFF  }
0x39: {  	(tm) =	ssettm $0x7FFFFFFF  }
tec
execute0_lowered:
.L_overlay_start_1:
0x0: {  	(tag) =	ssettag $0x1  }
0x1: {  	s4 =	rddreg [dreg:$0x0]  }
0x2: {  	s0 =	rddreg [dreg:$0x1];
	s2 =	srdreg.scid  }
0x3: {  	_ =	strace $0x80000053;
	s1 =	stileid.u32;
	s9 =	simm.s32 $0x2  }
0x4: {  	s15 =	simm.s32 $0x0;
	p0 =	por $0x0, $0x0;
	s10 =	simm.s32 $0x800  }
0x5: {  	s16 =	simm.s32 $0x0;
	s17 =	simm.s32 $0x0;
	s11 =	simm.s32 $0x0  }
0x6: {  	s14 =	simm.s32 $0x0;
	s3 =	sshll.u32 s2, $0x4;
	s2 =	sadd.s32 $0x2800, s4  }
0x7: {  	s4 =	sadd.s32 $0x102800, s4;
	s5 =	sand.u32 $0x10, s3;
	s3 =	sand.u32 $0x1, s1  }
.Ltmp0:
0x8: {  	s6 =	sor.u32 s1, s5;
	s7 =	ssub.s32 $0x2, s3;
	(pc) =	sbr.rel .LBB1_1-.Ltmp0, $4  }
0x9: {  	s5 =	simm.s32 $0x1;
	s8 =	sshrl.u32 s7, $0x1;
	s7 =	sand.u32 $0x1, s7  }
0xa: {  	s13 =	smov.u32 s3;
	[sflag:s5] =	ssyncpa.u1 $0x0;
	s7 =	sadd.s32 s7, s8  }
0xb: {  	s6 =	sshrl.u32 s6, $0x1;
	[sflag:s9] =	ssyncpa.u1 $0x0;
	s7 =	sshll.u32 s7, $0x4  }
0xc: {  	s9 =	simm.s32 $0x80;
	s12 =	smov.u32 s6;
	s8 =	sor.u32 $0x1, s7  }
.LBB1_4:
0xd: {  	_ =	sdelay $0x3  }
0xe: {  	[tilespmem:v0+s19+$0xFFFFFFA0 ss:$0x1] =	vst.idx.msk $0xffff, v6  }
0xf: {  	v56 =	vld.idx.msk [tilespmem:v1+s20+$0x30 ss:$0x1], $0xffff;
	[tilespmem:v0+s19+$0xFFFFFFB0 ss:$0x1] =	vst.idx.msk $0xffff, v4  }
0x10: {  	v57 =	vld.idx.msk [tilespmem:v1+s20+$0xFFFFFFC0 ss:$0x1], $0xffff;
	[tilespmem:v0+s19+$0xFFFFFFC0 ss:$0x1] =	vst.idx.msk $0xffff, v2  }
0x11: {  	v58 =	vld.idx.msk [tilespmem:v1+s20+$0xFFFFFFD0 ss:$0x1], $0xffff;
	[tilespmem:v0+s19+$0xFFFFFFD0 ss:$0x1] =	vst.idx.msk $0xffff, v3  }
0x12: {  	v59 =	vld.idx.msk [tilespmem:v1+s20+$0xFFFFFFE0 ss:$0x1], $0xffff;
	[tilespmem:v0+s19+$0xFFFFFFE0 ss:$0x1] =	vst.idx.msk $0xffff, v5  }
0x13: {  	v60 =	vld.idx.msk [tilespmem:v1+s20+$0xFFFFFFF0 ss:$0x1], $0xffff;
	[tilespmem:v0+s19+$0xFFFFFFF0 ss:$0x1] =	vst.idx.msk $0xffff, v7  }
0x14: {  	v61 =	vld.idx.msk [tilespmem:v1+s20+$0x0 ss:$0x1], $0xffff;
	[tilespmem:v0+s20+$0x0 ss:$0x1] =	vst.idx.msk $0xffff, v56  }
0x15: {  	v62 =	vld.idx.msk [tilespmem:v1+s20+$0x10 ss:$0x1], $0xffff;
	[tilespmem:v0+s20+$0xFFFFFF90 ss:$0x1] =	vst.idx.msk $0xffff, v57  }
0x16: {  	v63 =	vld.idx.msk [tilespmem:v1+s20+$0x20 ss:$0x1], $0xffff;
	[tilespmem:v0+s20+$0xFFFFFFA0 ss:$0x1] =	vst.idx.msk $0xffff, v58  }
0x17: {  	[tilespmem:v0+s20+$0xFFFFFFB0 ss:$0x1] =	vst.idx.msk $0xffff, v59  }
0x18: {  	s17 =	sshll.u32 s17, $0x13;
	[tilespmem:v0+s20+$0xFFFFFFC0 ss:$0x1] =	vst.idx.msk $0xffff, v60  }
0x19: {  	s15 =	sshll.u32 s15, $0x8;
	s16 =	sshll.u32 s16, $0x4;
	s17 =	sadd.s32 s4, s17;
	[tilespmem:v0+s20+$0xFFFFFFD0 ss:$0x1] =	vst.idx.msk $0xffff, v61  }
0x1a: {  	s16 =	sand.u32 $0xF0, s16;
	s15 =	sadd.s32 s15, s17;
	[tilespmem:v0+s20+$0xFFFFFFE0 ss:$0x1] =	vst.idx.msk $0xffff, v62  }
0x1b: {  	s15 =	sadd.s32 s16, s15;
	[tilespmem:v0+s20+$0xFFFFFFF0 ss:$0x1] =	vst.idx.msk $0xffff, v63  }
0x1c: {  	[hbm4b:s15+s9] =	stream.strided.scatter [tilespmem:s18], [sflag:$0x2], $0x4000, s10, s9, $0x38;
	[tilespmem:$0x10000] =	vst v63  }
.LBB1_5:
0x1d: {  	s18 =	sadd.s32 $0x80, s11  }
0x1e: {  	s15 =	sadd.s32 $0x10, s12;
	s19 =	smov.u32 s12;
	p2 =	sgt.s32 s18, $0x7FF  }
0x1f: {  	s19 =	smov.u32 @p2 s15  }
0x20: {  	s21 =	smov.u32 s13;
	s15 =	sadd.s32 $0x2, s13;
	p3 =	sgt.s32 s19, $0xF  }
0x21: {  	s21 =	smov.u32 @p3 s15  }
0x22: {  	s18 =	simm.s32 @p2 $0x0;
	p2 =	sgt.s32 s21, $0x1  }
0x23: {  	p1 =	slt.u32 s14, $0x2;
	s21 =	smov.u32 @p2 s3;
	p2 =	sne.s32 s14, s8  }
.Ltmp1:
0x24: {  	s20 =	simm.s32 @!p1 $0x2;
	(pc) =	sbr.rel @!p2 .LBB1_6-.Ltmp1, $4  }
0x25: {  	s16 =	smov.u32 s12;
	s17 =	smov.u32 s13;
	_ =	swait.ge @!p1 [sflag:s20], $0x4000  }
0x26: {  	p0 =	por !p0, !p0;
	[sflag:s20] =	ssyncset.done @!p1 $0x0;
	s19 =	smov.u32 @p3 s6  }
0x27: {  	s15 =	smov.u32 s11;
	[sflag:s20] =	ssyncadd.s32 @!p1 $0xFFFFC000;
	s11 =	smov.u32 s18  }
0x28: {  	s12 =	smov.u32 s19;
	s14 =	sadd.s32 $0x1, s14;
	s13 =	smov.u32 s21  }
.LBB1_1:
0x29: {  	p1 =	sge.u32 s14, s7  }
0x2a: {  	s31 =	sadd.s32 $0xFFFFFFFF, s14;
	s18 =	sxor.u32 @!p1 $0xFFFFFFFF, s14;
	s19 =	sshll.u32 @!p1 s13, $0x13  }
0x2b: {  	s20 =	sshll.u32 @!p1 s12, $0xF;
	s21 =	sshll.u32 @!p1 s11, $0x4;
	s19 =	sadd.s32 @!p1 s2, s19  }
0x2c: {  	s18 =	sshll.u32 @!p1 s18, $0xE;
	s21 =	sand.u32 @!p1 $0x7FF0, s21;
	s19 =	sadd.s32 @!p1 s20, s19  }
0x2d: {  	s18 =	sand.u32 @!p1 $0x4000, s18;
	s20 =	simm.s32 @!p1 $0x0;
	s19 =	sadd.s32 @!p1 s21, s19  }
0x2e: {  	[tilespmem:s18], [sflag:$0x1] =	stream.linear.gather @!p1 [hbm4b:s19+s20], $0x4000, $0x38;
	[tilespmem:$0x10000] =	vst v63  }
0x2f: {  	p1 =	sge.u32 s31, s7  }
.Ltmp2:
0x30: {  	_ = 	snop;
	(pc) =	sbr.rel @p1 .LBB1_5-.Ltmp2, $1  }
0x31: {  	_ =	sdelay $0x3  }
0x32: {  	s18 =	simm.s32 $0x1  }
0x33: {  	s18 =	simm.s32 @!p0 $0x0  }
0x34: {  	s18 =	sshll.u32 s18, $0xE  }
0x35: {  	s19 =	sor.u32 $0x40, s18  }
0x36: {  	v1 =	vmov s19;
	_ =	sdelay $0x1  }
0x37: {  	_ =	swait.ge [sflag:s5], $0x4000  }
0x38: {  	[sflag:s5] =	ssyncset.done $0x0  }
0x39: {  	[sflag:s5] =	ssyncadd.s32 $0xFFFFC000;
	s19 =	simm.s32 $0x0  }
0x3a: {  	s18 =	sor.u32 $0x8070, s18;
	v7 =	vld.idx.msk [tilespmem:v1+s19+$0x30 ss:$0x1], $0xffff  }
0x3b: {  	v0 =	vmov s18;
	v8 =	vld.idx.msk [tilespmem:v1+s19+$0xFFFFFFC0 ss:$0x1], $0xffff  }
0x3c: {  	v6 =	vld.idx.msk [tilespmem:v1+s19+$0xFFFFFFD0 ss:$0x1], $0xffff  }
0x3d: {  	v4 =	vld.idx.msk [tilespmem:v1+s19+$0xFFFFFFE0 ss:$0x1], $0xffff  }
0x3e: {  	v2 =	vld.idx.msk [tilespmem:v1+s19+$0xFFFFFFF0 ss:$0x1], $0xffff  }
0x3f: {  	s31 =	sshll.u32 s14, $0xE;
	v3 =	vld.idx.msk [tilespmem:v1+s19+$0x0 ss:$0x1], $0xffff  }
0x40: {  	s18 =	sand.u32 $0x4000, s31;
	v5 =	vld.idx.msk [tilespmem:v1+s19+$0x10 ss:$0x1], $0xffff;
	[tilespmem:v0+s19+$0x0 ss:$0x1] =	vst.idx.msk $0xffff, v7  }
0x41: {  	s20 =	simm.s32 $0x80;
	s21 =	simm.s32 $0x400;
	s18 =	sor.u32 $0x8000, s18;
	[tilespmem:v0+s19+$0xFFFFFF90 ss:$0x1] =	vst.idx.msk $0xffff, v8;
	v7 =	vld.idx.msk [tilespmem:v1+s19+$0x20 ss:$0x1], $0xffff  }
.LBB1_3:
0x42: {  	p1 =	sne.s32 s21, $0xFE00;
	v8 =	vld.idx.msk [tilespmem:v1+s20+$0x30 ss:$0x1], $0xffff;
	[tilespmem:v0+s19+$0xFFFFFFA0 ss:$0x1] =	vst.idx.msk $0xffff, v6  }
0x43: {  	v9 =	vld.idx.msk [tilespmem:v1+s20+$0xFFFFFFC0 ss:$0x1], $0xffff;
	[tilespmem:v0+s19+$0xFFFFFFB0 ss:$0x1] =	vst.idx.msk $0xffff, v4  }
0x44: {  	v6 =	vld.idx.msk [tilespmem:v1+s20+$0xFFFFFFD0 ss:$0x1], $0xffff;
	[tilespmem:v0+s19+$0xFFFFFFC0 ss:$0x1] =	vst.idx.msk $0xffff, v2  }
.Ltmp3:
0x45: {  	v4 =	vld.idx.msk [tilespmem:v1+s20+$0xFFFFFFE0 ss:$0x1], $0xffff;
	[tilespmem:v0+s19+$0xFFFFFFD0 ss:$0x1] =	vst.idx.msk $0xffff, v3;
	(pc) =	sbr.rel @p1 .LBB1_3-.Ltmp3, $4  }
0x46: {  	v2 =	vld.idx.msk [tilespmem:v1+s20+$0xFFFFFFF0 ss:$0x1], $0xffff;
	[tilespmem:v0+s19+$0xFFFFFFE0 ss:$0x1] =	vst.idx.msk $0xffff, v5  }
0x47: {  	v3 =	vld.idx.msk [tilespmem:v1+s20+$0x0 ss:$0x1], $0xffff;
	[tilespmem:v0+s19+$0xFFFFFFF0 ss:$0x1] =	vst.idx.msk $0xffff, v7;
	s19 =	smov.u32 s20  }
0x48: {  	v5 =	vld.idx.msk [tilespmem:v1+s19+$0x10 ss:$0x1], $0xffff;
	[tilespmem:v0+s19+$0x0 ss:$0x1] =	vst.idx.msk $0xffff, v8  }
0x49: {  	s20 =	sshra.s32 s21, $0x2;
	s21 =	sadd.s32 $0x200, s21;
	[tilespmem:v0+s19+$0xFFFFFF90 ss:$0x1] =	vst.idx.msk $0xffff, v9;
	v7 =	vld.idx.msk [tilespmem:v1+s19+$0x20 ss:$0x1], $0xffff  }
.Ltmp4:
0x4a: {  	_ = 	snop;
	(pc) =	sbr.rel .LBB1_4-.Ltmp4, $1  }
0x4b: {  	_ =	sdelay $0x3  }
.LBB1_6:
0x4c: {  	_ =	sfence.sel $0x180000  }
0x4d: {  	s2 =	simm.s32 $0x1;
	[bflag:$0x0] =	sbarrier.arrive $0xFFFF  }
0x4e: {  	s31 =	simm.s32 $0x2;
	[sflag:s2] =	ssyncpa.u1 $0x1  }
0x4f: {  	[sflag:s31] =	ssyncpa.u1 $0x1  }
0x50: {  	p0 =	sne.s32 s1, $0x0;
	_ =	strace $0x90000053  }
0x51: {  	s0 =	sadd.s32 @!p0 $0x100000, s0;
	[bflag:$0x2] =	sbarrier.arrive $0xFFFF  }
0x52: {  	[sflag:s0] =	ssyncadd.tile.s32 @!p0 $0x1;
	_ =	shalt  }
.Lfunc_end1:
_tile_overlayer_lowered:
.L_overlay_start_2:
0x53: {  	(tag) =	ssettag $0x2  }
0x54: {  	s0 =	rddreg [dreg:$0x0];
	s2 =	stileid.u32  }
0x55: {  	s1 =	rddreg [dreg:$0x1];
	p0 =	sne.s32 s2, $0x0  }
0x56: {  	s3 =	rddreg [dreg:$0x2];
	[bflag:$0x3] =	sbarrier.arrive $0xFFFF;
	s2 =	simm.s32 @!p0 $0x1C01  }
0x57: {  	[timem:s3], [sflag:s2] =	dma.local @!p0 [hbm:s0], s1  }
0x58: {  	s0 =	simm.s32 @!p0 $0x1  }
0x59: {  	_ =	swait.ge @!p0 [sflag:s0], s1  }
0x5a: {  	s1 =	ssub.s32 @!p0 $0x0, s1;
	[sflag:s0] =	ssyncset.done @!p0 $0x0  }
0x5b: {  	[sflag:s0] =	ssyncadd.s32 @!p0 s1  }
0x5c: {  	[bflag:$0x3] =	sbarrier.arrive $0xFFFF  }
0x5d: {  	_ =	shalt  }

// kernel: sparse-core-data-format-call.2.cloned.1.call-start
scs
called_computation.2_lowered:
.L_overlay_start_0:
0x0: {  	s2 =	sld [smem:$0x3FD9]  }
0x1: {  	s3 =	sld [smem:$0x3FFE];
	_ =	sdelay $0x1  }
0x2: {  	s1 =	srdreg.scid  }
0x3: {  	s0 =	sand.u32 $0x1, s1  }
0x4: {  	s18 =	sshll.u32 s0, $0xA;
	s2 =	sadd.s32 s3, s2  }
0x5: {  	s2 =	sadd.s32 s2, s18  }
0x6: {  	[smem:$0x3FC0] =	sst s2  }
0x7: {  	_ = 	snop  }
0x8: {  	(tm) =	ssettm $0x1  }
0x9: {  	s19 =	sld [smem:$0x3FFB];
	_ =	sdelay $0x3  }
0xa: {  	_ =	strace s19  }
0xb: {  	s2 =	sld [smem:$0x3FFC];
	_ =	sdelay $0x3  }
0xc: {  	_ =	strace s2  }
0xd: {  	s2 =	sld [smem:$0x3FFD];
	_ =	sdelay $0x3  }
0xe: {  	_ =	strace s2  }
0xf: {  	_ =	strace $0x8FFFFFFF  }
0x10: {  	s20 =	sld [smem:$0x3FDB];
	_ =	sdelay $0x1  }
0x11: {  	s21 =	simm.s32 $_scs_section_size  }
0x12: {  	s4 =	simm.s32 $_size__tile_overlayer_lowered;
	s5 =	simm.s32 $_tile_overlayer_lowered  }
0x13: {  	s6 =	simm.s32 $0x1BFF;
	s22 =	sshll.u32 s5, $0x1;
	s3 =	sadd.s32 s21, s20  }
0x14: {  	s23 =	simm.s32 $0x0;
	s4 =	sshll.u32 s4, $0x1;
	s5 =	sadd.s32 s22, s3  }
0x15: {  	[timem:s23], [sflag:s6] =	dma.local [hbm:s5], s4  }
0x16: {  	_ =	swait.ge [sflag:s6], s4  }
0x17: {  	s4 =	ssub.s32 $0x0, s4;
	[sflag:s6] =	ssyncset.done $0x0  }
0x18: {  	[sflag:s6] =	ssyncadd.s32 s4;
	_ =	sdelay $0x1  }
0x19: {  	s24 =	simm.s32 $0x1B8B  }
0x1a: {  	_ =	swait.ge [sflag:s24], $0x1  }
0x1b: {  	[sflag:s24] =	ssyncset.done $0x0  }
0x1c: {  	[sflag:s24] =	ssyncadd.s32 $0xFFFFFFFF  }
0x1d: {  	s4 =	sld [smem:$0x0]  }
0x1e: {  	s5 =	sand.u32 $0xFFFFFFFE, s1  }
0x1f: {  	p0 =	sne.s32 s1, s5  }
0x20: {  	s5 =	sshll.u32 @p0 s5, $0xE  }
0x21: {  	s5 =	sadd.s32 @p0 $0x11B8D, s5;
	s6 =	sshll.u32 @p0 s4, $0x11  }
0x22: {  	s5 =	sor.u32 @p0 s6, s5  }
0x23: {  	[sflag:s5] =	ssyncadd.remote.s32 @p0 $0x1;
	_ =	sdelay $0x1  }
0x24: {  	s5 =	simm.s32 @p0 $0x1B8D  }
0x25: {  	_ =	swait.eq @p0 [sflag:s5], $0x1  }
0x26: {  	[sflag:s5] =	ssyncadd.s32 @p0 $0xFFFFFFFF  }
0x27: {  	s6 =	sshll.u32 @!p0 s1, $0xE  }
0x28: {  	s6 =	sor.u32 @!p0 $0x4000, s6;
	s5 =	simm.s32 @!p0 $0x1B8D  }
0x29: {  	s4 =	sshll.u32 @!p0 s4, $0x11;
	s6 =	sadd.s32 @!p0 $0x11B8D, s6;
	_ =	swait.eq @!p0 [sflag:s5], $0x1  }
0x2a: {  	s4 =	sor.u32 @!p0 s4, s6;
	[sflag:s5] =	ssyncadd.s32 @!p0 $0xFFFFFFFF  }
0x2b: {  	s26 =	simm.s32 $0x1B8E;
	s25 =	sld [smem:$0x3FFE];
	[sflag:s4] =	ssyncadd.remote.s32 @!p0 $0x1  }
0x2c: {  	s27 =	simm.s32 $execute0_lowered;
	[smem:$0x3FD2] =	sst s26  }
0x2d: {  	s5 =	sshll.u32 s27, $0x1;
	_ =	strace $0x80000049;
	[dreg:$0x1] =	wrdreg $0xFFFFFFFF  }
0x2e: {  	s28 =	simm.s32 $_size_execute0_lowered;
	s3 =	sadd.s32 s3, s5;
	[dreg:$0x0] =	wrdreg $0x0  }
0x2f: {  	s5 =	sshll.u32 s28, $0x1;
	[dreg:$0x2] =	wrdreg s3  }
0x30: {  	[dreg:$0x3] =	wrdreg s5  }
0x31: {  	[dreg:$0x4] =	wrdreg $0xC0  }
0x32: {  	_ =	task [dreg:s23], $0x5FFFF  }
0x33: {  	[dreg:$0x1] =	wrdreg $0xFFFFFFFF  }
0x34: {  	[dreg:$0x0] =	wrdreg $0x60  }
0x35: {  	[dreg:$0x2] =	wrdreg s25  }
0x36: {  	[dreg:$0x3] =	wrdreg $0x9  }
0x37: {  	_ =	task.clear_ibuf [dreg:s23], $0x4FFFF;
	_ =	strace $0x90000049  }
0x38: {  	s29 =	simm.s32 $0x9;
	_ =	strace $0x8000004B  }
0x39: {  	_ =	swait.ge [sflag:s29], $0x1  }
0x3a: {  	[sflag:s29] =	ssyncadd.s32 $0xFFFFFFFF  }
0x3b: {  	_ =	strace $0x9000004B  }
0x3c: {  	_ =	sfence  }
0x3d: {  	s30 =	sld [smem:$0x0];
	_ =	sdelay $0x2  }
0x3e: {  	s31 =	sshll.u32 s1, $0xD;
	s1 =	sshrl.u32 s1, $0x2  }
0x3f: {  	s4 =	sand.u32 $0x4000, s31;
	s1 =	sadd.s32 s1, s30  }
0x40: {  	s0 =	sor.u32 s4, s0;
	s1 =	sshll.u32 s1, $0x11  }
0x41: {  	s0 =	sor.u32 s1, s0  }
0x42: {  	s0 =	sadd.s32 $0x8F2B, s0  }
0x43: {  	[sflag:s0] =	ssyncadd.remote.s32 $0x1  }
0x44: {  	_ =	sfence.sel $0xFFFF  }
0x45: {  	[dreg:$0x0] =	wrdreg $0xFFFFFFFF;
	(pc) =	sbr.abs _section_cstart, $3  }
0x46: {  	[dreg:$0x1] =	wrdreg $0xFFFFFFFF  }
0x47: {  	_ =	task.clear_ibuf [dreg:s23], $0x2FFFF;
	_ =	strace $0x9FFFFFFF  }
0x48: {  	(tm) =	ssettm $0x7FFFFFFF  }
0x49: {  	_ =	shalt  }
tec
execute0_lowered:
.L_overlay_start_1:
0x0: {  	(tag) =	ssettag $0x1  }
0x1: {  	s1 =	rddreg [dreg:$0x0]  }
0x2: {  	s0 =	rddreg [dreg:$0x1]  }
0x3: {  	_ =	strace $0x8000004A;
	s4 =	srdreg.scid;
	s6 =	simm.s32 $0x2  }
.Ltmp0:
0x4: {  	p0 =	por $0x0, $0x0;
	s9 =	simm.s32 $0x0;
	(pc) =	sbr.rel .LBB1_1-.Ltmp0, $4  }
0x5: {  	s2 =	sadd.s32 $0x102800, s1;
	s3 =	sadd.s32 $0x202800, s1;
	s5 =	sshll.u32 s4, $0x4  }
0x6: {  	s1 =	stileid.u32;
	s4 =	simm.s32 $0x1;
	s5 =	sand.u32 $0x10, s5  }
0x7: {  	s7 =	simm.s32 $0x0;
	[sflag:s4] =	ssyncpa.u1 $0x0;
	s5 =	sor.u32 s1, s5  }
0x8: {  	[sflag:s6] =	ssyncpa.u1 $0x0;
	s6 =	simm.s32 $0x0;
	s8 =	smov.u32 s5  }
.LBB1_7:
0x9: {  	s11 =	sadd.s32 $0x20, s8  }
0xa: {  	p1 =	slt.u32 s7, $0x2;
	s7 =	sadd.s32 $0x1, s7;
	p2 =	sgt.s32 s11, $0x1FF  }
0xb: {  	s11 =	smov.u32 @p2 s5;
	p2 =	sne.s32 s7, $0x12  }
.Ltmp1:
0xc: {  	_ = 	snop;
	(pc) =	sbr.rel @!p2 .LBB1_8-.Ltmp1, $4  }
0xd: {  	s10 =	simm.s32 @!p1 $0x2  }
0xe: {  	_ =	swait.ge @!p1 [sflag:s10], $0x4000  }
0xf: {  	s9 =	smov.u32 s8;
	[sflag:s10] =	ssyncset.done @!p1 $0x0  }
0x10: {  	p0 =	por !p0, !p0;
	s8 =	smov.u32 s11;
	[sflag:s10] =	ssyncadd.s32 @!p1 $0xFFFFC000  }
.LBB1_1:
0x11: {  	p1 =	sgt.u32 s7, $0xF  }
0x12: {  	s10 =	sxor.u32 @!p1 $0xFFFFFFFF, s7  }
0x13: {  	s11 =	sshll.u32 @!p1 s8, $0xB;
	s10 =	sshll.u32 @!p1 s10, $0xE  }
0x14: {  	s12 =	simm.s32 @!p1 $0x0;
	s11 =	sadd.s32 @!p1 s2, s11;
	s10 =	sand.u32 @!p1 $0x4000, s10  }
0x15: {  	[tilespmem:s10], [sflag:$0x1] =	stream.linear.gather @!p1 [hbm4b:s11+s12], $0x4000, $0x38;
	[tilespmem:$0x10000] =	vst v63  }
0x16: {  	p1 =	seq.s32 s7, $0x0  }
0x17: {  	p2 =	seq.s32 @!p1 s7, $0x11  }
0x18: {  	p1 =	por p1, p2  }
.Ltmp2:
0x19: {  	_ = 	snop;
	(pc) =	sbr.rel @p1 .LBB1_7-.Ltmp2, $1  }
0x1a: {  	_ =	sdelay $0x3  }
0x1b: {  	s10 =	simm.s32 $0x1;
	_ =	swait.ge [sflag:s4], $0x4000;
	s12 =	sshll.u32 s7, $0xE  }
0x1c: {  	s13 =	simm.s32 $0x0;
	s10 =	simm.s32 @!p0 $0x0;
	[sflag:s4] =	ssyncset.done $0x0  }
0x1d: {  	s12 =	sand.u32 $0x4000, s12;
	s11 =	sshll.u32 s10, $0xE;
	[sflag:s4] =	ssyncadd.s32 $0xFFFFC000  }
0x1e: {  	s12 =	sor.u32 $0x8000, s12;
	s10 =	sor.u32 $0x8040, s11;
	s11 =	sor.u32 $0x40, s11  }
.LBB1_3:
0x1f: {  	v0 =	vmov s11;
	_ =	sdelay $0x3  }
0x20: {  	s15 =	simm.s32 $0x0  }
0x21: {  	v6 =	vld.idx.msk [tilespmem:v0+s15+$0x30 ss:$0x1], $0xffff  }
0x22: {  	v7 =	vld.idx.msk [tilespmem:v0+s15+$0xFFFFFFC0 ss:$0x1], $0xffff  }
0x23: {  	v5 =	vld.idx.msk [tilespmem:v0+s15+$0xFFFFFFD0 ss:$0x1], $0xffff  }
0x24: {  	v4 =	vld.idx.msk [tilespmem:v0+s15+$0xFFFFFFE0 ss:$0x1], $0xffff  }
0x25: {  	v3 =	vld.idx.msk [tilespmem:v0+s15+$0xFFFFFFF0 ss:$0x1], $0xffff  }
0x26: {  	v1 =	vld.idx.msk [tilespmem:v0+s15+$0x0 ss:$0x1], $0xffff  }
0x27: {  	v2 =	vld.idx.msk [tilespmem:v0+s15+$0x10 ss:$0x1], $0xffff;
	[tilespmem:s10+$0x30] =	vst v6  }
0x28: {  	s14 =	simm.s32 $0x80;
	s16 =	simm.s32 $0x400;
	[tilespmem:s10+$0xFFFFFFC0] =	vst v7;
	v6 =	vld.idx.msk [tilespmem:v0+s15+$0x20 ss:$0x1], $0xffff;
	s15 =	smov.u32 s10  }
.LBB1_4:
0x29: {  	p1 =	sne.s32 s16, $0xE00;
	v7 =	vld.idx.msk [tilespmem:v0+s14+$0x30 ss:$0x1], $0xffff;
	[tilespmem:s15+$0xFFFFFFD0] =	vst v5  }
0x2a: {  	v8 =	vld.idx.msk [tilespmem:v0+s14+$0xFFFFFFC0 ss:$0x1], $0xffff;
	[tilespmem:s15+$0xFFFFFFE0] =	vst v4  }
0x2b: {  	v5 =	vld.idx.msk [tilespmem:v0+s14+$0xFFFFFFD0 ss:$0x1], $0xffff;
	[tilespmem:s15+$0xFFFFFFF0] =	vst v3  }
.Ltmp3:
0x2c: {  	v4 =	vld.idx.msk [tilespmem:v0+s14+$0xFFFFFFE0 ss:$0x1], $0xffff;
	[tilespmem:s15+$0x0] =	vst v1;
	(pc) =	sbr.rel @p1 .LBB1_4-.Ltmp3, $4  }
0x2d: {  	v3 =	vld.idx.msk [tilespmem:v0+s14+$0xFFFFFFF0 ss:$0x1], $0xffff;
	[tilespmem:s15+$0x10] =	vst v2  }
0x2e: {  	v1 =	vld.idx.msk [tilespmem:v0+s14+$0x0 ss:$0x1], $0xffff;
	[tilespmem:s15+$0x20] =	vst v6;
	s15 =	sadd.s32 $0x800, s15  }
0x2f: {  	v2 =	vld.idx.msk [tilespmem:v0+s14+$0x10 ss:$0x1], $0xffff;
	[tilespmem:s15+$0x30] =	vst v7  }
0x30: {  	[tilespmem:s15+$0xFFFFFFC0] =	vst v8;
	v6 =	vld.idx.msk [tilespmem:v0+s14+$0x20 ss:$0x1], $0xffff;
	s14 =	sshra.s32 s16, $0x2;
	s16 =	sadd.s32 $0x200, s16  }
0x31: {  	_ =	sdelay $0x2  }
0x32: {  	[tilespmem:s15+$0xFFFFFFD0] =	vst v5  }
0x33: {  	v56 =	vld.idx.msk [tilespmem:v0+s14+$0x30 ss:$0x1], $0xffff;
	[tilespmem:s15+$0xFFFFFFE0] =	vst v4  }
0x34: {  	v57 =	vld.idx.msk [tilespmem:v0+s14+$0xFFFFFFC0 ss:$0x1], $0xffff;
	[tilespmem:s15+$0xFFFFFFF0] =	vst v3  }
0x35: {  	v58 =	vld.idx.msk [tilespmem:v0+s14+$0xFFFFFFD0 ss:$0x1], $0xffff;
	[tilespmem:s15+$0x0] =	vst v1  }
0x36: {  	v59 =	vld.idx.msk [tilespmem:v0+s14+$0xFFFFFFE0 ss:$0x1], $0xffff;
	[tilespmem:s15+$0x10] =	vst v2  }
0x37: {  	v60 =	vld.idx.msk [tilespmem:v0+s14+$0xFFFFFFF0 ss:$0x1], $0xffff;
	s31 =	sadd.s32 $0x800, s15;
	[tilespmem:s15+$0x20] =	vst v6  }
0x38: {  	v61 =	vld.idx.msk [tilespmem:v0+s14+$0x0 ss:$0x1], $0xffff;
	[tilespmem:s31+$0x30] =	vst v56  }
0x39: {  	v62 =	vld.idx.msk [tilespmem:v0+s14+$0x10 ss:$0x1], $0xffff;
	s13 =	sadd.s32 $0x1, s13;
	[tilespmem:s31+$0xFFFFFFC0] =	vst v57  }
0x3a: {  	v63 =	vld.idx.msk [tilespmem:v0+s14+$0x20 ss:$0x1], $0xffff;
	p1 =	sne.s32 s13, $0x10;
	[tilespmem:s31+$0xFFFFFFD0] =	vst v58  }
.Ltmp4:
0x3b: {  	[tilespmem:s31+$0xFFFFFFE0] =	vst v59;
	(pc) =	sbr.rel @p1 .LBB1_3-.Ltmp4, $4  }
0x3c: {  	[tilespmem:s31+$0xFFFFFFF0] =	vst v60  }
0x3d: {  	[tilespmem:s31+$0x0] =	vst v61  }
0x3e: {  	[tilespmem:s31+$0x10] =	vst v62  }
0x3f: {  	s10 =	sadd.s32 $0x80, s10;
	s11 =	sadd.s32 $0x400, s11;
	[tilespmem:s31+$0x20] =	vst v63  }
.Ltmp5:
0x40: {  	(pc) =	sbr.rel .LBB1_7-.Ltmp5, $4  }
0x41: {  	_ = 	snop  }
0x42: {  	s9 =	sshll.u32 s9, $0xB  }
0x43: {  	s9 =	sadd.s32 s3, s9  }
0x44: {  	[hbm4b:s9+s6] =	stream.linear.scatter [tilespmem:s12], [sflag:$0x2], $0x4000, $0x38;
	[tilespmem:$0x10000] =	vst v63  }
.LBB1_8:
0x45: {  	_ =	sfence.sel $0x180000  }
0x46: {  	s2 =	simm.s32 $0x1;
	[bflag:$0x0] =	sbarrier.arrive $0xFFFF  }
0x47: {  	s31 =	simm.s32 $0x2;
	[sflag:s2] =	ssyncpa.u1 $0x1  }
0x48: {  	[sflag:s31] =	ssyncpa.u1 $0x1  }
0x49: {  	p0 =	sne.s32 s1, $0x0;
	_ =	strace $0x9000004A  }
0x4a: {  	s0 =	sadd.s32 @!p0 $0x100000, s0;
	[bflag:$0x2] =	sbarrier.arrive $0xFFFF  }
0x4b: {  	[sflag:s0] =	ssyncadd.tile.s32 @!p0 $0x1;
	_ =	shalt  }
.Lfunc_end1:
_tile_overlayer_lowered:
.L_overlay_start_2:
0x4c: {  	(tag) =	ssettag $0x2  }
0x4d: {  	s0 =	rddreg [dreg:$0x0];
	s2 =	stileid.u32  }
0x4e: {  	s1 =	rddreg [dreg:$0x1];
	p0 =	sne.s32 s2, $0x0  }
0x4f: {  	s3 =	rddreg [dreg:$0x2];
	[bflag:$0x3] =	sbarrier.arrive $0xFFFF;
	s2 =	simm.s32 @!p0 $0x1C01  }
0x50: {  	[timem:s3], [sflag:s2] =	dma.local @!p0 [hbm:s0], s1  }
0x51: {  	s0 =	simm.s32 @!p0 $0x1  }
0x52: {  	_ =	swait.ge @!p0 [sflag:s0], s1  }
0x53: {  	s1 =	ssub.s32 @!p0 $0x0, s1;
	[sflag:s0] =	ssyncset.done @!p0 $0x0  }
0x54: {  	[sflag:s0] =	ssyncadd.s32 @!p0 s1  }
0x55: {  	[bflag:$0x3] =	sbarrier.arrive $0xFFFF  }
0x56: {  	_ =	shalt  }

// kernel: sparse-core-data-format-call.3.cloned.1.call-start
scs
called_computation.3_lowered:
.L_overlay_start_0:
0x0: {  	s2 =	sld [smem:$0x3FD9]  }
0x1: {  	s3 =	sld [smem:$0x3FFE];
	_ =	sdelay $0x1  }
0x2: {  	s1 =	srdreg.scid  }
0x3: {  	s0 =	sand.u32 $0x1, s1  }
0x4: {  	s18 =	sshll.u32 s0, $0xA;
	s2 =	sadd.s32 s3, s2  }
0x5: {  	s2 =	sadd.s32 s2, s18  }
0x6: {  	[smem:$0x3FC0] =	sst s2  }
0x7: {  	_ = 	snop  }
0x8: {  	(tm) =	ssettm $0x1  }
0x9: {  	s19 =	sld [smem:$0x3FFB];
	_ =	sdelay $0x3  }
0xa: {  	_ =	strace s19  }
0xb: {  	s2 =	sld [smem:$0x3FFC];
	_ =	sdelay $0x3  }
0xc: {  	_ =	strace s2  }
0xd: {  	s2 =	sld [smem:$0x3FFD];
	_ =	sdelay $0x3  }
0xe: {  	_ =	strace s2  }
0xf: {  	_ =	strace $0x8FFFFFFF  }
0x10: {  	s20 =	sld [smem:$0x3FDB];
	_ =	sdelay $0x1  }
0x11: {  	s21 =	simm.s32 $_scs_section_size  }
0x12: {  	s4 =	simm.s32 $_size__tile_overlayer_lowered;
	s5 =	simm.s32 $_tile_overlayer_lowered  }
0x13: {  	s6 =	simm.s32 $0x1BFF;
	s22 =	sshll.u32 s5, $0x1;
	s3 =	sadd.s32 s21, s20  }
0x14: {  	s23 =	simm.s32 $0x0;
	s4 =	sshll.u32 s4, $0x1;
	s5 =	sadd.s32 s22, s3  }
0x15: {  	[timem:s23], [sflag:s6] =	dma.local [hbm:s5], s4  }
0x16: {  	_ =	swait.ge [sflag:s6], s4  }
0x17: {  	s4 =	ssub.s32 $0x0, s4;
	[sflag:s6] =	ssyncset.done $0x0  }
0x18: {  	[sflag:s6] =	ssyncadd.s32 s4;
	_ =	sdelay $0x1  }
0x19: {  	s24 =	simm.s32 $0x1B8B  }
0x1a: {  	_ =	swait.ge [sflag:s24], $0x1  }
0x1b: {  	[sflag:s24] =	ssyncset.done $0x0  }
0x1c: {  	[sflag:s24] =	ssyncadd.s32 $0xFFFFFFFF  }
0x1d: {  	s4 =	sld [smem:$0x0]  }
0x1e: {  	s5 =	sand.u32 $0xFFFFFFFE, s1  }
0x1f: {  	p0 =	sne.s32 s1, s5  }
0x20: {  	s5 =	sshll.u32 @p0 s5, $0xE  }
0x21: {  	s5 =	sadd.s32 @p0 $0x11B8D, s5;
	s6 =	sshll.u32 @p0 s4, $0x11  }
0x22: {  	s5 =	sor.u32 @p0 s6, s5  }
0x23: {  	[sflag:s5] =	ssyncadd.remote.s32 @p0 $0x1;
	_ =	sdelay $0x1  }
0x24: {  	s5 =	simm.s32 @p0 $0x1B8D  }
0x25: {  	_ =	swait.eq @p0 [sflag:s5], $0x1  }
0x26: {  	[sflag:s5] =	ssyncadd.s32 @p0 $0xFFFFFFFF  }
0x27: {  	s6 =	sshll.u32 @!p0 s1, $0xE  }
0x28: {  	s6 =	sor.u32 @!p0 $0x4000, s6;
	s5 =	simm.s32 @!p0 $0x1B8D  }
0x29: {  	s4 =	sshll.u32 @!p0 s4, $0x11;
	s6 =	sadd.s32 @!p0 $0x11B8D, s6;
	_ =	swait.eq @!p0 [sflag:s5], $0x1  }
0x2a: {  	s4 =	sor.u32 @!p0 s4, s6;
	[sflag:s5] =	ssyncadd.s32 @!p0 $0xFFFFFFFF  }
0x2b: {  	s26 =	simm.s32 $0x1B8E;
	s25 =	sld [smem:$0x3FFE];
	[sflag:s4] =	ssyncadd.remote.s32 @!p0 $0x1  }
0x2c: {  	s27 =	simm.s32 $execute0_lowered;
	[smem:$0x3FD2] =	sst s26  }
0x2d: {  	s5 =	sshll.u32 s27, $0x1;
	_ =	strace $0x8000004C;
	[dreg:$0x1] =	wrdreg $0xFFFFFFFF  }
0x2e: {  	s28 =	simm.s32 $_size_execute0_lowered;
	s3 =	sadd.s32 s3, s5;
	[dreg:$0x0] =	wrdreg $0x0  }
0x2f: {  	s5 =	sshll.u32 s28, $0x1;
	[dreg:$0x2] =	wrdreg s3  }
0x30: {  	[dreg:$0x3] =	wrdreg s5  }
0x31: {  	[dreg:$0x4] =	wrdreg $0xC0  }
0x32: {  	_ =	task [dreg:s23], $0x5FFFF  }
0x33: {  	[dreg:$0x1] =	wrdreg $0xFFFFFFFF  }
0x34: {  	[dreg:$0x0] =	wrdreg $0x60  }
0x35: {  	[dreg:$0x2] =	wrdreg s25  }
0x36: {  	[dreg:$0x3] =	wrdreg $0xA  }
0x37: {  	_ =	task.clear_ibuf [dreg:s23], $0x4FFFF;
	_ =	strace $0x9000004C  }
0x38: {  	s29 =	simm.s32 $0xA;
	_ =	strace $0x8000004E  }
0x39: {  	_ =	swait.ge [sflag:s29], $0x1  }
0x3a: {  	[sflag:s29] =	ssyncadd.s32 $0xFFFFFFFF  }
0x3b: {  	_ =	strace $0x9000004E  }
0x3c: {  	_ =	sfence  }
0x3d: {  	s30 =	sld [smem:$0x0];
	_ =	sdelay $0x2  }
0x3e: {  	s31 =	sshll.u32 s1, $0xD;
	s1 =	sshrl.u32 s1, $0x2  }
0x3f: {  	s4 =	sand.u32 $0x4000, s31;
	s1 =	sadd.s32 s1, s30  }
0x40: {  	s0 =	sor.u32 s4, s0;
	s1 =	sshll.u32 s1, $0x11  }
0x41: {  	s0 =	sor.u32 s1, s0  }
0x42: {  	s0 =	sadd.s32 $0x8F2B, s0  }
0x43: {  	[sflag:s0] =	ssyncadd.remote.s32 $0x1  }
0x44: {  	_ =	sfence.sel $0xFFFF  }
0x45: {  	[dreg:$0x0] =	wrdreg $0xFFFFFFFF;
	(pc) =	sbr.abs _section_cstart, $3  }
0x46: {  	[dreg:$0x1] =	wrdreg $0xFFFFFFFF  }
0x47: {  	_ =	task.clear_ibuf [dreg:s23], $0x2FFFF;
	_ =	strace $0x9FFFFFFF  }
0x48: {  	(tm) =	ssettm $0x7FFFFFFF  }
0x49: {  	_ =	shalt  }
tec
execute0_lowered:
.L_overlay_start_1:
0x0: {  	(tag) =	ssettag $0x1  }
0x1: {  	s1 =	rddreg [dreg:$0x0]  }
0x2: {  	s0 =	rddreg [dreg:$0x1]  }
0x3: {  	_ =	strace $0x8000004D;
	s4 =	srdreg.scid;
	s6 =	simm.s32 $0x2  }
.Ltmp0:
0x4: {  	p0 =	por $0x0, $0x0;
	s9 =	simm.s32 $0x0;
	(pc) =	sbr.rel .LBB1_1-.Ltmp0, $4  }
0x5: {  	s2 =	sadd.s32 $0x302800, s1;
	s3 =	sadd.s32 $0x402800, s1;
	s5 =	sshll.u32 s4, $0x4  }
0x6: {  	s1 =	stileid.u32;
	s4 =	simm.s32 $0x1;
	s5 =	sand.u32 $0x10, s5  }
0x7: {  	s7 =	simm.s32 $0x0;
	[sflag:s4] =	ssyncpa.u1 $0x0;
	s5 =	sor.u32 s1, s5  }
0x8: {  	[sflag:s6] =	ssyncpa.u1 $0x0;
	s6 =	simm.s32 $0x0;
	s8 =	smov.u32 s5  }
.LBB1_7:
0x9: {  	s11 =	sadd.s32 $0x20, s8  }
0xa: {  	p1 =	slt.u32 s7, $0x2;
	s7 =	sadd.s32 $0x1, s7;
	p2 =	sgt.s32 s11, $0x1FF  }
0xb: {  	s11 =	smov.u32 @p2 s5;
	p2 =	sne.s32 s7, $0x12  }
.Ltmp1:
0xc: {  	_ = 	snop;
	(pc) =	sbr.rel @!p2 .LBB1_8-.Ltmp1, $4  }
0xd: {  	s10 =	simm.s32 @!p1 $0x2  }
0xe: {  	_ =	swait.ge @!p1 [sflag:s10], $0x4000  }
0xf: {  	s9 =	smov.u32 s8;
	[sflag:s10] =	ssyncset.done @!p1 $0x0  }
0x10: {  	p0 =	por !p0, !p0;
	s8 =	smov.u32 s11;
	[sflag:s10] =	ssyncadd.s32 @!p1 $0xFFFFC000  }
.LBB1_1:
0x11: {  	p1 =	sgt.u32 s7, $0xF  }
0x12: {  	s10 =	sxor.u32 @!p1 $0xFFFFFFFF, s7  }
0x13: {  	s11 =	sshll.u32 @!p1 s8, $0xB;
	s10 =	sshll.u32 @!p1 s10, $0xE  }
0x14: {  	s12 =	simm.s32 @!p1 $0x0;
	s11 =	sadd.s32 @!p1 s2, s11;
	s10 =	sand.u32 @!p1 $0x4000, s10  }
0x15: {  	[tilespmem:s10], [sflag:$0x1] =	stream.linear.gather @!p1 [hbm4b:s11+s12], $0x4000, $0x38;
	[tilespmem:$0x10000] =	vst v63  }
0x16: {  	p1 =	seq.s32 s7, $0x0  }
0x17: {  	p2 =	seq.s32 @!p1 s7, $0x11  }
0x18: {  	p1 =	por p1, p2  }
.Ltmp2:
0x19: {  	_ = 	snop;
	(pc) =	sbr.rel @p1 .LBB1_7-.Ltmp2, $1  }
0x1a: {  	_ =	sdelay $0x3  }
0x1b: {  	s10 =	simm.s32 $0x1;
	_ =	swait.ge [sflag:s4], $0x4000;
	s12 =	sshll.u32 s7, $0xE  }
0x1c: {  	s13 =	simm.s32 $0x0;
	s10 =	simm.s32 @!p0 $0x0;
	[sflag:s4] =	ssyncset.done $0x0  }
0x1d: {  	s12 =	sand.u32 $0x4000, s12;
	s11 =	sshll.u32 s10, $0xE;
	[sflag:s4] =	ssyncadd.s32 $0xFFFFC000  }
0x1e: {  	s12 =	sor.u32 $0x8000, s12;
	s10 =	sor.u32 $0x8040, s11;
	s11 =	sor.u32 $0x40, s11  }
.LBB1_3:
0x1f: {  	v0 =	vmov s11;
	_ =	sdelay $0x3  }
0x20: {  	s15 =	simm.s32 $0x0  }
0x21: {  	v6 =	vld.idx.msk [tilespmem:v0+s15+$0x30 ss:$0x1], $0xffff  }
0x22: {  	v7 =	vld.idx.msk [tilespmem:v0+s15+$0xFFFFFFC0 ss:$0x1], $0xffff  }
0x23: {  	v5 =	vld.idx.msk [tilespmem:v0+s15+$0xFFFFFFD0 ss:$0x1], $0xffff  }
0x24: {  	v4 =	vld.idx.msk [tilespmem:v0+s15+$0xFFFFFFE0 ss:$0x1], $0xffff  }
0x25: {  	v3 =	vld.idx.msk [tilespmem:v0+s15+$0xFFFFFFF0 ss:$0x1], $0xffff  }
0x26: {  	v1 =	vld.idx.msk [tilespmem:v0+s15+$0x0 ss:$0x1], $0xffff  }
0x27: {  	v2 =	vld.idx.msk [tilespmem:v0+s15+$0x10 ss:$0x1], $0xffff;
	[tilespmem:s10+$0x30] =	vst v6  }
0x28: {  	s14 =	simm.s32 $0x80;
	s16 =	simm.s32 $0x400;
	[tilespmem:s10+$0xFFFFFFC0] =	vst v7;
	v6 =	vld.idx.msk [tilespmem:v0+s15+$0x20 ss:$0x1], $0xffff;
	s15 =	smov.u32 s10  }
.LBB1_4:
0x29: {  	p1 =	sne.s32 s16, $0xE00;
	v7 =	vld.idx.msk [tilespmem:v0+s14+$0x30 ss:$0x1], $0xffff;
	[tilespmem:s15+$0xFFFFFFD0] =	vst v5  }
0x2a: {  	v8 =	vld.idx.msk [tilespmem:v0+s14+$0xFFFFFFC0 ss:$0x1], $0xffff;
	[tilespmem:s15+$0xFFFFFFE0] =	vst v4  }
0x2b: {  	v5 =	vld.idx.msk [tilespmem:v0+s14+$0xFFFFFFD0 ss:$0x1], $0xffff;
	[tilespmem:s15+$0xFFFFFFF0] =	vst v3  }
.Ltmp3:
0x2c: {  	v4 =	vld.idx.msk [tilespmem:v0+s14+$0xFFFFFFE0 ss:$0x1], $0xffff;
	[tilespmem:s15+$0x0] =	vst v1;
	(pc) =	sbr.rel @p1 .LBB1_4-.Ltmp3, $4  }
0x2d: {  	v3 =	vld.idx.msk [tilespmem:v0+s14+$0xFFFFFFF0 ss:$0x1], $0xffff;
	[tilespmem:s15+$0x10] =	vst v2  }
0x2e: {  	v1 =	vld.idx.msk [tilespmem:v0+s14+$0x0 ss:$0x1], $0xffff;
	[tilespmem:s15+$0x20] =	vst v6;
	s15 =	sadd.s32 $0x800, s15  }
0x2f: {  	v2 =	vld.idx.msk [tilespmem:v0+s14+$0x10 ss:$0x1], $0xffff;
	[tilespmem:s15+$0x30] =	vst v7  }
0x30: {  	[tilespmem:s15+$0xFFFFFFC0] =	vst v8;
	v6 =	vld.idx.msk [tilespmem:v0+s14+$0x20 ss:$0x1], $0xffff;
	s14 =	sshra.s32 s16, $0x2;
	s16 =	sadd.s32 $0x200, s16  }
0x31: {  	_ =	sdelay $0x2  }
0x32: {  	[tilespmem:s15+$0xFFFFFFD0] =	vst v5  }
0x33: {  	v56 =	vld.idx.msk [tilespmem:v0+s14+$0x30 ss:$0x1], $0xffff;
	[tilespmem:s15+$0xFFFFFFE0] =	vst v4  }
0x34: {  	v57 =	vld.idx.msk [tilespmem:v0+s14+$0xFFFFFFC0 ss:$0x1], $0xffff;
	[tilespmem:s15+$0xFFFFFFF0] =	vst v3  }
0x35: {  	v58 =	vld.idx.msk [tilespmem:v0+s14+$0xFFFFFFD0 ss:$0x1], $0xffff;
	[tilespmem:s15+$0x0] =	vst v1  }
0x36: {  	v59 =	vld.idx.msk [tilespmem:v0+s14+$0xFFFFFFE0 ss:$0x1], $0xffff;
	[tilespmem:s15+$0x10] =	vst v2  }
0x37: {  	v60 =	vld.idx.msk [tilespmem:v0+s14+$0xFFFFFFF0 ss:$0x1], $0xffff;
	s31 =	sadd.s32 $0x800, s15;
	[tilespmem:s15+$0x20] =	vst v6  }
0x38: {  	v61 =	vld.idx.msk [tilespmem:v0+s14+$0x0 ss:$0x1], $0xffff;
	[tilespmem:s31+$0x30] =	vst v56  }
0x39: {  	v62 =	vld.idx.msk [tilespmem:v0+s14+$0x10 ss:$0x1], $0xffff;
	s13 =	sadd.s32 $0x1, s13;
	[tilespmem:s31+$0xFFFFFFC0] =	vst v57  }
0x3a: {  	v63 =	vld.idx.msk [tilespmem:v0+s14+$0x20 ss:$0x1], $0xffff;
	p1 =	sne.s32 s13, $0x10;
	[tilespmem:s31+$0xFFFFFFD0] =	vst v58  }
.Ltmp4:
0x3b: {  	[tilespmem:s31+$0xFFFFFFE0] =	vst v59;
	(pc) =	sbr.rel @p1 .LBB1_3-.Ltmp4, $4  }
0x3c: {  	[tilespmem:s31+$0xFFFFFFF0] =	vst v60  }
0x3d: {  	[tilespmem:s31+$0x0] =	vst v61  }
0x3e: {  	[tilespmem:s31+$0x10] =	vst v62  }
0x3f: {  	s10 =	sadd.s32 $0x80, s10;
	s11 =	sadd.s32 $0x400, s11;
	[tilespmem:s31+$0x20] =	vst v63  }
.Ltmp5:
0x40: {  	(pc) =	sbr.rel .LBB1_7-.Ltmp5, $4  }
0x41: {  	_ = 	snop  }
0x42: {  	s9 =	sshll.u32 s9, $0xB  }
0x43: {  	s9 =	sadd.s32 s3, s9  }
0x44: {  	[hbm4b:s9+s6] =	stream.linear.scatter [tilespmem:s12], [sflag:$0x2], $0x4000, $0x38;
	[tilespmem:$0x10000] =	vst v63  }
.LBB1_8:
0x45: {  	_ =	sfence.sel $0x180000  }
0x46: {  	s2 =	simm.s32 $0x1;
	[bflag:$0x0] =	sbarrier.arrive $0xFFFF  }
0x47: {  	s31 =	simm.s32 $0x2;
	[sflag:s2] =	ssyncpa.u1 $0x1  }
0x48: {  	[sflag:s31] =	ssyncpa.u1 $0x1  }
0x49: {  	p0 =	sne.s32 s1, $0x0;
	_ =	strace $0x9000004D  }
0x4a: {  	s0 =	sadd.s32 @!p0 $0x100000, s0;
	[bflag:$0x2] =	sbarrier.arrive $0xFFFF  }
0x4b: {  	[sflag:s0] =	ssyncadd.tile.s32 @!p0 $0x1;
	_ =	shalt  }
.Lfunc_end1:
_tile_overlayer_lowered:
.L_overlay_start_2:
0x4c: {  	(tag) =	ssettag $0x2  }
0x4d: {  	s0 =	rddreg [dreg:$0x0];
	s2 =	stileid.u32  }
0x4e: {  	s1 =	rddreg [dreg:$0x1];
	p0 =	sne.s32 s2, $0x0  }
0x4f: {  	s3 =	rddreg [dreg:$0x2];
	[bflag:$0x3] =	sbarrier.arrive $0xFFFF;
	s2 =	simm.s32 @!p0 $0x1C01  }
0x50: {  	[timem:s3], [sflag:s2] =	dma.local @!p0 [hbm:s0], s1  }
0x51: {  	s0 =	simm.s32 @!p0 $0x1  }
0x52: {  	_ =	swait.ge @!p0 [sflag:s0], s1  }
0x53: {  	s1 =	ssub.s32 @!p0 $0x0, s1;
	[sflag:s0] =	ssyncset.done @!p0 $0x0  }
0x54: {  	[sflag:s0] =	ssyncadd.s32 @!p0 s1  }
0x55: {  	[bflag:$0x3] =	sbarrier.arrive $0xFFFF  }
0x56: {  	_ =	shalt  }

// kernel: sparse-core-data-format-call.4.cloned.1.call-start
scs
called_computation.4_lowered:
.L_overlay_start_0:
0x0: {  	s2 =	sld [smem:$0x3FD9]  }
0x1: {  	s3 =	sld [smem:$0x3FFE];
	_ =	sdelay $0x1  }
0x2: {  	s1 =	srdreg.scid  }
0x3: {  	s0 =	sand.u32 $0x1, s1  }
0x4: {  	s18 =	sshll.u32 s0, $0xA;
	s2 =	sadd.s32 s3, s2  }
0x5: {  	s2 =	sadd.s32 s2, s18  }
0x6: {  	[smem:$0x3FC0] =	sst s2  }
0x7: {  	_ = 	snop  }
0x8: {  	(tm) =	ssettm $0x1  }
0x9: {  	s19 =	sld [smem:$0x3FFB];
	_ =	sdelay $0x3  }
0xa: {  	_ =	strace s19  }
0xb: {  	s2 =	sld [smem:$0x3FFC];
	_ =	sdelay $0x3  }
0xc: {  	_ =	strace s2  }
0xd: {  	s2 =	sld [smem:$0x3FFD];
	_ =	sdelay $0x3  }
0xe: {  	_ =	strace s2  }
0xf: {  	_ =	strace $0x8FFFFFFF  }
0x10: {  	s20 =	sld [smem:$0x3FDB];
	_ =	sdelay $0x1  }
0x11: {  	s21 =	simm.s32 $_scs_section_size  }
0x12: {  	s4 =	simm.s32 $_size__tile_overlayer_lowered;
	s5 =	simm.s32 $_tile_overlayer_lowered  }
0x13: {  	s6 =	simm.s32 $0x1BFF;
	s22 =	sshll.u32 s5, $0x1;
	s3 =	sadd.s32 s21, s20  }
0x14: {  	s23 =	simm.s32 $0x0;
	s4 =	sshll.u32 s4, $0x1;
	s5 =	sadd.s32 s22, s3  }
0x15: {  	[timem:s23], [sflag:s6] =	dma.local [hbm:s5], s4  }
0x16: {  	_ =	swait.ge [sflag:s6], s4  }
0x17: {  	s4 =	ssub.s32 $0x0, s4;
	[sflag:s6] =	ssyncset.done $0x0  }
0x18: {  	[sflag:s6] =	ssyncadd.s32 s4;
	_ =	sdelay $0x1  }
0x19: {  	s24 =	simm.s32 $0x1B8B  }
0x1a: {  	_ =	swait.ge [sflag:s24], $0x1  }
0x1b: {  	[sflag:s24] =	ssyncset.done $0x0  }
0x1c: {  	[sflag:s24] =	ssyncadd.s32 $0xFFFFFFFF  }
0x1d: {  	s4 =	sld [smem:$0x0]  }
0x1e: {  	s5 =	sand.u32 $0xFFFFFFFE, s1  }
0x1f: {  	p0 =	sne.s32 s1, s5  }
0x20: {  	s5 =	sshll.u32 @p0 s5, $0xE  }
0x21: {  	s5 =	sadd.s32 @p0 $0x11B8D, s5;
	s6 =	sshll.u32 @p0 s4, $0x11  }
0x22: {  	s5 =	sor.u32 @p0 s6, s5  }
0x23: {  	[sflag:s5] =	ssyncadd.remote.s32 @p0 $0x1;
	_ =	sdelay $0x1  }
0x24: {  	s5 =	simm.s32 @p0 $0x1B8D  }
0x25: {  	_ =	swait.eq @p0 [sflag:s5], $0x1  }
0x26: {  	[sflag:s5] =	ssyncadd.s32 @p0 $0xFFFFFFFF  }
0x27: {  	s6 =	sshll.u32 @!p0 s1, $0xE  }
0x28: {  	s6 =	sor.u32 @!p0 $0x4000, s6;
	s5 =	simm.s32 @!p0 $0x1B8D  }
0x29: {  	s4 =	sshll.u32 @!p0 s4, $0x11;
	s6 =	sadd.s32 @!p0 $0x11B8D, s6;
	_ =	swait.eq @!p0 [sflag:s5], $0x1  }
0x2a: {  	s4 =	sor.u32 @!p0 s4, s6;
	[sflag:s5] =	ssyncadd.s32 @!p0 $0xFFFFFFFF  }
0x2b: {  	s26 =	simm.s32 $0x1B8E;
	s25 =	sld [smem:$0x3FFE];
	[sflag:s4] =	ssyncadd.remote.s32 @!p0 $0x1  }
0x2c: {  	s27 =	simm.s32 $execute0_lowered;
	[smem:$0x3FD2] =	sst s26  }
0x2d: {  	s5 =	sshll.u32 s27, $0x1;
	_ =	strace $0x8000004F;
	[dreg:$0x1] =	wrdreg $0xFFFFFFFF  }
0x2e: {  	s28 =	simm.s32 $_size_execute0_lowered;
	s3 =	sadd.s32 s3, s5;
	[dreg:$0x0] =	wrdreg $0x0  }
0x2f: {  	s5 =	sshll.u32 s28, $0x1;
	[dreg:$0x2] =	wrdreg s3  }
0x30: {  	[dreg:$0x3] =	wrdreg s5  }
0x31: {  	[dreg:$0x4] =	wrdreg $0xC0  }
0x32: {  	_ =	task [dreg:s23], $0x5FFFF  }
0x33: {  	[dreg:$0x1] =	wrdreg $0xFFFFFFFF  }
0x34: {  	[dreg:$0x0] =	wrdreg $0x60  }
0x35: {  	[dreg:$0x2] =	wrdreg s25  }
0x36: {  	[dreg:$0x3] =	wrdreg $0xB  }
0x37: {  	_ =	task.clear_ibuf [dreg:s23], $0x4FFFF;
	_ =	strace $0x9000004F  }
0x38: {  	s29 =	simm.s32 $0xB;
	_ =	strace $0x80000051  }
0x39: {  	_ =	swait.ge [sflag:s29], $0x1  }
0x3a: {  	[sflag:s29] =	ssyncadd.s32 $0xFFFFFFFF  }
0x3b: {  	_ =	strace $0x90000051  }
0x3c: {  	_ =	sfence  }
0x3d: {  	s30 =	sld [smem:$0x0];
	_ =	sdelay $0x2  }
0x3e: {  	s31 =	sshll.u32 s1, $0xD;
	s1 =	sshrl.u32 s1, $0x2  }
0x3f: {  	s4 =	sand.u32 $0x4000, s31;
	s1 =	sadd.s32 s1, s30  }
0x40: {  	s0 =	sor.u32 s4, s0;
	s1 =	sshll.u32 s1, $0x11  }
0x41: {  	s0 =	sor.u32 s1, s0  }
0x42: {  	s0 =	sadd.s32 $0x8F2B, s0  }
0x43: {  	[sflag:s0] =	ssyncadd.remote.s32 $0x1  }
0x44: {  	_ =	sfence.sel $0xFFFF  }
0x45: {  	[dreg:$0x0] =	wrdreg $0xFFFFFFFF;
	(pc) =	sbr.abs _section_cstart, $3  }
0x46: {  	[dreg:$0x1] =	wrdreg $0xFFFFFFFF  }
0x47: {  	_ =	task.clear_ibuf [dreg:s23], $0x2FFFF;
	_ =	strace $0x9FFFFFFF  }
0x48: {  	(tm) =	ssettm $0x7FFFFFFF  }
0x49: {  	_ =	shalt  }
tec
execute0_lowered:
.L_overlay_start_1:
0x0: {  	(tag) =	ssettag $0x1  }
0x1: {  	s0 =	stileid.u32;
	s1 =	srdreg.scid  }
0x2: {  	s7 =	rddreg [dreg:$0x0];
	s31 =	simm.s32 $0x2;
	s15 =	simm.s32 $0x0  }
0x3: {  	s9 =	simm.s32 $0x400;
	s2 =	sshll.u32 s0, $0x2;
	s1 =	sshll.u32 s1, $0x6  }
0x4: {  	s10 =	simm.s32 $0x40000;
	s1 =	sor.u32 s2, s1;
	s2 =	sand.u32 $0x1, s0  }
0x5: {  	s11 =	simm.s32 $0x0;
	s1 =	sand.u32 $0x78, s1;
	s4 =	ssub.s32 $0x2, s2  }
0x6: {  	s16 =	simm.s32 $0x0;
	s3 =	ssub.s32 $0x800, s1;
	s6 =	sshrl.u32 s4, $0x1  }
0x7: {  	s4 =	sand.u32 $0x1, s4;
	s5 =	sand.u32 $0x78, s3;
	s8 =	sshrl.u32 s3, $0x7  }
0x8: {  	s3 =	rddreg [dreg:$0x1];
	p0 =	sne.s32 s5, $0x0;
	s5 =	simm.s32 $0x1  }
.Ltmp0:
0x9: {  	s6 =	sadd.s32 s4, s6;
	s5 =	simm.s32 @!p0 $0x0;
	(pc) =	sbr.rel .LBB1_1-.Ltmp0, $4  }
0xa: {  	_ =	strace $0x80000050;
	s4 =	simm.s32 $0x1;
	s5 =	sadd.s32 s5, s8  }
0xb: {  	s14 =	simm.s32 $0x0;
	[sflag:s4] =	ssyncpa.u1 $0x0;
	s5 =	smul.u32 s6, s5  }
0xc: {  	s13 =	smov.u32 s2;
	s12 =	smov.u32 s1;
	[sflag:s31] =	ssyncpa.u1 $0x0  }
0xd: {  	s6 =	sadd.s32 $0x2800, s7;
	s7 =	sadd.s32 $0x502800, s7;
	s8 =	sadd.s32 $0x1, s5  }
.LBB1_7:
0xe: {  	s17 =	sadd.s32 $0x80, s12  }
0xf: {  	s15 =	sadd.s32 $0x2, s13;
	s19 =	smov.u32 s13;
	p1 =	sgt.s32 s17, $0x7FF  }
0x10: {  	s19 =	smov.u32 @p1 s15  }
0x11: {  	s17 =	smov.u32 @p1 s1;
	p1 =	sgt.s32 s19, $0x1  }
0x12: {  	s19 =	smov.u32 @p1 s2;
	p1 =	sne.s32 s14, s8  }
.Ltmp1:
0x13: {  	p0 =	slt.u32 s14, $0x2;
	(pc) =	sbr.rel @!p1 .LBB1_8-.Ltmp1, $4  }
0x14: {  	s18 =	simm.s32 @!p0 $0x2  }
0x15: {  	s16 =	smov.u32 s13;
	s11 =	sadd.s32 $0x4000, s11;
	_ =	swait.ge @!p0 [sflag:s18], $0x4000  }
0x16: {  	s15 =	smov.u32 s12;
	[sflag:s18] =	ssyncset.done @!p0 $0x0;
	s12 =	smov.u32 s17  }
0x17: {  	s14 =	sadd.s32 $0x1, s14;
	[sflag:s18] =	ssyncadd.s32 @!p0 $0xFFFFC000;
	s13 =	smov.u32 s19  }
.LBB1_1:
0x18: {  	p0 =	sge.u32 s14, s5  }
0x19: {  	s31 =	sadd.s32 $0xFFFFFFFF, s14;
	s17 =	sxor.u32 @!p0 $0xFFFFFFFF, s14;
	s18 =	sshll.u32 @!p0 s13, $0x13  }
0x1a: {  	s19 =	sshll.u32 @!p0 s12, $0x8;
	s17 =	sshll.u32 @!p0 s17, $0xE;
	s18 =	sadd.s32 @!p0 s6, s18  }
0x1b: {  	s17 =	sand.u32 @!p0 $0x4000, s17;
	s18 =	sadd.s32 @!p0 s19, s18;
	s19 =	simm.s32 @!p0 $0x0  }
0x1c: {  	[tilespmem:s17], [sflag:$0x1] =	stream.linear.gather @!p0 [hbm4b:s18+s19], $0x4000, $0x38;
	[tilespmem:$0x10000] =	vst v63  }
0x1d: {  	p0 =	sge.u32 s31, s5  }
.Ltmp2:
0x1e: {  	_ = 	snop;
	(pc) =	sbr.rel @p0 .LBB1_7-.Ltmp2, $1  }
0x1f: {  	_ =	sdelay $0x3  }
0x20: {  	s18 =	sand.u32 $0x4000, s11  }
0x21: {  	_ =	swait.ge [sflag:s4], $0x4000;
	s20 =	sshll.u32 s14, $0xE;
	s17 =	sor.u32 $0x8040, s18  }
0x22: {  	s19 =	sor.u32 $0x40, s18;
	[sflag:s4] =	ssyncset.done $0x0;
	s31 =	sand.u32 $0x4000, s20  }
0x23: {  	s20 =	simm.s32 $0x0;
	[sflag:s4] =	ssyncadd.s32 $0xFFFFC000;
	s18 =	sor.u32 $0x8000, s31  }
.LBB1_3:
0x24: {  	v0 =	vmov s19;
	_ =	sdelay $0x3  }
0x25: {  	s22 =	simm.s32 $0x0  }
0x26: {  	v6 =	vld.idx.msk [tilespmem:v0+s22+$0x30 ss:$0x1], $0xffff  }
0x27: {  	v7 =	vld.idx.msk [tilespmem:v0+s22+$0xFFFFFFC0 ss:$0x1], $0xffff  }
0x28: {  	v5 =	vld.idx.msk [tilespmem:v0+s22+$0xFFFFFFD0 ss:$0x1], $0xffff  }
0x29: {  	v4 =	vld.idx.msk [tilespmem:v0+s22+$0xFFFFFFE0 ss:$0x1], $0xffff  }
0x2a: {  	v3 =	vld.idx.msk [tilespmem:v0+s22+$0xFFFFFFF0 ss:$0x1], $0xffff  }
0x2b: {  	v1 =	vld.idx.msk [tilespmem:v0+s22+$0x0 ss:$0x1], $0xffff  }
0x2c: {  	v2 =	vld.idx.msk [tilespmem:v0+s22+$0x10 ss:$0x1], $0xffff;
	[tilespmem:s17+$0x30] =	vst v6  }
0x2d: {  	s21 =	simm.s32 $0x80;
	s23 =	simm.s32 $0x400;
	[tilespmem:s17+$0xFFFFFFC0] =	vst v7;
	v6 =	vld.idx.msk [tilespmem:v0+s22+$0x20 ss:$0x1], $0xffff;
	s22 =	smov.u32 s17  }
.LBB1_4:
0x2e: {  	p0 =	sne.s32 s23, $0x1E00;
	v7 =	vld.idx.msk [tilespmem:v0+s21+$0x30 ss:$0x1], $0xffff;
	[tilespmem:s22+$0xFFFFFFD0] =	vst v5  }
0x2f: {  	v8 =	vld.idx.msk [tilespmem:v0+s21+$0xFFFFFFC0 ss:$0x1], $0xffff;
	[tilespmem:s22+$0xFFFFFFE0] =	vst v4  }
0x30: {  	v5 =	vld.idx.msk [tilespmem:v0+s21+$0xFFFFFFD0 ss:$0x1], $0xffff;
	[tilespmem:s22+$0xFFFFFFF0] =	vst v3  }
.Ltmp3:
0x31: {  	v4 =	vld.idx.msk [tilespmem:v0+s21+$0xFFFFFFE0 ss:$0x1], $0xffff;
	[tilespmem:s22+$0x0] =	vst v1;
	(pc) =	sbr.rel @p0 .LBB1_4-.Ltmp3, $4  }
0x32: {  	v3 =	vld.idx.msk [tilespmem:v0+s21+$0xFFFFFFF0 ss:$0x1], $0xffff;
	[tilespmem:s22+$0x10] =	vst v2  }
0x33: {  	v1 =	vld.idx.msk [tilespmem:v0+s21+$0x0 ss:$0x1], $0xffff;
	[tilespmem:s22+$0x20] =	vst v6;
	s22 =	sadd.s32 $0x400, s22  }
0x34: {  	v2 =	vld.idx.msk [tilespmem:v0+s21+$0x10 ss:$0x1], $0xffff;
	[tilespmem:s22+$0x30] =	vst v7  }
0x35: {  	[tilespmem:s22+$0xFFFFFFC0] =	vst v8;
	v6 =	vld.idx.msk [tilespmem:v0+s21+$0x20 ss:$0x1], $0xffff;
	s21 =	sshra.s32 s23, $0x2;
	s23 =	sadd.s32 $0x200, s23  }
0x36: {  	_ =	sdelay $0x2  }
0x37: {  	[tilespmem:s22+$0xFFFFFFD0] =	vst v5  }
0x38: {  	v56 =	vld.idx.msk [tilespmem:v0+s21+$0x30 ss:$0x1], $0xffff;
	[tilespmem:s22+$0xFFFFFFE0] =	vst v4  }
0x39: {  	v57 =	vld.idx.msk [tilespmem:v0+s21+$0xFFFFFFC0 ss:$0x1], $0xffff;
	[tilespmem:s22+$0xFFFFFFF0] =	vst v3  }
0x3a: {  	v58 =	vld.idx.msk [tilespmem:v0+s21+$0xFFFFFFD0 ss:$0x1], $0xffff;
	[tilespmem:s22+$0x0] =	vst v1  }
0x3b: {  	v59 =	vld.idx.msk [tilespmem:v0+s21+$0xFFFFFFE0 ss:$0x1], $0xffff;
	[tilespmem:s22+$0x10] =	vst v2  }
0x3c: {  	v60 =	vld.idx.msk [tilespmem:v0+s21+$0xFFFFFFF0 ss:$0x1], $0xffff;
	s31 =	sadd.s32 $0x400, s22;
	[tilespmem:s22+$0x20] =	vst v6  }
0x3d: {  	v61 =	vld.idx.msk [tilespmem:v0+s21+$0x0 ss:$0x1], $0xffff;
	[tilespmem:s31+$0x30] =	vst v56  }
0x3e: {  	v62 =	vld.idx.msk [tilespmem:v0+s21+$0x10 ss:$0x1], $0xffff;
	s20 =	sadd.s32 $0x1, s20;
	[tilespmem:s31+$0xFFFFFFC0] =	vst v57  }
0x3f: {  	v63 =	vld.idx.msk [tilespmem:v0+s21+$0x20 ss:$0x1], $0xffff;
	p0 =	sne.s32 s20, $0x8;
	[tilespmem:s31+$0xFFFFFFD0] =	vst v58  }
.Ltmp4:
0x40: {  	[tilespmem:s31+$0xFFFFFFE0] =	vst v59;
	(pc) =	sbr.rel @p0 .LBB1_3-.Ltmp4, $4  }
0x41: {  	[tilespmem:s31+$0xFFFFFFF0] =	vst v60  }
0x42: {  	[tilespmem:s31+$0x0] =	vst v61  }
0x43: {  	[tilespmem:s31+$0x10] =	vst v62  }
0x44: {  	s17 =	sadd.s32 $0x80, s17;
	s19 =	sadd.s32 $0x800, s19;
	[tilespmem:s31+$0x20] =	vst v63  }
.Ltmp5:
0x45: {  	(pc) =	sbr.rel .LBB1_7-.Ltmp5, $4  }
0x46: {  	s16 =	sshll.u32 s16, $0x13;
	s15 =	sshll.u32 s15, $0x4  }
0x47: {  	s15 =	sand.u32 $0x7FF0, s15;
	s16 =	sadd.s32 s7, s16  }
0x48: {  	s15 =	sadd.s32 s15, s16  }
0x49: {  	[hbm4b:s15+s9] =	stream.strided.scatter [tilespmem:s18], [sflag:$0x2], $0x4000, s10, s9, $0x38;
	[tilespmem:$0x10000] =	vst v63  }
.LBB1_8:
0x4a: {  	_ =	sfence.sel $0x180000  }
0x4b: {  	s1 =	simm.s32 $0x1;
	[bflag:$0x0] =	sbarrier.arrive $0xFFFF  }
0x4c: {  	s31 =	simm.s32 $0x2;
	[sflag:s1] =	ssyncpa.u1 $0x1  }
0x4d: {  	[sflag:s31] =	ssyncpa.u1 $0x1  }
0x4e: {  	p0 =	sne.s32 s0, $0x0;
	_ =	strace $0x90000050  }
0x4f: {  	s0 =	sadd.s32 @!p0 $0x100000, s3;
	[bflag:$0x2] =	sbarrier.arrive $0xFFFF  }
0x50: {  	[sflag:s0] =	ssyncadd.tile.s32 @!p0 $0x1;
	_ =	shalt  }
.Lfunc_end1:
_tile_overlayer_lowered:
.L_overlay_start_2:
0x51: {  	(tag) =	ssettag $0x2  }
0x52: {  	s0 =	rddreg [dreg:$0x0];
	s2 =	stileid.u32  }
0x53: {  	s1 =	rddreg [dreg:$0x1];
	p0 =	sne.s32 s2, $0x0  }
0x54: {  	s3 =	rddreg [dreg:$0x2];
	[bflag:$0x3] =	sbarrier.arrive $0xFFFF;
	s2 =	simm.s32 @!p0 $0x1C01  }
0x55: {  	[timem:s3], [sflag:s2] =	dma.local @!p0 [hbm:s0], s1  }
0x56: {  	s0 =	simm.s32 @!p0 $0x1  }
0x57: {  	_ =	swait.ge @!p0 [sflag:s0], s1  }
0x58: {  	s1 =	ssub.s32 @!p0 $0x0, s1;
	[sflag:s0] =	ssyncset.done @!p0 $0x0  }
0x59: {  	[sflag:s0] =	ssyncadd.s32 @!p0 s1  }
0x5a: {  	[bflag:$0x3] =	sbarrier.arrive $0xFFFF  }
0x5b: {  	_ =	shalt  }

// kernel: sparse-core-data-format-call.5.cloned.1.call-start
scs
called_computation.5_lowered:
.L_overlay_start_0:
0x0: {  	s2 =	sld [smem:$0x3FD9]  }
0x1: {  	s3 =	sld [smem:$0x3FFE];
	_ =	sdelay $0x1  }
0x2: {  	s1 =	srdreg.scid  }
0x3: {  	s0 =	sand.u32 $0x1, s1  }
0x4: {  	s18 =	sshll.u32 s0, $0xA;
	s2 =	sadd.s32 s3, s2  }
0x5: {  	s2 =	sadd.s32 s2, s18  }
0x6: {  	[smem:$0x3FC0] =	sst s2  }
0x7: {  	_ = 	snop  }
0x8: {  	s2 =	sld [smem:$0x3FD0];
	(tm) =	ssettm $0x1  }
0x9: {  	s19 =	sld [smem:$0x3FFB];
	_ =	sdelay $0x3  }
0xa: {  	_ =	strace s19  }
0xb: {  	s3 =	sld [smem:$0x3FFC];
	_ =	sdelay $0x3  }
0xc: {  	_ =	strace s3  }
0xd: {  	s3 =	sld [smem:$0x3FFD];
	_ =	sdelay $0x3  }
0xe: {  	_ =	strace s3  }
0xf: {  	_ =	strace $0x8FFFFFFF  }
0x10: {  	s20 =	sld [smem:$0x3FDB];
	_ =	sdelay $0x1  }
0x11: {  	s4 =	simm.s32 $_scs_section_size  }
0x12: {  	s5 =	simm.s32 $_size__tile_overlayer_lowered;
	s6 =	simm.s32 $_tile_overlayer_lowered  }
0x13: {  	s23 =	simm.s32 $0x1BFF;
	s22 =	sshll.u32 s6, $0x1;
	s3 =	sadd.s32 s4, s20  }
0x14: {  	s7 =	simm.s32 $0x0;
	s21 =	sshll.u32 s5, $0x1;
	s5 =	sadd.s32 s22, s3  }
0x15: {  	[timem:s7], [sflag:s23] =	dma.local [hbm:s5], s21  }
0x16: {  	_ =	swait.ge [sflag:s23], s21  }
0x17: {  	s4 =	ssub.s32 $0x0, s21;
	[sflag:s23] =	ssyncset.done $0x0  }
0x18: {  	[sflag:s23] =	ssyncadd.s32 s4;
	_ =	sdelay $0x1  }
0x19: {  	s24 =	simm.s32 $0x1B8B  }
0x1a: {  	_ =	swait.ge [sflag:s24], $0x1  }
0x1b: {  	[sflag:s24] =	ssyncset.done $0x0  }
0x1c: {  	s26 =	simm.s32 $0x1B8E;
	s25 =	sld [smem:$0x3FFE];
	[sflag:s24] =	ssyncadd.s32 $0xFFFFFFFF  }
0x1d: {  	s27 =	simm.s32 $execute0_lowered;
	[smem:$0x3FD2] =	sst s26  }
0x1e: {  	s5 =	sshll.u32 s27, $0x1;
	_ =	strace $0x80000046;
	[dreg:$0x1] =	wrdreg $0xFFFFFFFF  }
0x1f: {  	s28 =	simm.s32 $_size_execute0_lowered;
	s3 =	sadd.s32 s3, s5;
	[dreg:$0x0] =	wrdreg $0x0  }
0x20: {  	s5 =	sshll.u32 s28, $0x1;
	[dreg:$0x2] =	wrdreg s3  }
0x21: {  	[dreg:$0x3] =	wrdreg s5  }
0x22: {  	[dreg:$0x4] =	wrdreg $0xC0  }
0x23: {  	_ =	task [dreg:s7], $0x5FFFF  }
0x24: {  	[dreg:$0x1] =	wrdreg $0xFFFFFFFF  }
0x25: {  	[dreg:$0x0] =	wrdreg $0x60  }
0x26: {  	[dreg:$0x2] =	wrdreg s2  }
0x27: {  	[dreg:$0x3] =	wrdreg s25  }
0x28: {  	[dreg:$0x4] =	wrdreg $0xB  }
0x29: {  	_ =	task.clear_ibuf [dreg:s7], $0x5FFFF;
	_ =	strace $0x90000046  }
0x2a: {  	s29 =	simm.s32 $0xB;
	_ =	strace $0x80000048  }
0x2b: {  	_ =	swait.ge [sflag:s29], $0x1  }
0x2c: {  	[sflag:s29] =	ssyncadd.s32 $0xFFFFFFFF  }
0x2d: {  	_ =	strace $0x90000048  }
0x2e: {  	_ =	sfence  }
0x2f: {  	s30 =	sld [smem:$0x0];
	_ =	sdelay $0x2  }
0x30: {  	s31 =	sshll.u32 s1, $0xD;
	s1 =	sshrl.u32 s1, $0x2  }
0x31: {  	s3 =	sand.u32 $0x4000, s31;
	s1 =	sadd.s32 s1, s30  }
0x32: {  	s0 =	sor.u32 s3, s0;
	s1 =	sshll.u32 s1, $0x11  }
0x33: {  	s0 =	sor.u32 s1, s0  }
0x34: {  	s0 =	sadd.s32 $0x8F2B, s0  }
0x35: {  	[sflag:s0] =	ssyncadd.remote.s32 $0x1  }
0x36: {  	_ =	sfence.sel $0xFFFF  }
0x37: {  	[dreg:$0x0] =	wrdreg $0xFFFFFFFF;
	(pc) =	sbr.abs _section_cstart, $3  }
0x38: {  	[dreg:$0x1] =	wrdreg $0xFFFFFFFF  }
0x39: {  	_ =	task.clear_ibuf [dreg:s7], $0x2FFFF;
	_ =	strace $0x9FFFFFFF  }
0x3a: {  	(tm) =	ssettm $0x7FFFFFFF  }
0x3b: {  	_ =	shalt  }
tec
execute0_lowered:
.L_overlay_start_1:
0x0: {  	(tag) =	ssettag $0x1  }
0x1: {  	s2 =	rddreg [dreg:$0x0]  }
0x2: {  	s1 =	rddreg [dreg:$0x1]  }
0x3: {  	s0 =	rddreg [dreg:$0x2];
	_ =	strace $0x80000047;
	s4 =	srdreg.scid  }
.Ltmp0:
0x4: {  	s6 =	simm.s32 $0x2;
	p0 =	por $0x0, $0x0;
	(pc) =	sbr.rel .LBB1_1-.Ltmp0, $4  }
0x5: {  	s9 =	simm.s32 $0x0;
	s3 =	sadd.s32 $0x2800, s1;
	s5 =	sshll.u32 s4, $0x4  }
0x6: {  	s1 =	stileid.u32;
	s4 =	simm.s32 $0x1;
	s5 =	sand.u32 $0x10, s5  }
0x7: {  	s7 =	simm.s32 $0x0;
	[sflag:s4] =	ssyncpa.u1 $0x0;
	s5 =	sor.u32 s1, s5  }
0x8: {  	[sflag:s6] =	ssyncpa.u1 $0x0;
	s6 =	simm.s32 $0x0;
	s8 =	smov.u32 s5  }
.LBB1_7:
0x9: {  	s11 =	sadd.s32 $0x20, s8  }
0xa: {  	p1 =	slt.u32 s7, $0x2;
	s7 =	sadd.s32 $0x1, s7;
	p2 =	sgt.s32 s11, $0x1FF  }
0xb: {  	s11 =	smov.u32 @p2 s5;
	p2 =	sne.s32 s7, $0x12  }
.Ltmp1:
0xc: {  	_ = 	snop;
	(pc) =	sbr.rel @!p2 .LBB1_8-.Ltmp1, $4  }
0xd: {  	s10 =	simm.s32 @!p1 $0x2  }
0xe: {  	_ =	swait.ge @!p1 [sflag:s10], $0x4000  }
0xf: {  	s9 =	smov.u32 s8;
	[sflag:s10] =	ssyncset.done @!p1 $0x0  }
0x10: {  	p0 =	por !p0, !p0;
	s8 =	smov.u32 s11;
	[sflag:s10] =	ssyncadd.s32 @!p1 $0xFFFFC000  }
.LBB1_1:
0x11: {  	p1 =	sgt.u32 s7, $0xF  }
0x12: {  	s10 =	sxor.u32 @!p1 $0xFFFFFFFF, s7  }
0x13: {  	s11 =	sshll.u32 @!p1 s8, $0xB;
	s10 =	sshll.u32 @!p1 s10, $0xE  }
0x14: {  	s12 =	simm.s32 @!p1 $0x0;
	s11 =	sadd.s32 @!p1 s2, s11;
	s10 =	sand.u32 @!p1 $0x4000, s10  }
0x15: {  	[tilespmem:s10], [sflag:$0x1] =	stream.linear.gather @!p1 [hbm4b:s11+s12], $0x4000, $0x38;
	[tilespmem:$0x10000] =	vst v63  }
0x16: {  	p1 =	seq.s32 s7, $0x0  }
0x17: {  	p2 =	seq.s32 @!p1 s7, $0x11  }
0x18: {  	p1 =	por p1, p2  }
.Ltmp2:
0x19: {  	_ = 	snop;
	(pc) =	sbr.rel @p1 .LBB1_7-.Ltmp2, $1  }
0x1a: {  	_ =	sdelay $0x3  }
0x1b: {  	s10 =	simm.s32 $0x1;
	_ =	swait.ge [sflag:s4], $0x4000;
	s12 =	sshll.u32 s7, $0xE  }
0x1c: {  	s13 =	simm.s32 $0x0;
	s10 =	simm.s32 @!p0 $0x0;
	[sflag:s4] =	ssyncset.done $0x0  }
0x1d: {  	s12 =	sand.u32 $0x4000, s12;
	s11 =	sshll.u32 s10, $0xE;
	[sflag:s4] =	ssyncadd.s32 $0xFFFFC000  }
0x1e: {  	s12 =	sor.u32 $0x8000, s12;
	s10 =	sor.u32 $0x8040, s11;
	s11 =	sor.u32 $0x40, s11  }
.LBB1_3:
0x1f: {  	v0 =	vmov s11;
	_ =	sdelay $0x3  }
0x20: {  	s15 =	simm.s32 $0x0  }
0x21: {  	v6 =	vld.idx.msk [tilespmem:v0+s15+$0x30 ss:$0x1], $0xffff  }
0x22: {  	v7 =	vld.idx.msk [tilespmem:v0+s15+$0xFFFFFFC0 ss:$0x1], $0xffff  }
0x23: {  	v5 =	vld.idx.msk [tilespmem:v0+s15+$0xFFFFFFD0 ss:$0x1], $0xffff  }
0x24: {  	v4 =	vld.idx.msk [tilespmem:v0+s15+$0xFFFFFFE0 ss:$0x1], $0xffff  }
0x25: {  	v3 =	vld.idx.msk [tilespmem:v0+s15+$0xFFFFFFF0 ss:$0x1], $0xffff  }
0x26: {  	v1 =	vld.idx.msk [tilespmem:v0+s15+$0x0 ss:$0x1], $0xffff  }
0x27: {  	v2 =	vld.idx.msk [tilespmem:v0+s15+$0x10 ss:$0x1], $0xffff;
	[tilespmem:s10+$0x30] =	vst v6  }
0x28: {  	s14 =	simm.s32 $0x80;
	s16 =	simm.s32 $0x400;
	[tilespmem:s10+$0xFFFFFFC0] =	vst v7;
	v6 =	vld.idx.msk [tilespmem:v0+s15+$0x20 ss:$0x1], $0xffff;
	s15 =	smov.u32 s10  }
.LBB1_4:
0x29: {  	p1 =	sne.s32 s16, $0xE00;
	v7 =	vld.idx.msk [tilespmem:v0+s14+$0x30 ss:$0x1], $0xffff;
	[tilespmem:s15+$0xFFFFFFD0] =	vst v5  }
0x2a: {  	v8 =	vld.idx.msk [tilespmem:v0+s14+$0xFFFFFFC0 ss:$0x1], $0xffff;
	[tilespmem:s15+$0xFFFFFFE0] =	vst v4  }
0x2b: {  	v5 =	vld.idx.msk [tilespmem:v0+s14+$0xFFFFFFD0 ss:$0x1], $0xffff;
	[tilespmem:s15+$0xFFFFFFF0] =	vst v3  }
.Ltmp3:
0x2c: {  	v4 =	vld.idx.msk [tilespmem:v0+s14+$0xFFFFFFE0 ss:$0x1], $0xffff;
	[tilespmem:s15+$0x0] =	vst v1;
	(pc) =	sbr.rel @p1 .LBB1_4-.Ltmp3, $4  }
0x2d: {  	v3 =	vld.idx.msk [tilespmem:v0+s14+$0xFFFFFFF0 ss:$0x1], $0xffff;
	[tilespmem:s15+$0x10] =	vst v2  }
0x2e: {  	v1 =	vld.idx.msk [tilespmem:v0+s14+$0x0 ss:$0x1], $0xffff;
	[tilespmem:s15+$0x20] =	vst v6;
	s15 =	sadd.s32 $0x800, s15  }
0x2f: {  	v2 =	vld.idx.msk [tilespmem:v0+s14+$0x10 ss:$0x1], $0xffff;
	[tilespmem:s15+$0x30] =	vst v7  }
0x30: {  	[tilespmem:s15+$0xFFFFFFC0] =	vst v8;
	v6 =	vld.idx.msk [tilespmem:v0+s14+$0x20 ss:$0x1], $0xffff;
	s14 =	sshra.s32 s16, $0x2;
	s16 =	sadd.s32 $0x200, s16  }
0x31: {  	_ =	sdelay $0x2  }
0x32: {  	[tilespmem:s15+$0xFFFFFFD0] =	vst v5  }
0x33: {  	v56 =	vld.idx.msk [tilespmem:v0+s14+$0x30 ss:$0x1], $0xffff;
	[tilespmem:s15+$0xFFFFFFE0] =	vst v4  }
0x34: {  	v57 =	vld.idx.msk [tilespmem:v0+s14+$0xFFFFFFC0 ss:$0x1], $0xffff;
	[tilespmem:s15+$0xFFFFFFF0] =	vst v3  }
0x35: {  	v58 =	vld.idx.msk [tilespmem:v0+s14+$0xFFFFFFD0 ss:$0x1], $0xffff;
	[tilespmem:s15+$0x0] =	vst v1  }
0x36: {  	v59 =	vld.idx.msk [tilespmem:v0+s14+$0xFFFFFFE0 ss:$0x1], $0xffff;
	[tilespmem:s15+$0x10] =	vst v2  }
0x37: {  	v60 =	vld.idx.msk [tilespmem:v0+s14+$0xFFFFFFF0 ss:$0x1], $0xffff;
	s31 =	sadd.s32 $0x800, s15;
	[tilespmem:s15+$0x20] =	vst v6  }
0x38: {  	v61 =	vld.idx.msk [tilespmem:v0+s14+$0x0 ss:$0x1], $0xffff;
	[tilespmem:s31+$0x30] =	vst v56  }
0x39: {  	v62 =	vld.idx.msk [tilespmem:v0+s14+$0x10 ss:$0x1], $0xffff;
	s13 =	sadd.s32 $0x1, s13;
	[tilespmem:s31+$0xFFFFFFC0] =	vst v57  }
0x3a: {  	v63 =	vld.idx.msk [tilespmem:v0+s14+$0x20 ss:$0x1], $0xffff;
	p1 =	sne.s32 s13, $0x10;
	[tilespmem:s31+$0xFFFFFFD0] =	vst v58  }
.Ltmp4:
0x3b: {  	[tilespmem:s31+$0xFFFFFFE0] =	vst v59;
	(pc) =	sbr.rel @p1 .LBB1_3-.Ltmp4, $4  }
0x3c: {  	[tilespmem:s31+$0xFFFFFFF0] =	vst v60  }
0x3d: {  	[tilespmem:s31+$0x0] =	vst v61  }
0x3e: {  	[tilespmem:s31+$0x10] =	vst v62  }
0x3f: {  	s10 =	sadd.s32 $0x80, s10;
	s11 =	sadd.s32 $0x400, s11;
	[tilespmem:s31+$0x20] =	vst v63  }
.Ltmp5:
0x40: {  	(pc) =	sbr.rel .LBB1_7-.Ltmp5, $4  }
0x41: {  	_ = 	snop  }
0x42: {  	s9 =	sshll.u32 s9, $0xB  }
0x43: {  	s9 =	sadd.s32 s3, s9  }
0x44: {  	[hbm4b:s9+s6] =	stream.linear.scatter [tilespmem:s12], [sflag:$0x2], $0x4000, $0x38;
	[tilespmem:$0x10000] =	vst v63  }
.LBB1_8:
0x45: {  	_ =	sfence.sel $0x180000  }
0x46: {  	s2 =	simm.s32 $0x1;
	[bflag:$0x0] =	sbarrier.arrive $0xFFFF  }
0x47: {  	s31 =	simm.s32 $0x2;
	[sflag:s2] =	ssyncpa.u1 $0x1  }
0x48: {  	[sflag:s31] =	ssyncpa.u1 $0x1  }
0x49: {  	p0 =	sne.s32 s1, $0x0;
	_ =	strace $0x90000047  }
0x4a: {  	s0 =	sadd.s32 @!p0 $0x100000, s0;
	[bflag:$0x2] =	sbarrier.arrive $0xFFFF  }
0x4b: {  	[sflag:s0] =	ssyncadd.tile.s32 @!p0 $0x1;
	_ =	shalt  }
.Lfunc_end1:
_tile_overlayer_lowered:
.L_overlay_start_2:
0x4c: {  	(tag) =	ssettag $0x2  }
0x4d: {  	s0 =	rddreg [dreg:$0x0];
	s2 =	stileid.u32  }
0x4e: {  	s1 =	rddreg [dreg:$0x1];
	p0 =	sne.s32 s2, $0x0  }
0x4f: {  	s3 =	rddreg [dreg:$0x2];
	[bflag:$0x3] =	sbarrier.arrive $0xFFFF;
	s2 =	simm.s32 @!p0 $0x1C01  }
0x50: {  	[timem:s3], [sflag:s2] =	dma.local @!p0 [hbm:s0], s1  }
0x51: {  	s0 =	simm.s32 @!p0 $0x1  }
0x52: {  	_ =	swait.ge @!p0 [sflag:s0], s1  }
0x53: {  	s1 =	ssub.s32 @!p0 $0x0, s1;
	[sflag:s0] =	ssyncset.done @!p0 $0x0  }
0x54: {  	[sflag:s0] =	ssyncadd.s32 @!p0 s1  }
0x55: {  	[bflag:$0x3] =	sbarrier.arrive $0xFFFF  }
0x56: {  	_ =	shalt  }

// kernel: sparse-core-data-format-call.6.cloned.1.call-start
scs
called_computation.6_lowered:
.L_overlay_start_0:
0x0: {  	s2 =	sld [smem:$0x3FD9]  }
0x1: {  	s3 =	sld [smem:$0x3FFE];
	_ =	sdelay $0x1  }
0x2: {  	s1 =	srdreg.scid  }
0x3: {  	s0 =	sand.u32 $0x1, s1  }
0x4: {  	s19 =	sshll.u32 s0, $0xA;
	s2 =	sadd.s32 s3, s2  }
0x5: {  	s2 =	sadd.s32 s2, s19  }
0x6: {  	[smem:$0x3FC0] =	sst s2  }
0x7: {  	_ = 	snop  }
0x8: {  	s20 =	sld [smem:$0x3FC7]  }
0x9: {  	s4 =	sld [smem:$0x3FD0];
	(tm) =	ssettm $0x1  }
0xa: {  	s21 =	sld [smem:$0x3FFB];
	_ =	sdelay $0x3  }
0xb: {  	_ =	strace s21  }
0xc: {  	s2 =	sld [smem:$0x3FFC];
	_ =	sdelay $0x3  }
0xd: {  	_ =	strace s2  }
0xe: {  	s2 =	sld [smem:$0x3FFD];
	_ =	sdelay $0x3  }
0xf: {  	_ =	strace s2  }
0x10: {  	_ =	strace $0x8FFFFFFF  }
0x11: {  	s22 =	sld [smem:$0x3FDB];
	_ =	sdelay $0x1  }
0x12: {  	s5 =	simm.s32 $_scs_section_size  }
0x13: {  	s6 =	simm.s32 $_size__tile_overlayer_lowered;
	s7 =	simm.s32 $_tile_overlayer_lowered  }
0x14: {  	s8 =	simm.s32 $0x1BFF;
	s23 =	sshll.u32 s7, $0x1;
	s5 =	sadd.s32 s5, s22  }
0x15: {  	s24 =	simm.s32 $0x0;
	s6 =	sshll.u32 s6, $0x1;
	s7 =	sadd.s32 s23, s5  }
0x16: {  	[timem:s24], [sflag:s8] =	dma.local [hbm:s7], s6  }
0x17: {  	_ =	swait.ge [sflag:s8], s6  }
0x18: {  	s6 =	ssub.s32 $0x0, s6;
	[sflag:s8] =	ssyncset.done $0x0  }
0x19: {  	[sflag:s8] =	ssyncadd.s32 s6;
	_ =	sdelay $0x1  }
0x1a: {  	s25 =	simm.s32 $0x1B8B  }
0x1b: {  	_ =	swait.ge [sflag:s25], $0x1  }
0x1c: {  	[sflag:s25] =	ssyncset.done $0x0  }
0x1d: {  	[sflag:s25] =	ssyncadd.s32 $0xFFFFFFFF  }
0x1e: {  	s6 =	sld [smem:$0x0]  }
0x1f: {  	s7 =	sand.u32 $0xFFFFFFFE, s1  }
0x20: {  	p0 =	sne.s32 s1, s7  }
0x21: {  	s7 =	sshll.u32 @p0 s7, $0xE  }
0x22: {  	s7 =	sadd.s32 @p0 $0x11B8D, s7;
	s8 =	sshll.u32 @p0 s6, $0x11  }
0x23: {  	s7 =	sor.u32 @p0 s8, s7  }
0x24: {  	[sflag:s7] =	ssyncadd.remote.s32 @p0 $0x1;
	_ =	sdelay $0x1  }
0x25: {  	s7 =	simm.s32 @p0 $0x1B8D  }
0x26: {  	_ =	swait.eq @p0 [sflag:s7], $0x1  }
0x27: {  	[sflag:s7] =	ssyncadd.s32 @p0 $0xFFFFFFFF  }
0x28: {  	s8 =	sshll.u32 @!p0 s1, $0xE  }
0x29: {  	s8 =	sor.u32 @!p0 $0x4000, s8;
	s7 =	simm.s32 @!p0 $0x1B8D  }
0x2a: {  	s6 =	sshll.u32 @!p0 s6, $0x11;
	s8 =	sadd.s32 @!p0 $0x11B8D, s8;
	_ =	swait.eq @!p0 [sflag:s7], $0x1  }
0x2b: {  	s6 =	sor.u32 @!p0 s6, s8;
	[sflag:s7] =	ssyncadd.s32 @!p0 $0xFFFFFFFF  }
0x2c: {  	s26 =	simm.s32 $0x1B8E;
	[sflag:s6] =	ssyncadd.remote.s32 @!p0 $0x1  }
0x2d: {  	s27 =	simm.s32 $execute0_lowered;
	[smem:$0x3FD2] =	sst s26  }
0x2e: {  	s6 =	sshll.u32 s27, $0x1;
	_ =	strace $0x8000005B;
	[dreg:$0x1] =	wrdreg $0xFFFFFFFF  }
0x2f: {  	s28 =	simm.s32 $_size_execute0_lowered;
	s5 =	sadd.s32 s5, s6;
	[dreg:$0x0] =	wrdreg $0x0  }
0x30: {  	s6 =	sshll.u32 s28, $0x1;
	[dreg:$0x2] =	wrdreg s5  }
0x31: {  	[dreg:$0x3] =	wrdreg s6  }
0x32: {  	[dreg:$0x4] =	wrdreg $0xC0  }
0x33: {  	_ =	task [dreg:s24], $0x5FFFF  }
0x34: {  	[dreg:$0x1] =	wrdreg $0xFFFFFFFF  }
0x35: {  	[dreg:$0x0] =	wrdreg $0x60  }
0x36: {  	[dreg:$0x2] =	wrdreg s20  }
0x37: {  	[dreg:$0x3] =	wrdreg s4  }
0x38: {  	[dreg:$0x4] =	wrdreg $0x9  }
0x39: {  	_ =	task.clear_ibuf [dreg:s24], $0x5FFFF;
	_ =	strace $0x9000005B  }
0x3a: {  	s29 =	simm.s32 $0x9;
	_ =	strace $0x8000005D  }
0x3b: {  	_ =	swait.ge [sflag:s29], $0x1  }
0x3c: {  	[sflag:s29] =	ssyncadd.s32 $0xFFFFFFFF  }
0x3d: {  	_ =	strace $0x9000005D  }
0x3e: {  	_ =	sfence  }
0x3f: {  	s30 =	sld [smem:$0x0];
	_ =	sdelay $0x2  }
0x40: {  	s31 =	sshll.u32 s1, $0xD;
	s1 =	sshrl.u32 s1, $0x2  }
0x41: {  	s4 =	sand.u32 $0x4000, s31;
	s1 =	sadd.s32 s1, s30  }
0x42: {  	s0 =	sor.u32 s4, s0;
	s1 =	sshll.u32 s1, $0x11  }
0x43: {  	s0 =	sor.u32 s1, s0  }
0x44: {  	s0 =	sadd.s32 $0x8F2B, s0  }
0x45: {  	[sflag:s0] =	ssyncadd.remote.s32 $0x1  }
0x46: {  	_ =	sfence.sel $0xFFFF  }
0x47: {  	[dreg:$0x0] =	wrdreg $0xFFFFFFFF;
	(pc) =	sbr.abs _section_cstart, $3  }
0x48: {  	[dreg:$0x1] =	wrdreg $0xFFFFFFFF  }
0x49: {  	_ =	task.clear_ibuf [dreg:s24], $0x2FFFF;
	_ =	strace $0x9FFFFFFF  }
0x4a: {  	(tm) =	ssettm $0x7FFFFFFF  }
0x4b: {  	_ =	shalt  }
tec
execute0_lowered:
.L_overlay_start_1:
0x0: {  	(tag) =	ssettag $0x1  }
0x1: {  	s0 =	srdreg.scid;
	s2 =	rddreg [dreg:$0x0]  }
0x2: {  	s3 =	rddreg [dreg:$0x1];
	s1 =	stileid.u32  }
0x3: {  	s5 =	simm.s32 $0x1;
	s7 =	simm.s32 $0x2;
	s0 =	sshll.u32 s0, $0x4  }
.Ltmp0:
0x4: {  	s8 =	simm.s32 $0x0;
	s4 =	sand.u32 $0x10, s0;
	(pc) =	sbr.rel .LBB1_1-.Ltmp0, $4  }
0x5: {  	s9 =	simm.s32 $0x0;
	s12 =	simm.s32 $0x0;
	s4 =	sor.u32 s1, s4  }
0x6: {  	s0 =	rddreg [dreg:$0x2];
	_ =	strace $0x8000005C;
	s6 =	ssub.s32 $0x221, s4  }
0x7: {  	s11 =	simm.s32 $0x0;
	[sflag:s5] =	ssyncpa.u1 $0x0;
	s6 =	sshrl.u32 s6, $0x5  }
0x8: {  	[sflag:s7] =	ssyncpa.u1 $0x0;
	s10 =	smov.u32 s4;
	s7 =	sadd.s32 $0x1, s6  }
.LBB1_7:
0x9: {  	s14 =	sadd.s32 $0x20, s10  }
0xa: {  	p1 =	sgt.s32 s14, $0x201  }
0xb: {  	s14 =	smov.u32 @p1 s4;
	p1 =	sne.s32 s11, s7  }
.Ltmp1:
0xc: {  	p0 =	slt.u32 s11, $0x2;
	(pc) =	sbr.rel @!p1 .LBB1_8-.Ltmp1, $4  }
0xd: {  	s13 =	simm.s32 @!p0 $0x2  }
0xe: {  	s15 =	sadd.s32 $0x1, s11;
	_ =	swait.ge @!p0 [sflag:s13], $0x4000  }
0xf: {  	s12 =	smov.u32 s10;
	s9 =	sadd.s32 $0x4000, s9;
	[sflag:s13] =	ssyncset.done @!p0 $0x0  }
0x10: {  	s11 =	smov.u32 s15;
	s10 =	smov.u32 s14;
	[sflag:s13] =	ssyncadd.s32 @!p0 $0xFFFFC000  }
.LBB1_1:
0x11: {  	p0 =	sge.u32 s11, s6  }
0x12: {  	s13 =	sxor.u32 @!p0 $0xFFFFFFFF, s11  }
0x13: {  	s31 =	sadd.s32 $0xFFFFFFFF, s11;
	s14 =	sshll.u32 @!p0 s10, $0xB;
	s13 =	sshll.u32 @!p0 s13, $0xE  }
0x14: {  	s15 =	simm.s32 @!p0 $0x0;
	s14 =	sadd.s32 @!p0 s2, s14;
	s13 =	sand.u32 @!p0 $0x4000, s13  }
0x15: {  	[tilespmem:s13], [sflag:$0x1] =	stream.linear.gather @!p0 [hbm4b:s14+s15], $0x4000, $0x38;
	[tilespmem:$0x10000] =	vst v63  }
0x16: {  	p0 =	sge.u32 s31, s6  }
.Ltmp2:
0x17: {  	_ = 	snop;
	(pc) =	sbr.rel @p0 .LBB1_7-.Ltmp2, $1  }
0x18: {  	_ =	sdelay $0x3  }
0x19: {  	s14 =	sand.u32 $0x4000, s9  }
0x1a: {  	_ =	swait.ge [sflag:s5], $0x4000;
	s15 =	sshll.u32 s11, $0xE;
	s16 =	simm.s32 $0x0  }
0x1b: {  	s13 =	sor.u32 $0x8040, s14;
	[sflag:s5] =	ssyncset.done $0x0;
	s15 =	sand.u32 $0x4000, s15  }
0x1c: {  	s14 =	sor.u32 $0x40, s14;
	[sflag:s5] =	ssyncadd.s32 $0xFFFFC000;
	s15 =	sor.u32 $0x8000, s15  }
.LBB1_3:
0x1d: {  	v0 =	vmov s14;
	_ =	sdelay $0x3  }
0x1e: {  	s18 =	simm.s32 $0x0  }
0x1f: {  	v6 =	vld.idx.msk [tilespmem:v0+s18+$0x30 ss:$0x1], $0xffff  }
0x20: {  	v7 =	vld.idx.msk [tilespmem:v0+s18+$0xFFFFFFC0 ss:$0x1], $0xffff  }
0x21: {  	v5 =	vld.idx.msk [tilespmem:v0+s18+$0xFFFFFFD0 ss:$0x1], $0xffff  }
0x22: {  	v4 =	vld.idx.msk [tilespmem:v0+s18+$0xFFFFFFE0 ss:$0x1], $0xffff  }
0x23: {  	v3 =	vld.idx.msk [tilespmem:v0+s18+$0xFFFFFFF0 ss:$0x1], $0xffff  }
0x24: {  	v1 =	vld.idx.msk [tilespmem:v0+s18+$0x0 ss:$0x1], $0xffff  }
0x25: {  	v2 =	vld.idx.msk [tilespmem:v0+s18+$0x10 ss:$0x1], $0xffff;
	[tilespmem:s13+$0x30] =	vst v6  }
0x26: {  	s17 =	simm.s32 $0x80;
	s19 =	simm.s32 $0x400;
	[tilespmem:s13+$0xFFFFFFC0] =	vst v7;
	v6 =	vld.idx.msk [tilespmem:v0+s18+$0x20 ss:$0x1], $0xffff;
	s18 =	smov.u32 s13  }
.LBB1_4:
0x27: {  	p0 =	sne.s32 s19, $0xE00;
	v7 =	vld.idx.msk [tilespmem:v0+s17+$0x30 ss:$0x1], $0xffff;
	[tilespmem:s18+$0xFFFFFFD0] =	vst v5  }
0x28: {  	v8 =	vld.idx.msk [tilespmem:v0+s17+$0xFFFFFFC0 ss:$0x1], $0xffff;
	[tilespmem:s18+$0xFFFFFFE0] =	vst v4  }
0x29: {  	v5 =	vld.idx.msk [tilespmem:v0+s17+$0xFFFFFFD0 ss:$0x1], $0xffff;
	[tilespmem:s18+$0xFFFFFFF0] =	vst v3  }
.Ltmp3:
0x2a: {  	v4 =	vld.idx.msk [tilespmem:v0+s17+$0xFFFFFFE0 ss:$0x1], $0xffff;
	[tilespmem:s18+$0x0] =	vst v1;
	(pc) =	sbr.rel @p0 .LBB1_4-.Ltmp3, $4  }
0x2b: {  	v3 =	vld.idx.msk [tilespmem:v0+s17+$0xFFFFFFF0 ss:$0x1], $0xffff;
	[tilespmem:s18+$0x10] =	vst v2  }
0x2c: {  	v1 =	vld.idx.msk [tilespmem:v0+s17+$0x0 ss:$0x1], $0xffff;
	[tilespmem:s18+$0x20] =	vst v6;
	s18 =	sadd.s32 $0x800, s18  }
0x2d: {  	v2 =	vld.idx.msk [tilespmem:v0+s17+$0x10 ss:$0x1], $0xffff;
	[tilespmem:s18+$0x30] =	vst v7  }
0x2e: {  	[tilespmem:s18+$0xFFFFFFC0] =	vst v8;
	v6 =	vld.idx.msk [tilespmem:v0+s17+$0x20 ss:$0x1], $0xffff;
	s17 =	sshra.s32 s19, $0x2;
	s19 =	sadd.s32 $0x200, s19  }
0x2f: {  	_ =	sdelay $0x2  }
0x30: {  	[tilespmem:s18+$0xFFFFFFD0] =	vst v5  }
0x31: {  	v56 =	vld.idx.msk [tilespmem:v0+s17+$0x30 ss:$0x1], $0xffff;
	[tilespmem:s18+$0xFFFFFFE0] =	vst v4  }
0x32: {  	v57 =	vld.idx.msk [tilespmem:v0+s17+$0xFFFFFFC0 ss:$0x1], $0xffff;
	[tilespmem:s18+$0xFFFFFFF0] =	vst v3  }
0x33: {  	v58 =	vld.idx.msk [tilespmem:v0+s17+$0xFFFFFFD0 ss:$0x1], $0xffff;
	[tilespmem:s18+$0x0] =	vst v1  }
0x34: {  	v59 =	vld.idx.msk [tilespmem:v0+s17+$0xFFFFFFE0 ss:$0x1], $0xffff;
	[tilespmem:s18+$0x10] =	vst v2  }
0x35: {  	v60 =	vld.idx.msk [tilespmem:v0+s17+$0xFFFFFFF0 ss:$0x1], $0xffff;
	s31 =	sadd.s32 $0x800, s18;
	[tilespmem:s18+$0x20] =	vst v6  }
0x36: {  	v61 =	vld.idx.msk [tilespmem:v0+s17+$0x0 ss:$0x1], $0xffff;
	[tilespmem:s31+$0x30] =	vst v56  }
0x37: {  	v62 =	vld.idx.msk [tilespmem:v0+s17+$0x10 ss:$0x1], $0xffff;
	s16 =	sadd.s32 $0x1, s16;
	[tilespmem:s31+$0xFFFFFFC0] =	vst v57  }
0x38: {  	v63 =	vld.idx.msk [tilespmem:v0+s17+$0x20 ss:$0x1], $0xffff;
	p0 =	sne.s32 s16, $0x10;
	[tilespmem:s31+$0xFFFFFFD0] =	vst v58  }
.Ltmp4:
0x39: {  	[tilespmem:s31+$0xFFFFFFE0] =	vst v59;
	(pc) =	sbr.rel @p0 .LBB1_3-.Ltmp4, $4  }
0x3a: {  	[tilespmem:s31+$0xFFFFFFF0] =	vst v60  }
0x3b: {  	[tilespmem:s31+$0x0] =	vst v61  }
0x3c: {  	[tilespmem:s31+$0x10] =	vst v62  }
0x3d: {  	s13 =	sadd.s32 $0x80, s13;
	s14 =	sadd.s32 $0x400, s14;
	[tilespmem:s31+$0x20] =	vst v63  }
.Ltmp5:
0x3e: {  	(pc) =	sbr.rel .LBB1_7-.Ltmp5, $4  }
0x3f: {  	_ = 	snop  }
0x40: {  	s12 =	sshll.u32 s12, $0xB  }
0x41: {  	s12 =	sadd.s32 s3, s12  }
0x42: {  	[hbm4b:s12+s8] =	stream.linear.scatter [tilespmem:s15], [sflag:$0x2], $0x4000, $0x38;
	[tilespmem:$0x10000] =	vst v63  }
.LBB1_8:
0x43: {  	_ =	sfence.sel $0x180000  }
0x44: {  	s2 =	simm.s32 $0x1;
	[bflag:$0x0] =	sbarrier.arrive $0xFFFF  }
0x45: {  	s31 =	simm.s32 $0x2;
	[sflag:s2] =	ssyncpa.u1 $0x1  }
0x46: {  	[sflag:s31] =	ssyncpa.u1 $0x1  }
0x47: {  	p0 =	sne.s32 s1, $0x0;
	_ =	strace $0x9000005C  }
0x48: {  	s0 =	sadd.s32 @!p0 $0x100000, s0;
	[bflag:$0x2] =	sbarrier.arrive $0xFFFF  }
0x49: {  	[sflag:s0] =	ssyncadd.tile.s32 @!p0 $0x1;
	_ =	shalt  }
.Lfunc_end1:
_tile_overlayer_lowered:
.L_overlay_start_2:
0x4a: {  	(tag) =	ssettag $0x2  }
0x4b: {  	s0 =	rddreg [dreg:$0x0];
	s2 =	stileid.u32  }
0x4c: {  	s1 =	rddreg [dreg:$0x1];
	p0 =	sne.s32 s2, $0x0  }
0x4d: {  	s3 =	rddreg [dreg:$0x2];
	[bflag:$0x3] =	sbarrier.arrive $0xFFFF;
	s2 =	simm.s32 @!p0 $0x1C01  }
0x4e: {  	[timem:s3], [sflag:s2] =	dma.local @!p0 [hbm:s0], s1  }
0x4f: {  	s0 =	simm.s32 @!p0 $0x1  }
0x50: {  	_ =	swait.ge @!p0 [sflag:s0], s1  }
0x51: {  	s1 =	ssub.s32 @!p0 $0x0, s1;
	[sflag:s0] =	ssyncset.done @!p0 $0x0  }
0x52: {  	[sflag:s0] =	ssyncadd.s32 @!p0 s1  }
0x53: {  	[bflag:$0x3] =	sbarrier.arrive $0xFFFF  }
0x54: {  	_ =	shalt  }

// kernel: sparse-core-data-format-call.7.cloned.1.call-start
scs
called_computation.7_lowered:
.L_overlay_start_0:
0x0: {  	s2 =	sld [smem:$0x3FD9]  }
0x1: {  	s3 =	sld [smem:$0x3FFE];
	_ =	sdelay $0x1  }
0x2: {  	s1 =	srdreg.scid  }
0x3: {  	s0 =	sand.u32 $0x1, s1  }
0x4: {  	s18 =	sshll.u32 s0, $0xA;
	s2 =	sadd.s32 s3, s2  }
0x5: {  	s2 =	sadd.s32 s2, s18  }
0x6: {  	[smem:$0x3FC0] =	sst s2  }
0x7: {  	_ = 	snop  }
0x8: {  	s19 =	sld [smem:$0x3FC8];
	(tm) =	ssettm $0x1  }
0x9: {  	s20 =	sld [smem:$0x3FFB];
	_ =	sdelay $0x3  }
0xa: {  	_ =	strace s20  }
0xb: {  	s2 =	sld [smem:$0x3FFC];
	_ =	sdelay $0x3  }
0xc: {  	_ =	strace s2  }
0xd: {  	s2 =	sld [smem:$0x3FFD];
	_ =	sdelay $0x3  }
0xe: {  	_ =	strace s2  }
0xf: {  	_ =	strace $0x8FFFFFFF  }
0x10: {  	s21 =	sld [smem:$0x3FDB];
	_ =	sdelay $0x1  }
0x11: {  	s4 =	simm.s32 $_scs_section_size  }
0x12: {  	s5 =	simm.s32 $_size__tile_overlayer_lowered;
	s6 =	simm.s32 $_tile_overlayer_lowered  }
0x13: {  	s7 =	simm.s32 $0x1BFF;
	s22 =	sshll.u32 s6, $0x1;
	s4 =	sadd.s32 s4, s21  }
0x14: {  	s23 =	simm.s32 $0x0;
	s5 =	sshll.u32 s5, $0x1;
	s6 =	sadd.s32 s22, s4  }
0x15: {  	[timem:s23], [sflag:s7] =	dma.local [hbm:s6], s5  }
0x16: {  	_ =	swait.ge [sflag:s7], s5  }
0x17: {  	s5 =	ssub.s32 $0x0, s5;
	[sflag:s7] =	ssyncset.done $0x0  }
0x18: {  	[sflag:s7] =	ssyncadd.s32 s5;
	_ =	sdelay $0x1  }
0x19: {  	s24 =	simm.s32 $0x1B8B  }
0x1a: {  	_ =	swait.ge [sflag:s24], $0x1  }
0x1b: {  	[sflag:s24] =	ssyncset.done $0x0  }
0x1c: {  	[sflag:s24] =	ssyncadd.s32 $0xFFFFFFFF  }
0x1d: {  	s5 =	sld [smem:$0x0]  }
0x1e: {  	s6 =	sand.u32 $0xFFFFFFFE, s1  }
0x1f: {  	p0 =	sne.s32 s1, s6  }
0x20: {  	s6 =	sshll.u32 @p0 s6, $0xE  }
0x21: {  	s6 =	sadd.s32 @p0 $0x11B8D, s6;
	s7 =	sshll.u32 @p0 s5, $0x11  }
0x22: {  	s6 =	sor.u32 @p0 s7, s6  }
0x23: {  	[sflag:s6] =	ssyncadd.remote.s32 @p0 $0x1;
	_ =	sdelay $0x1  }
0x24: {  	s6 =	simm.s32 @p0 $0x1B8D  }
0x25: {  	_ =	swait.eq @p0 [sflag:s6], $0x1  }
0x26: {  	[sflag:s6] =	ssyncadd.s32 @p0 $0xFFFFFFFF  }
0x27: {  	s7 =	sshll.u32 @!p0 s1, $0xE  }
0x28: {  	s7 =	sor.u32 @!p0 $0x4000, s7;
	s6 =	simm.s32 @!p0 $0x1B8D  }
0x29: {  	s5 =	sshll.u32 @!p0 s5, $0x11;
	s7 =	sadd.s32 @!p0 $0x11B8D, s7;
	_ =	swait.eq @!p0 [sflag:s6], $0x1  }
0x2a: {  	s5 =	sor.u32 @!p0 s5, s7;
	[sflag:s6] =	ssyncadd.s32 @!p0 $0xFFFFFFFF  }
0x2b: {  	s26 =	simm.s32 $0x1B8E;
	s25 =	sld [smem:$0x3FFE];
	[sflag:s5] =	ssyncadd.remote.s32 @!p0 $0x1  }
0x2c: {  	s27 =	simm.s32 $execute0_lowered;
	[smem:$0x3FD2] =	sst s26  }
0x2d: {  	s6 =	sshll.u32 s27, $0x1;
	_ =	strace $0x80000058;
	[dreg:$0x1] =	wrdreg $0xFFFFFFFF  }
0x2e: {  	s28 =	simm.s32 $_size_execute0_lowered;
	s4 =	sadd.s32 s4, s6;
	[dreg:$0x0] =	wrdreg $0x0  }
0x2f: {  	s6 =	sshll.u32 s28, $0x1;
	[dreg:$0x2] =	wrdreg s4  }
0x30: {  	[dreg:$0x3] =	wrdreg s6  }
0x31: {  	[dreg:$0x4] =	wrdreg $0xC0  }
0x32: {  	_ =	task [dreg:s23], $0x5FFFF  }
0x33: {  	[dreg:$0x1] =	wrdreg $0xFFFFFFFF  }
0x34: {  	[dreg:$0x0] =	wrdreg $0x60  }
0x35: {  	[dreg:$0x2] =	wrdreg s19  }
0x36: {  	[dreg:$0x3] =	wrdreg s25  }
0x37: {  	[dreg:$0x4] =	wrdreg $0xA  }
0x38: {  	_ =	task.clear_ibuf [dreg:s23], $0x5FFFF;
	_ =	strace $0x90000058  }
0x39: {  	s29 =	simm.s32 $0xA;
	_ =	strace $0x8000005A  }
0x3a: {  	_ =	swait.ge [sflag:s29], $0x1  }
0x3b: {  	[sflag:s29] =	ssyncadd.s32 $0xFFFFFFFF  }
0x3c: {  	_ =	strace $0x9000005A  }
0x3d: {  	_ =	sfence  }
0x3e: {  	s30 =	sld [smem:$0x0];
	_ =	sdelay $0x2  }
0x3f: {  	s31 =	sshll.u32 s1, $0xD;
	s1 =	sshrl.u32 s1, $0x2  }
0x40: {  	s4 =	sand.u32 $0x4000, s31;
	s1 =	sadd.s32 s1, s30  }
0x41: {  	s0 =	sor.u32 s4, s0;
	s1 =	sshll.u32 s1, $0x11  }
0x42: {  	s0 =	sor.u32 s1, s0  }
0x43: {  	s0 =	sadd.s32 $0x8F2B, s0  }
0x44: {  	[sflag:s0] =	ssyncadd.remote.s32 $0x1  }
0x45: {  	_ =	sfence.sel $0xFFFF  }
0x46: {  	[dreg:$0x0] =	wrdreg $0xFFFFFFFF;
	(pc) =	sbr.abs _section_cstart, $3  }
0x47: {  	[dreg:$0x1] =	wrdreg $0xFFFFFFFF  }
0x48: {  	_ =	task.clear_ibuf [dreg:s23], $0x2FFFF;
	_ =	strace $0x9FFFFFFF  }
0x49: {  	(tm) =	ssettm $0x7FFFFFFF  }
tec
execute0_lowered:
.L_overlay_start_1:
0x0: {  	(tag) =	ssettag $0x1  }
0x1: {  	s2 =	rddreg [dreg:$0x0];
	s0 =	srdreg.scid  }
0x2: {  	s4 =	rddreg [dreg:$0x1];
	s1 =	stileid.u32;
	s5 =	simm.s32 $0x1  }
0x3: {  	s7 =	simm.s32 $0x2;
	s8 =	simm.s32 $0x0;
	s3 =	sshll.u32 s0, $0x4  }
.Ltmp0:
0x4: {  	s9 =	simm.s32 $0x0;
	s3 =	sand.u32 $0x10, s3;
	(pc) =	sbr.rel .LBB1_1-.Ltmp0, $4  }
0x5: {  	s12 =	simm.s32 $0x0;
	s11 =	simm.s32 $0x0;
	s3 =	sor.u32 s1, s3  }
0x6: {  	s0 =	rddreg [dreg:$0x2];
	_ =	strace $0x80000059;
	s6 =	ssub.s32 $0x221, s3  }
0x7: {  	s4 =	sadd.s32 $0x303800, s4;
	[sflag:s5] =	ssyncpa.u1 $0x0;
	s6 =	sshrl.u32 s6, $0x5  }
0x8: {  	[sflag:s7] =	ssyncpa.u1 $0x0;
	s10 =	smov.u32 s3;
	s7 =	sadd.s32 $0x1, s6  }
.LBB1_7:
0x9: {  	s14 =	sadd.s32 $0x20, s10  }
0xa: {  	p1 =	sgt.s32 s14, $0x201  }
0xb: {  	s14 =	smov.u32 @p1 s3;
	p1 =	sne.s32 s11, s7  }
.Ltmp1:
0xc: {  	p0 =	slt.u32 s11, $0x2;
	(pc) =	sbr.rel @!p1 .LBB1_8-.Ltmp1, $4  }
0xd: {  	s13 =	simm.s32 @!p0 $0x2  }
0xe: {  	s15 =	sadd.s32 $0x1, s11;
	_ =	swait.ge @!p0 [sflag:s13], $0x4000  }
0xf: {  	s12 =	smov.u32 s10;
	s9 =	sadd.s32 $0x4000, s9;
	[sflag:s13] =	ssyncset.done @!p0 $0x0  }
0x10: {  	s11 =	smov.u32 s15;
	s10 =	smov.u32 s14;
	[sflag:s13] =	ssyncadd.s32 @!p0 $0xFFFFC000  }
.LBB1_1:
0x11: {  	p0 =	sge.u32 s11, s6  }
0x12: {  	s13 =	sxor.u32 @!p0 $0xFFFFFFFF, s11  }
0x13: {  	s31 =	sadd.s32 $0xFFFFFFFF, s11;
	s14 =	sshll.u32 @!p0 s10, $0xB;
	s13 =	sshll.u32 @!p0 s13, $0xE  }
0x14: {  	s15 =	simm.s32 @!p0 $0x0;
	s14 =	sadd.s32 @!p0 s2, s14;
	s13 =	sand.u32 @!p0 $0x4000, s13  }
0x15: {  	[tilespmem:s13], [sflag:$0x1] =	stream.linear.gather @!p0 [hbm4b:s14+s15], $0x4000, $0x38;
	[tilespmem:$0x10000] =	vst v63  }
0x16: {  	p0 =	sge.u32 s31, s6  }
.Ltmp2:
0x17: {  	_ = 	snop;
	(pc) =	sbr.rel @p0 .LBB1_7-.Ltmp2, $1  }
0x18: {  	_ =	sdelay $0x3  }
0x19: {  	s14 =	sand.u32 $0x4000, s9  }
0x1a: {  	_ =	swait.ge [sflag:s5], $0x4000;
	s15 =	sshll.u32 s11, $0xE;
	s16 =	simm.s32 $0x0  }
0x1b: {  	s13 =	sor.u32 $0x8040, s14;
	[sflag:s5] =	ssyncset.done $0x0;
	s15 =	sand.u32 $0x4000, s15  }
0x1c: {  	s14 =	sor.u32 $0x40, s14;
	[sflag:s5] =	ssyncadd.s32 $0xFFFFC000;
	s15 =	sor.u32 $0x8000, s15  }
.LBB1_3:
0x1d: {  	v0 =	vmov s14;
	_ =	sdelay $0x3  }
0x1e: {  	s18 =	simm.s32 $0x0  }
0x1f: {  	v6 =	vld.idx.msk [tilespmem:v0+s18+$0x30 ss:$0x1], $0xffff  }
0x20: {  	v7 =	vld.idx.msk [tilespmem:v0+s18+$0xFFFFFFC0 ss:$0x1], $0xffff  }
0x21: {  	v5 =	vld.idx.msk [tilespmem:v0+s18+$0xFFFFFFD0 ss:$0x1], $0xffff  }
0x22: {  	v4 =	vld.idx.msk [tilespmem:v0+s18+$0xFFFFFFE0 ss:$0x1], $0xffff  }
0x23: {  	v3 =	vld.idx.msk [tilespmem:v0+s18+$0xFFFFFFF0 ss:$0x1], $0xffff  }
0x24: {  	v1 =	vld.idx.msk [tilespmem:v0+s18+$0x0 ss:$0x1], $0xffff  }
0x25: {  	v2 =	vld.idx.msk [tilespmem:v0+s18+$0x10 ss:$0x1], $0xffff;
	[tilespmem:s13+$0x30] =	vst v6  }
0x26: {  	s17 =	simm.s32 $0x80;
	s19 =	simm.s32 $0x400;
	[tilespmem:s13+$0xFFFFFFC0] =	vst v7;
	v6 =	vld.idx.msk [tilespmem:v0+s18+$0x20 ss:$0x1], $0xffff;
	s18 =	smov.u32 s13  }
.LBB1_4:
0x27: {  	p0 =	sne.s32 s19, $0xE00;
	v7 =	vld.idx.msk [tilespmem:v0+s17+$0x30 ss:$0x1], $0xffff;
	[tilespmem:s18+$0xFFFFFFD0] =	vst v5  }
0x28: {  	v8 =	vld.idx.msk [tilespmem:v0+s17+$0xFFFFFFC0 ss:$0x1], $0xffff;
	[tilespmem:s18+$0xFFFFFFE0] =	vst v4  }
0x29: {  	v5 =	vld.idx.msk [tilespmem:v0+s17+$0xFFFFFFD0 ss:$0x1], $0xffff;
	[tilespmem:s18+$0xFFFFFFF0] =	vst v3  }
.Ltmp3:
0x2a: {  	v4 =	vld.idx.msk [tilespmem:v0+s17+$0xFFFFFFE0 ss:$0x1], $0xffff;
	[tilespmem:s18+$0x0] =	vst v1;
	(pc) =	sbr.rel @p0 .LBB1_4-.Ltmp3, $4  }
0x2b: {  	v3 =	vld.idx.msk [tilespmem:v0+s17+$0xFFFFFFF0 ss:$0x1], $0xffff;
	[tilespmem:s18+$0x10] =	vst v2  }
0x2c: {  	v1 =	vld.idx.msk [tilespmem:v0+s17+$0x0 ss:$0x1], $0xffff;
	[tilespmem:s18+$0x20] =	vst v6;
	s18 =	sadd.s32 $0x800, s18  }
0x2d: {  	v2 =	vld.idx.msk [tilespmem:v0+s17+$0x10 ss:$0x1], $0xffff;
	[tilespmem:s18+$0x30] =	vst v7  }
0x2e: {  	[tilespmem:s18+$0xFFFFFFC0] =	vst v8;
	v6 =	vld.idx.msk [tilespmem:v0+s17+$0x20 ss:$0x1], $0xffff;
	s17 =	sshra.s32 s19, $0x2;
	s19 =	sadd.s32 $0x200, s19  }
0x2f: {  	_ =	sdelay $0x2  }
0x30: {  	[tilespmem:s18+$0xFFFFFFD0] =	vst v5  }
0x31: {  	v56 =	vld.idx.msk [tilespmem:v0+s17+$0x30 ss:$0x1], $0xffff;
	[tilespmem:s18+$0xFFFFFFE0] =	vst v4  }
0x32: {  	v57 =	vld.idx.msk [tilespmem:v0+s17+$0xFFFFFFC0 ss:$0x1], $0xffff;
	[tilespmem:s18+$0xFFFFFFF0] =	vst v3  }
0x33: {  	v58 =	vld.idx.msk [tilespmem:v0+s17+$0xFFFFFFD0 ss:$0x1], $0xffff;
	[tilespmem:s18+$0x0] =	vst v1  }
0x34: {  	v59 =	vld.idx.msk [tilespmem:v0+s17+$0xFFFFFFE0 ss:$0x1], $0xffff;
	[tilespmem:s18+$0x10] =	vst v2  }
0x35: {  	v60 =	vld.idx.msk [tilespmem:v0+s17+$0xFFFFFFF0 ss:$0x1], $0xffff;
	s31 =	sadd.s32 $0x800, s18;
	[tilespmem:s18+$0x20] =	vst v6  }
0x36: {  	v61 =	vld.idx.msk [tilespmem:v0+s17+$0x0 ss:$0x1], $0xffff;
	[tilespmem:s31+$0x30] =	vst v56  }
0x37: {  	v62 =	vld.idx.msk [tilespmem:v0+s17+$0x10 ss:$0x1], $0xffff;
	s16 =	sadd.s32 $0x1, s16;
	[tilespmem:s31+$0xFFFFFFC0] =	vst v57  }
0x38: {  	v63 =	vld.idx.msk [tilespmem:v0+s17+$0x20 ss:$0x1], $0xffff;
	p0 =	sne.s32 s16, $0x10;
	[tilespmem:s31+$0xFFFFFFD0] =	vst v58  }
.Ltmp4:
0x39: {  	[tilespmem:s31+$0xFFFFFFE0] =	vst v59;
	(pc) =	sbr.rel @p0 .LBB1_3-.Ltmp4, $4  }
0x3a: {  	[tilespmem:s31+$0xFFFFFFF0] =	vst v60  }
0x3b: {  	[tilespmem:s31+$0x0] =	vst v61  }
0x3c: {  	[tilespmem:s31+$0x10] =	vst v62  }
0x3d: {  	s13 =	sadd.s32 $0x80, s13;
	s14 =	sadd.s32 $0x400, s14;
	[tilespmem:s31+$0x20] =	vst v63  }
.Ltmp5:
0x3e: {  	(pc) =	sbr.rel .LBB1_7-.Ltmp5, $4  }
0x3f: {  	_ = 	snop  }
0x40: {  	s12 =	sshll.u32 s12, $0xB  }
0x41: {  	s12 =	sadd.s32 s4, s12  }
0x42: {  	[hbm4b:s12+s8] =	stream.linear.scatter [tilespmem:s15], [sflag:$0x2], $0x4000, $0x38;
	[tilespmem:$0x10000] =	vst v63  }
.LBB1_8:
0x43: {  	_ =	sfence.sel $0x180000  }
0x44: {  	s2 =	simm.s32 $0x1;
	[bflag:$0x0] =	sbarrier.arrive $0xFFFF  }
0x45: {  	s31 =	simm.s32 $0x2;
	[sflag:s2] =	ssyncpa.u1 $0x1  }
0x46: {  	[sflag:s31] =	ssyncpa.u1 $0x1  }
0x47: {  	p0 =	sne.s32 s1, $0x0;
	_ =	strace $0x90000059  }
0x48: {  	s0 =	sadd.s32 @!p0 $0x100000, s0;
	[bflag:$0x2] =	sbarrier.arrive $0xFFFF  }
0x49: {  	[sflag:s0] =	ssyncadd.tile.s32 @!p0 $0x1;
	_ =	shalt  }
.Lfunc_end1:
_tile_overlayer_lowered:
.L_overlay_start_2:
0x4a: {  	(tag) =	ssettag $0x2  }
0x4b: {  	s0 =	rddreg [dreg:$0x0];
	s2 =	stileid.u32  }
0x4c: {  	s1 =	rddreg [dreg:$0x1];
	p0 =	sne.s32 s2, $0x0  }
0x4d: {  	s3 =	rddreg [dreg:$0x2];
	[bflag:$0x3] =	sbarrier.arrive $0xFFFF;
	s2 =	simm.s32 @!p0 $0x1C01  }
0x4e: {  	[timem:s3], [sflag:s2] =	dma.local @!p0 [hbm:s0], s1  }
0x4f: {  	s0 =	simm.s32 @!p0 $0x1  }
0x50: {  	_ =	swait.ge @!p0 [sflag:s0], s1  }
0x51: {  	s1 =	ssub.s32 @!p0 $0x0, s1;
	[sflag:s0] =	ssyncset.done @!p0 $0x0  }
0x52: {  	[sflag:s0] =	ssyncadd.s32 @!p0 s1  }
0x53: {  	[bflag:$0x3] =	sbarrier.arrive $0xFFFF  }
0x54: {  	_ =	shalt  }

// kernel: sparse-core-data-format-call.8.cloned.1.call-start
scs
called_computation.8_lowered:
.L_overlay_start_0:
0x0: {  	s2 =	sld [smem:$0x3FD9]  }
0x1: {  	s3 =	sld [smem:$0x3FFE];
	_ =	sdelay $0x1  }
0x2: {  	s1 =	srdreg.scid  }
0x3: {  	s0 =	sand.u32 $0x1, s1  }
0x4: {  	s18 =	sshll.u32 s0, $0xA;
	s2 =	sadd.s32 s3, s2  }
0x5: {  	s2 =	sadd.s32 s2, s18  }
0x6: {  	[smem:$0x3FC0] =	sst s2  }
0x7: {  	_ = 	snop  }
0x8: {  	s19 =	sld [smem:$0x3FC9];
	(tm) =	ssettm $0x1  }
0x9: {  	s20 =	sld [smem:$0x3FFB];
	_ =	sdelay $0x3  }
0xa: {  	_ =	strace s20  }
0xb: {  	s2 =	sld [smem:$0x3FFC];
	_ =	sdelay $0x3  }
0xc: {  	_ =	strace s2  }
0xd: {  	s2 =	sld [smem:$0x3FFD];
	_ =	sdelay $0x3  }
0xe: {  	_ =	strace s2  }
0xf: {  	_ =	strace $0x8FFFFFFF  }
0x10: {  	s21 =	sld [smem:$0x3FDB];
	_ =	sdelay $0x1  }
0x11: {  	s4 =	simm.s32 $_scs_section_size  }
0x12: {  	s5 =	simm.s32 $_size__tile_overlayer_lowered;
	s6 =	simm.s32 $_tile_overlayer_lowered  }
0x13: {  	s7 =	simm.s32 $0x1BFF;
	s22 =	sshll.u32 s6, $0x1;
	s4 =	sadd.s32 s4, s21  }
0x14: {  	s23 =	simm.s32 $0x0;
	s5 =	sshll.u32 s5, $0x1;
	s6 =	sadd.s32 s22, s4  }
0x15: {  	[timem:s23], [sflag:s7] =	dma.local [hbm:s6], s5  }
0x16: {  	_ =	swait.ge [sflag:s7], s5  }
0x17: {  	s5 =	ssub.s32 $0x0, s5;
	[sflag:s7] =	ssyncset.done $0x0  }
0x18: {  	[sflag:s7] =	ssyncadd.s32 s5;
	_ =	sdelay $0x1  }
0x19: {  	s24 =	simm.s32 $0x1B8B  }
0x1a: {  	_ =	swait.ge [sflag:s24], $0x1  }
0x1b: {  	[sflag:s24] =	ssyncset.done $0x0  }
0x1c: {  	[sflag:s24] =	ssyncadd.s32 $0xFFFFFFFF  }
0x1d: {  	s5 =	sld [smem:$0x0]  }
0x1e: {  	s6 =	sand.u32 $0xFFFFFFFE, s1  }
0x1f: {  	p0 =	sne.s32 s1, s6  }
0x20: {  	s6 =	sshll.u32 @p0 s6, $0xE  }
0x21: {  	s6 =	sadd.s32 @p0 $0x11B8D, s6;
	s7 =	sshll.u32 @p0 s5, $0x11  }
0x22: {  	s6 =	sor.u32 @p0 s7, s6  }
0x23: {  	[sflag:s6] =	ssyncadd.remote.s32 @p0 $0x1;
	_ =	sdelay $0x1  }
0x24: {  	s6 =	simm.s32 @p0 $0x1B8D  }
0x25: {  	_ =	swait.eq @p0 [sflag:s6], $0x1  }
0x26: {  	[sflag:s6] =	ssyncadd.s32 @p0 $0xFFFFFFFF  }
0x27: {  	s7 =	sshll.u32 @!p0 s1, $0xE  }
0x28: {  	s7 =	sor.u32 @!p0 $0x4000, s7;
	s6 =	simm.s32 @!p0 $0x1B8D  }
0x29: {  	s5 =	sshll.u32 @!p0 s5, $0x11;
	s7 =	sadd.s32 @!p0 $0x11B8D, s7;
	_ =	swait.eq @!p0 [sflag:s6], $0x1  }
0x2a: {  	s5 =	sor.u32 @!p0 s5, s7;
	[sflag:s6] =	ssyncadd.s32 @!p0 $0xFFFFFFFF  }
0x2b: {  	s26 =	simm.s32 $0x1B8E;
	s25 =	sld [smem:$0x3FFE];
	[sflag:s5] =	ssyncadd.remote.s32 @!p0 $0x1  }
0x2c: {  	s27 =	simm.s32 $execute0_lowered;
	[smem:$0x3FD2] =	sst s26  }
0x2d: {  	s6 =	sshll.u32 s27, $0x1;
	_ =	strace $0x80000055;
	[dreg:$0x1] =	wrdreg $0xFFFFFFFF  }
0x2e: {  	s28 =	simm.s32 $_size_execute0_lowered;
	s4 =	sadd.s32 s4, s6;
	[dreg:$0x0] =	wrdreg $0x0  }
0x2f: {  	s6 =	sshll.u32 s28, $0x1;
	[dreg:$0x2] =	wrdreg s4  }
0x30: {  	[dreg:$0x3] =	wrdreg s6  }
0x31: {  	[dreg:$0x4] =	wrdreg $0xC0  }
0x32: {  	_ =	task [dreg:s23], $0x5FFFF  }
0x33: {  	[dreg:$0x1] =	wrdreg $0xFFFFFFFF  }
0x34: {  	[dreg:$0x0] =	wrdreg $0x60  }
0x35: {  	[dreg:$0x2] =	wrdreg s19  }
0x36: {  	[dreg:$0x3] =	wrdreg s25  }
0x37: {  	[dreg:$0x4] =	wrdreg $0xB  }
0x38: {  	_ =	task.clear_ibuf [dreg:s23], $0x5FFFF;
	_ =	strace $0x90000055  }
0x39: {  	s29 =	simm.s32 $0xB;
	_ =	strace $0x80000057  }
0x3a: {  	_ =	swait.ge [sflag:s29], $0x1  }
0x3b: {  	[sflag:s29] =	ssyncadd.s32 $0xFFFFFFFF  }
0x3c: {  	_ =	strace $0x90000057  }
0x3d: {  	_ =	sfence  }
0x3e: {  	s30 =	sld [smem:$0x0];
	_ =	sdelay $0x2  }
0x3f: {  	s31 =	sshll.u32 s1, $0xD;
	s1 =	sshrl.u32 s1, $0x2  }
0x40: {  	s4 =	sand.u32 $0x4000, s31;
	s1 =	sadd.s32 s1, s30  }
0x41: {  	s0 =	sor.u32 s4, s0;
	s1 =	sshll.u32 s1, $0x11  }
0x42: {  	s0 =	sor.u32 s1, s0  }
0x43: {  	s0 =	sadd.s32 $0x8F2B, s0  }
0x44: {  	[sflag:s0] =	ssyncadd.remote.s32 $0x1  }
0x45: {  	_ =	sfence.sel $0xFFFF  }
0x46: {  	[dreg:$0x0] =	wrdreg $0xFFFFFFFF;
	(pc) =	sbr.abs _section_cstart, $3  }
0x47: {  	[dreg:$0x1] =	wrdreg $0xFFFFFFFF  }
0x48: {  	_ =	task.clear_ibuf [dreg:s23], $0x2FFFF;
	_ =	strace $0x9FFFFFFF  }
0x49: {  	(tm) =	ssettm $0x7FFFFFFF  }
tec
execute0_lowered:
.L_overlay_start_1:
0x0: {  	(tag) =	ssettag $0x1  }
0x1: {  	s2 =	rddreg [dreg:$0x0];
	s0 =	srdreg.scid  }
0x2: {  	s4 =	rddreg [dreg:$0x1];
	s1 =	stileid.u32;
	s5 =	simm.s32 $0x1  }
0x3: {  	s7 =	simm.s32 $0x2;
	s8 =	simm.s32 $0x0;
	s3 =	sshll.u32 s0, $0x4  }
.Ltmp0:
0x4: {  	s9 =	simm.s32 $0x0;
	s3 =	sand.u32 $0x10, s3;
	(pc) =	sbr.rel .LBB1_1-.Ltmp0, $4  }
0x5: {  	s12 =	simm.s32 $0x0;
	s11 =	simm.s32 $0x0;
	s3 =	sor.u32 s1, s3  }
0x6: {  	s0 =	rddreg [dreg:$0x2];
	_ =	strace $0x80000056;
	s6 =	ssub.s32 $0x221, s3  }
0x7: {  	s4 =	sadd.s32 $0x202800, s4;
	[sflag:s5] =	ssyncpa.u1 $0x0;
	s6 =	sshrl.u32 s6, $0x5  }
0x8: {  	[sflag:s7] =	ssyncpa.u1 $0x0;
	s10 =	smov.u32 s3;
	s7 =	sadd.s32 $0x1, s6  }
.LBB1_7:
0x9: {  	s14 =	sadd.s32 $0x20, s10  }
0xa: {  	p1 =	sgt.s32 s14, $0x201  }
0xb: {  	s14 =	smov.u32 @p1 s3;
	p1 =	sne.s32 s11, s7  }
.Ltmp1:
0xc: {  	p0 =	slt.u32 s11, $0x2;
	(pc) =	sbr.rel @!p1 .LBB1_8-.Ltmp1, $4  }
0xd: {  	s13 =	simm.s32 @!p0 $0x2  }
0xe: {  	s15 =	sadd.s32 $0x1, s11;
	_ =	swait.ge @!p0 [sflag:s13], $0x4000  }
0xf: {  	s12 =	smov.u32 s10;
	s9 =	sadd.s32 $0x4000, s9;
	[sflag:s13] =	ssyncset.done @!p0 $0x0  }
0x10: {  	s11 =	smov.u32 s15;
	s10 =	smov.u32 s14;
	[sflag:s13] =	ssyncadd.s32 @!p0 $0xFFFFC000  }
.LBB1_1:
0x11: {  	p0 =	sge.u32 s11, s6  }
0x12: {  	s13 =	sxor.u32 @!p0 $0xFFFFFFFF, s11  }
0x13: {  	s31 =	sadd.s32 $0xFFFFFFFF, s11;
	s14 =	sshll.u32 @!p0 s10, $0xB;
	s13 =	sshll.u32 @!p0 s13, $0xE  }
0x14: {  	s15 =	simm.s32 @!p0 $0x0;
	s14 =	sadd.s32 @!p0 s2, s14;
	s13 =	sand.u32 @!p0 $0x4000, s13  }
0x15: {  	[tilespmem:s13], [sflag:$0x1] =	stream.linear.gather @!p0 [hbm4b:s14+s15], $0x4000, $0x38;
	[tilespmem:$0x10000] =	vst v63  }
0x16: {  	p0 =	sge.u32 s31, s6  }
.Ltmp2:
0x17: {  	_ = 	snop;
	(pc) =	sbr.rel @p0 .LBB1_7-.Ltmp2, $1  }
0x18: {  	_ =	sdelay $0x3  }
0x19: {  	s14 =	sand.u32 $0x4000, s9  }
0x1a: {  	_ =	swait.ge [sflag:s5], $0x4000;
	s15 =	sshll.u32 s11, $0xE;
	s16 =	simm.s32 $0x0  }
0x1b: {  	s13 =	sor.u32 $0x8040, s14;
	[sflag:s5] =	ssyncset.done $0x0;
	s15 =	sand.u32 $0x4000, s15  }
0x1c: {  	s14 =	sor.u32 $0x40, s14;
	[sflag:s5] =	ssyncadd.s32 $0xFFFFC000;
	s15 =	sor.u32 $0x8000, s15  }
.LBB1_3:
0x1d: {  	v0 =	vmov s14;
	_ =	sdelay $0x3  }
0x1e: {  	s18 =	simm.s32 $0x0  }
0x1f: {  	v6 =	vld.idx.msk [tilespmem:v0+s18+$0x30 ss:$0x1], $0xffff  }
0x20: {  	v7 =	vld.idx.msk [tilespmem:v0+s18+$0xFFFFFFC0 ss:$0x1], $0xffff  }
0x21: {  	v5 =	vld.idx.msk [tilespmem:v0+s18+$0xFFFFFFD0 ss:$0x1], $0xffff  }
0x22: {  	v4 =	vld.idx.msk [tilespmem:v0+s18+$0xFFFFFFE0 ss:$0x1], $0xffff  }
0x23: {  	v3 =	vld.idx.msk [tilespmem:v0+s18+$0xFFFFFFF0 ss:$0x1], $0xffff  }
0x24: {  	v1 =	vld.idx.msk [tilespmem:v0+s18+$0x0 ss:$0x1], $0xffff  }
0x25: {  	v2 =	vld.idx.msk [tilespmem:v0+s18+$0x10 ss:$0x1], $0xffff;
	[tilespmem:s13+$0x30] =	vst v6  }
0x26: {  	s17 =	simm.s32 $0x80;
	s19 =	simm.s32 $0x400;
	[tilespmem:s13+$0xFFFFFFC0] =	vst v7;
	v6 =	vld.idx.msk [tilespmem:v0+s18+$0x20 ss:$0x1], $0xffff;
	s18 =	smov.u32 s13  }
.LBB1_4:
0x27: {  	p0 =	sne.s32 s19, $0xE00;
	v7 =	vld.idx.msk [tilespmem:v0+s17+$0x30 ss:$0x1], $0xffff;
	[tilespmem:s18+$0xFFFFFFD0] =	vst v5  }
0x28: {  	v8 =	vld.idx.msk [tilespmem:v0+s17+$0xFFFFFFC0 ss:$0x1], $0xffff;
	[tilespmem:s18+$0xFFFFFFE0] =	vst v4  }
0x29: {  	v5 =	vld.idx.msk [tilespmem:v0+s17+$0xFFFFFFD0 ss:$0x1], $0xffff;
	[tilespmem:s18+$0xFFFFFFF0] =	vst v3  }
.Ltmp3:
0x2a: {  	v4 =	vld.idx.msk [tilespmem:v0+s17+$0xFFFFFFE0 ss:$0x1], $0xffff;
	[tilespmem:s18+$0x0] =	vst v1;
	(pc) =	sbr.rel @p0 .LBB1_4-.Ltmp3, $4  }
0x2b: {  	v3 =	vld.idx.msk [tilespmem:v0+s17+$0xFFFFFFF0 ss:$0x1], $0xffff;
	[tilespmem:s18+$0x10] =	vst v2  }
0x2c: {  	v1 =	vld.idx.msk [tilespmem:v0+s17+$0x0 ss:$0x1], $0xffff;
	[tilespmem:s18+$0x20] =	vst v6;
	s18 =	sadd.s32 $0x800, s18  }
0x2d: {  	v2 =	vld.idx.msk [tilespmem:v0+s17+$0x10 ss:$0x1], $0xffff;
	[tilespmem:s18+$0x30] =	vst v7  }
0x2e: {  	[tilespmem:s18+$0xFFFFFFC0] =	vst v8;
	v6 =	vld.idx.msk [tilespmem:v0+s17+$0x20 ss:$0x1], $0xffff;
	s17 =	sshra.s32 s19, $0x2;
	s19 =	sadd.s32 $0x200, s19  }
0x2f: {  	_ =	sdelay $0x2  }
0x30: {  	[tilespmem:s18+$0xFFFFFFD0] =	vst v5  }
0x31: {  	v56 =	vld.idx.msk [tilespmem:v0+s17+$0x30 ss:$0x1], $0xffff;
	[tilespmem:s18+$0xFFFFFFE0] =	vst v4  }
0x32: {  	v57 =	vld.idx.msk [tilespmem:v0+s17+$0xFFFFFFC0 ss:$0x1], $0xffff;
	[tilespmem:s18+$0xFFFFFFF0] =	vst v3  }
0x33: {  	v58 =	vld.idx.msk [tilespmem:v0+s17+$0xFFFFFFD0 ss:$0x1], $0xffff;
	[tilespmem:s18+$0x0] =	vst v1  }
0x34: {  	v59 =	vld.idx.msk [tilespmem:v0+s17+$0xFFFFFFE0 ss:$0x1], $0xffff;
	[tilespmem:s18+$0x10] =	vst v2  }
0x35: {  	v60 =	vld.idx.msk [tilespmem:v0+s17+$0xFFFFFFF0 ss:$0x1], $0xffff;
	s31 =	sadd.s32 $0x800, s18;
	[tilespmem:s18+$0x20] =	vst v6  }
0x36: {  	v61 =	vld.idx.msk [tilespmem:v0+s17+$0x0 ss:$0x1], $0xffff;
	[tilespmem:s31+$0x30] =	vst v56  }
0x37: {  	v62 =	vld.idx.msk [tilespmem:v0+s17+$0x10 ss:$0x1], $0xffff;
	s16 =	sadd.s32 $0x1, s16;
	[tilespmem:s31+$0xFFFFFFC0] =	vst v57  }
0x38: {  	v63 =	vld.idx.msk [tilespmem:v0+s17+$0x20 ss:$0x1], $0xffff;
	p0 =	sne.s32 s16, $0x10;
	[tilespmem:s31+$0xFFFFFFD0] =	vst v58  }
.Ltmp4:
0x39: {  	[tilespmem:s31+$0xFFFFFFE0] =	vst v59;
	(pc) =	sbr.rel @p0 .LBB1_3-.Ltmp4, $4  }
0x3a: {  	[tilespmem:s31+$0xFFFFFFF0] =	vst v60  }
0x3b: {  	[tilespmem:s31+$0x0] =	vst v61  }
0x3c: {  	[tilespmem:s31+$0x10] =	vst v62  }
0x3d: {  	s13 =	sadd.s32 $0x80, s13;
	s14 =	sadd.s32 $0x400, s14;
	[tilespmem:s31+$0x20] =	vst v63  }
.Ltmp5:
0x3e: {  	(pc) =	sbr.rel .LBB1_7-.Ltmp5, $4  }
0x3f: {  	_ = 	snop  }
0x40: {  	s12 =	sshll.u32 s12, $0xB  }
0x41: {  	s12 =	sadd.s32 s4, s12  }
0x42: {  	[hbm4b:s12+s8] =	stream.linear.scatter [tilespmem:s15], [sflag:$0x2], $0x4000, $0x38;
	[tilespmem:$0x10000] =	vst v63  }
.LBB1_8:
0x43: {  	_ =	sfence.sel $0x180000  }
0x44: {  	s2 =	simm.s32 $0x1;
	[bflag:$0x0] =	sbarrier.arrive $0xFFFF  }
0x45: {  	s31 =	simm.s32 $0x2;
	[sflag:s2] =	ssyncpa.u1 $0x1  }
0x46: {  	[sflag:s31] =	ssyncpa.u1 $0x1  }
0x47: {  	p0 =	sne.s32 s1, $0x0;
	_ =	strace $0x90000056  }
0x48: {  	s0 =	sadd.s32 @!p0 $0x100000, s0;
	[bflag:$0x2] =	sbarrier.arrive $0xFFFF  }
0x49: {  	[sflag:s0] =	ssyncadd.tile.s32 @!p0 $0x1;
	_ =	shalt  }
.Lfunc_end1:
_tile_overlayer_lowered:
.L_overlay_start_2:
0x4a: {  	(tag) =	ssettag $0x2  }
0x4b: {  	s0 =	rddreg [dreg:$0x0];
	s2 =	stileid.u32  }
0x4c: {  	s1 =	rddreg [dreg:$0x1];
	p0 =	sne.s32 s2, $0x0  }
0x4d: {  	s3 =	rddreg [dreg:$0x2];
	[bflag:$0x3] =	sbarrier.arrive $0xFFFF;
	s2 =	simm.s32 @!p0 $0x1C01  }
0x4e: {  	[timem:s3], [sflag:s2] =	dma.local @!p0 [hbm:s0], s1  }
0x4f: {  	s0 =	simm.s32 @!p0 $0x1  }
0x50: {  	_ =	swait.ge @!p0 [sflag:s0], s1  }
0x51: {  	s1 =	ssub.s32 @!p0 $0x0, s1;
	[sflag:s0] =	ssyncset.done @!p0 $0x0  }
0x52: {  	[sflag:s0] =	ssyncadd.s32 @!p0 s1  }
0x53: {  	[bflag:$0x3] =	sbarrier.arrive $0xFFFF  }
0x54: {  	_ =	shalt  }

// kernel: sparse-core-data-format-call.cloned.1.call-start
scs
called_computation_lowered:
.L_overlay_start_0:
0x0: {  	s2 =	sld [smem:$0x3FD9]  }
0x1: {  	s3 =	sld [smem:$0x3FFE];
	_ =	sdelay $0x1  }
0x2: {  	s1 =	srdreg.scid  }
0x3: {  	s0 =	sand.u32 $0x1, s1  }
0x4: {  	s18 =	sshll.u32 s0, $0xA;
	s2 =	sadd.s32 s3, s2  }
0x5: {  	s2 =	sadd.s32 s2, s18  }
0x6: {  	[smem:$0x3FC0] =	sst s2  }
0x7: {  	_ = 	snop  }
0x8: {  	(tm) =	ssettm $0x1  }
0x9: {  	s19 =	sld [smem:$0x3FFB];
	_ =	sdelay $0x3  }
0xa: {  	_ =	strace s19  }
0xb: {  	s2 =	sld [smem:$0x3FFC];
	_ =	sdelay $0x3  }
0xc: {  	_ =	strace s2  }
0xd: {  	s2 =	sld [smem:$0x3FFD];
	_ =	sdelay $0x3  }
0xe: {  	_ =	strace s2  }
0xf: {  	_ =	strace $0x8FFFFFFF  }
0x10: {  	s20 =	sld [smem:$0x3FDB];
	_ =	sdelay $0x1  }
0x11: {  	s21 =	simm.s32 $_scs_section_size  }
0x12: {  	s4 =	simm.s32 $_size__tile_overlayer_lowered;
	s5 =	simm.s32 $_tile_overlayer_lowered  }
0x13: {  	s6 =	simm.s32 $0x1BFF;
	s22 =	sshll.u32 s5, $0x1;
	s3 =	sadd.s32 s21, s20  }
0x14: {  	s23 =	simm.s32 $0x0;
	s4 =	sshll.u32 s4, $0x1;
	s5 =	sadd.s32 s22, s3  }
0x15: {  	[timem:s23], [sflag:s6] =	dma.local [hbm:s5], s4  }
0x16: {  	_ =	swait.ge [sflag:s6], s4  }
0x17: {  	s4 =	ssub.s32 $0x0, s4;
	[sflag:s6] =	ssyncset.done $0x0  }
0x18: {  	[sflag:s6] =	ssyncadd.s32 s4;
	_ =	sdelay $0x1  }
0x19: {  	s24 =	simm.s32 $0x1B8B  }
0x1a: {  	_ =	swait.ge [sflag:s24], $0x1  }
0x1b: {  	[sflag:s24] =	ssyncset.done $0x0  }
0x1c: {  	[sflag:s24] =	ssyncadd.s32 $0xFFFFFFFF  }
0x1d: {  	s4 =	sld [smem:$0x0]  }
0x1e: {  	s5 =	sand.u32 $0xFFFFFFFE, s1  }
0x1f: {  	p0 =	sne.s32 s1, s5  }
0x20: {  	s5 =	sshll.u32 @p0 s5, $0xE  }
0x21: {  	s5 =	sadd.s32 @p0 $0x11B8D, s5;
	s6 =	sshll.u32 @p0 s4, $0x11  }
0x22: {  	s5 =	sor.u32 @p0 s6, s5  }
0x23: {  	[sflag:s5] =	ssyncadd.remote.s32 @p0 $0x1;
	_ =	sdelay $0x1  }
0x24: {  	s5 =	simm.s32 @p0 $0x1B8D  }
0x25: {  	_ =	swait.eq @p0 [sflag:s5], $0x1  }
0x26: {  	[sflag:s5] =	ssyncadd.s32 @p0 $0xFFFFFFFF  }
0x27: {  	s6 =	sshll.u32 @!p0 s1, $0xE  }
0x28: {  	s6 =	sor.u32 @!p0 $0x4000, s6;
	s5 =	simm.s32 @!p0 $0x1B8D  }
0x29: {  	s4 =	sshll.u32 @!p0 s4, $0x11;
	s6 =	sadd.s32 @!p0 $0x11B8D, s6;
	_ =	swait.eq @!p0 [sflag:s5], $0x1  }
0x2a: {  	s4 =	sor.u32 @!p0 s4, s6;
	[sflag:s5] =	ssyncadd.s32 @!p0 $0xFFFFFFFF  }
0x2b: {  	s26 =	simm.s32 $0x1B8E;
	s25 =	sld [smem:$0x3FFE];
	[sflag:s4] =	ssyncadd.remote.s32 @!p0 $0x1  }
0x2c: {  	s27 =	simm.s32 $execute0_lowered;
	[smem:$0x3FD2] =	sst s26  }
0x2d: {  	s5 =	sshll.u32 s27, $0x1;
	_ =	strace $0x8000005E;
	[dreg:$0x1] =	wrdreg $0xFFFFFFFF  }
0x2e: {  	s28 =	simm.s32 $_size_execute0_lowered;
	s3 =	sadd.s32 s3, s5;
	[dreg:$0x0] =	wrdreg $0x0  }
0x2f: {  	s5 =	sshll.u32 s28, $0x1;
	[dreg:$0x2] =	wrdreg s3  }
0x30: {  	[dreg:$0x3] =	wrdreg s5  }
0x31: {  	[dreg:$0x4] =	wrdreg $0xC0  }
0x32: {  	_ =	task [dreg:s23], $0x5FFFF  }
0x33: {  	[dreg:$0x1] =	wrdreg $0xFFFFFFFF  }
0x34: {  	[dreg:$0x0] =	wrdreg $0x60  }
0x35: {  	[dreg:$0x2] =	wrdreg s25  }
0x36: {  	[dreg:$0x3] =	wrdreg $0xC  }
0x37: {  	_ =	task.clear_ibuf [dreg:s23], $0x4FFFF;
	_ =	strace $0x9000005E  }
0x38: {  	s29 =	simm.s32 $0xC;
	_ =	strace $0x80000060  }
0x39: {  	_ =	swait.ge [sflag:s29], $0x1  }
0x3a: {  	[sflag:s29] =	ssyncadd.s32 $0xFFFFFFFF  }
0x3b: {  	_ =	strace $0x90000060  }
0x3c: {  	_ =	sfence  }
0x3d: {  	s30 =	sld [smem:$0x0];
	_ =	sdelay $0x2  }
0x3e: {  	s31 =	sshll.u32 s1, $0xD;
	s1 =	sshrl.u32 s1, $0x2  }
0x3f: {  	s4 =	sand.u32 $0x4000, s31;
	s1 =	sadd.s32 s1, s30  }
0x40: {  	s0 =	sor.u32 s4, s0;
	s1 =	sshll.u32 s1, $0x11  }
0x41: {  	s0 =	sor.u32 s1, s0  }
0x42: {  	s0 =	sadd.s32 $0x8F2B, s0  }
0x43: {  	[sflag:s0] =	ssyncadd.remote.s32 $0x1  }
0x44: {  	_ =	sfence.sel $0xFFFF  }
0x45: {  	[dreg:$0x0] =	wrdreg $0xFFFFFFFF;
	(pc) =	sbr.abs _section_cstart, $3  }
0x46: {  	[dreg:$0x1] =	wrdreg $0xFFFFFFFF  }
0x47: {  	_ =	task.clear_ibuf [dreg:s23], $0x2FFFF;
	_ =	strace $0x9FFFFFFF  }
0x48: {  	(tm) =	ssettm $0x7FFFFFFF  }
0x49: {  	_ =	shalt  }
tec
execute0_lowered:
.L_overlay_start_1:
0x0: {  	(tag) =	ssettag $0x1  }
0x1: {  	s1 =	rddreg [dreg:$0x0]  }
0x2: {  	s0 =	rddreg [dreg:$0x1]  }
0x3: {  	_ =	strace $0x8000005F;
	s4 =	srdreg.scid;
	s6 =	simm.s32 $0x2  }
.Ltmp0:
0x4: {  	p0 =	por $0x0, $0x0;
	s9 =	simm.s32 $0x0;
	(pc) =	sbr.rel .LBB1_1-.Ltmp0, $4  }
0x5: {  	s2 =	sadd.s32 $0x102800, s1;
	s3 =	sadd.s32 $0x2800, s1;
	s5 =	sshll.u32 s4, $0x4  }
0x6: {  	s1 =	stileid.u32;
	s4 =	simm.s32 $0x1;
	s5 =	sand.u32 $0x10, s5  }
0x7: {  	s7 =	simm.s32 $0x0;
	[sflag:s4] =	ssyncpa.u1 $0x0;
	s5 =	sor.u32 s1, s5  }
0x8: {  	[sflag:s6] =	ssyncpa.u1 $0x0;
	s6 =	simm.s32 $0x0;
	s8 =	smov.u32 s5  }
.LBB1_7:
0x9: {  	s11 =	sadd.s32 $0x20, s8  }
0xa: {  	p1 =	slt.u32 s7, $0x2;
	s7 =	sadd.s32 $0x1, s7;
	p2 =	sgt.s32 s11, $0x1FF  }
0xb: {  	s11 =	smov.u32 @p2 s5;
	p2 =	sne.s32 s7, $0x12  }
.Ltmp1:
0xc: {  	_ = 	snop;
	(pc) =	sbr.rel @!p2 .LBB1_8-.Ltmp1, $4  }
0xd: {  	s10 =	simm.s32 @!p1 $0x2  }
0xe: {  	_ =	swait.ge @!p1 [sflag:s10], $0x4000  }
0xf: {  	s9 =	smov.u32 s8;
	[sflag:s10] =	ssyncset.done @!p1 $0x0  }
0x10: {  	p0 =	por !p0, !p0;
	s8 =	smov.u32 s11;
	[sflag:s10] =	ssyncadd.s32 @!p1 $0xFFFFC000  }
.LBB1_1:
0x11: {  	p1 =	sgt.u32 s7, $0xF  }
0x12: {  	s10 =	sxor.u32 @!p1 $0xFFFFFFFF, s7  }
0x13: {  	s11 =	sshll.u32 @!p1 s8, $0xB;
	s10 =	sshll.u32 @!p1 s10, $0xE  }
0x14: {  	s12 =	simm.s32 @!p1 $0x0;
	s11 =	sadd.s32 @!p1 s2, s11;
	s10 =	sand.u32 @!p1 $0x4000, s10  }
0x15: {  	[tilespmem:s10], [sflag:$0x1] =	stream.linear.gather @!p1 [hbm4b:s11+s12], $0x4000, $0x38;
	[tilespmem:$0x10000] =	vst v63  }
0x16: {  	p1 =	seq.s32 s7, $0x0  }
0x17: {  	p2 =	seq.s32 @!p1 s7, $0x11  }
0x18: {  	p1 =	por p1, p2  }
.Ltmp2:
0x19: {  	_ = 	snop;
	(pc) =	sbr.rel @p1 .LBB1_7-.Ltmp2, $1  }
0x1a: {  	_ =	sdelay $0x3  }
0x1b: {  	s10 =	simm.s32 $0x1;
	_ =	swait.ge [sflag:s4], $0x4000;
	s12 =	sshll.u32 s7, $0xE  }
0x1c: {  	s13 =	simm.s32 $0x0;
	s10 =	simm.s32 @!p0 $0x0;
	[sflag:s4] =	ssyncset.done $0x0  }
0x1d: {  	s12 =	sand.u32 $0x4000, s12;
	s11 =	sshll.u32 s10, $0xE;
	[sflag:s4] =	ssyncadd.s32 $0xFFFFC000  }
0x1e: {  	s12 =	sor.u32 $0x8000, s12;
	s10 =	sor.u32 $0x8040, s11;
	s11 =	sor.u32 $0x40, s11  }
.LBB1_3:
0x1f: {  	v0 =	vmov s11;
	_ =	sdelay $0x3  }
0x20: {  	s15 =	simm.s32 $0x0  }
0x21: {  	v6 =	vld.idx.msk [tilespmem:v0+s15+$0x30 ss:$0x1], $0xffff  }
0x22: {  	v7 =	vld.idx.msk [tilespmem:v0+s15+$0xFFFFFFC0 ss:$0x1], $0xffff  }
0x23: {  	v5 =	vld.idx.msk [tilespmem:v0+s15+$0xFFFFFFD0 ss:$0x1], $0xffff  }
0x24: {  	v4 =	vld.idx.msk [tilespmem:v0+s15+$0xFFFFFFE0 ss:$0x1], $0xffff  }
0x25: {  	v3 =	vld.idx.msk [tilespmem:v0+s15+$0xFFFFFFF0 ss:$0x1], $0xffff  }
0x26: {  	v1 =	vld.idx.msk [tilespmem:v0+s15+$0x0 ss:$0x1], $0xffff  }
0x27: {  	v2 =	vld.idx.msk [tilespmem:v0+s15+$0x10 ss:$0x1], $0xffff;
	[tilespmem:s10+$0x30] =	vst v6  }
0x28: {  	s14 =	simm.s32 $0x80;
	s16 =	simm.s32 $0x400;
	[tilespmem:s10+$0xFFFFFFC0] =	vst v7;
	v6 =	vld.idx.msk [tilespmem:v0+s15+$0x20 ss:$0x1], $0xffff;
	s15 =	smov.u32 s10  }
.LBB1_4:
0x29: {  	p1 =	sne.s32 s16, $0x1E00;
	v7 =	vld.idx.msk [tilespmem:v0+s14+$0x30 ss:$0x1], $0xffff;
	[tilespmem:s15+$0xFFFFFFD0] =	vst v5  }
0x2a: {  	v8 =	vld.idx.msk [tilespmem:v0+s14+$0xFFFFFFC0 ss:$0x1], $0xffff;
	[tilespmem:s15+$0xFFFFFFE0] =	vst v4  }
0x2b: {  	v5 =	vld.idx.msk [tilespmem:v0+s14+$0xFFFFFFD0 ss:$0x1], $0xffff;
	[tilespmem:s15+$0xFFFFFFF0] =	vst v3  }
.Ltmp3:
0x2c: {  	v4 =	vld.idx.msk [tilespmem:v0+s14+$0xFFFFFFE0 ss:$0x1], $0xffff;
	[tilespmem:s15+$0x0] =	vst v1;
	(pc) =	sbr.rel @p1 .LBB1_4-.Ltmp3, $4  }
0x2d: {  	v3 =	vld.idx.msk [tilespmem:v0+s14+$0xFFFFFFF0 ss:$0x1], $0xffff;
	[tilespmem:s15+$0x10] =	vst v2  }
0x2e: {  	v1 =	vld.idx.msk [tilespmem:v0+s14+$0x0 ss:$0x1], $0xffff;
	[tilespmem:s15+$0x20] =	vst v6;
	s15 =	sadd.s32 $0x400, s15  }
0x2f: {  	v2 =	vld.idx.msk [tilespmem:v0+s14+$0x10 ss:$0x1], $0xffff;
	[tilespmem:s15+$0x30] =	vst v7  }
0x30: {  	[tilespmem:s15+$0xFFFFFFC0] =	vst v8;
	v6 =	vld.idx.msk [tilespmem:v0+s14+$0x20 ss:$0x1], $0xffff;
	s14 =	sshra.s32 s16, $0x2;
	s16 =	sadd.s32 $0x200, s16  }
0x31: {  	_ =	sdelay $0x2  }
0x32: {  	[tilespmem:s15+$0xFFFFFFD0] =	vst v5  }
0x33: {  	v56 =	vld.idx.msk [tilespmem:v0+s14+$0x30 ss:$0x1], $0xffff;
	[tilespmem:s15+$0xFFFFFFE0] =	vst v4  }
0x34: {  	v57 =	vld.idx.msk [tilespmem:v0+s14+$0xFFFFFFC0 ss:$0x1], $0xffff;
	[tilespmem:s15+$0xFFFFFFF0] =	vst v3  }
0x35: {  	v58 =	vld.idx.msk [tilespmem:v0+s14+$0xFFFFFFD0 ss:$0x1], $0xffff;
	[tilespmem:s15+$0x0] =	vst v1  }
0x36: {  	v59 =	vld.idx.msk [tilespmem:v0+s14+$0xFFFFFFE0 ss:$0x1], $0xffff;
	[tilespmem:s15+$0x10] =	vst v2  }
0x37: {  	v60 =	vld.idx.msk [tilespmem:v0+s14+$0xFFFFFFF0 ss:$0x1], $0xffff;
	s31 =	sadd.s32 $0x400, s15;
	[tilespmem:s15+$0x20] =	vst v6  }
0x38: {  	v61 =	vld.idx.msk [tilespmem:v0+s14+$0x0 ss:$0x1], $0xffff;
	[tilespmem:s31+$0x30] =	vst v56  }
0x39: {  	v62 =	vld.idx.msk [tilespmem:v0+s14+$0x10 ss:$0x1], $0xffff;
	s13 =	sadd.s32 $0x1, s13;
	[tilespmem:s31+$0xFFFFFFC0] =	vst v57  }
0x3a: {  	v63 =	vld.idx.msk [tilespmem:v0+s14+$0x20 ss:$0x1], $0xffff;
	p1 =	sne.s32 s13, $0x8;
	[tilespmem:s31+$0xFFFFFFD0] =	vst v58  }
.Ltmp4:
0x3b: {  	[tilespmem:s31+$0xFFFFFFE0] =	vst v59;
	(pc) =	sbr.rel @p1 .LBB1_3-.Ltmp4, $4  }
0x3c: {  	[tilespmem:s31+$0xFFFFFFF0] =	vst v60  }
0x3d: {  	[tilespmem:s31+$0x0] =	vst v61  }
0x3e: {  	[tilespmem:s31+$0x10] =	vst v62  }
0x3f: {  	s10 =	sadd.s32 $0x80, s10;
	s11 =	sadd.s32 $0x800, s11;
	[tilespmem:s31+$0x20] =	vst v63  }
.Ltmp5:
0x40: {  	(pc) =	sbr.rel .LBB1_7-.Ltmp5, $4  }
0x41: {  	_ = 	snop  }
0x42: {  	s9 =	sshll.u32 s9, $0xB  }
0x43: {  	s9 =	sadd.s32 s3, s9  }
0x44: {  	[hbm4b:s9+s6] =	stream.linear.scatter [tilespmem:s12], [sflag:$0x2], $0x4000, $0x38;
	[tilespmem:$0x10000] =	vst v63  }
.LBB1_8:
0x45: {  	_ =	sfence.sel $0x180000  }
0x46: {  	s2 =	simm.s32 $0x1;
	[bflag:$0x0] =	sbarrier.arrive $0xFFFF  }
0x47: {  	s31 =	simm.s32 $0x2;
	[sflag:s2] =	ssyncpa.u1 $0x1  }
0x48: {  	[sflag:s31] =	ssyncpa.u1 $0x1  }
0x49: {  	p0 =	sne.s32 s1, $0x0;
	_ =	strace $0x9000005F  }
0x4a: {  	s0 =	sadd.s32 @!p0 $0x100000, s0;
	[bflag:$0x2] =	sbarrier.arrive $0xFFFF  }
0x4b: {  	[sflag:s0] =	ssyncadd.tile.s32 @!p0 $0x1;
	_ =	shalt  }
.Lfunc_end1:
_tile_overlayer_lowered:
.L_overlay_start_2:
0x4c: {  	(tag) =	ssettag $0x2  }
0x4d: {  	s0 =	rddreg [dreg:$0x0];
	s2 =	stileid.u32  }
0x4e: {  	s1 =	rddreg [dreg:$0x1];
	p0 =	sne.s32 s2, $0x0  }
0x4f: {  	s3 =	rddreg [dreg:$0x2];
	[bflag:$0x3] =	sbarrier.arrive $0xFFFF;
	s2 =	simm.s32 @!p0 $0x1C01  }
0x50: {  	[timem:s3], [sflag:s2] =	dma.local @!p0 [hbm:s0], s1  }
0x51: {  	s0 =	simm.s32 @!p0 $0x1  }
0x52: {  	_ =	swait.ge @!p0 [sflag:s0], s1  }
0x53: {  	s1 =	ssub.s32 @!p0 $0x0, s1;
	[sflag:s0] =	ssyncset.done @!p0 $0x0  }
0x54: {  	[sflag:s0] =	ssyncadd.s32 @!p0 s1  }
0x55: {  	[bflag:$0x3] =	sbarrier.arrive $0xFFFF  }
0x56: {  	_ =	shalt  }

</sc_bundles>
